<compile_context>
chip_gen: v7x
topology: tpu7x:2x2x1
jax: 0.10.2.dev20260603
libtpu: 0.0.44.dev20260713+nightly
codegen_flags: <defaults>
</compile_context>

<pallas_src>
import jax
import jax.numpy as jnp
import numpy as np
from jax import lax
from jax.experimental import pallas as pl
from jax.experimental.pallas import tpu as pltpu
from jax.experimental.pallas import tpu_sc as plsc

NSAMPLE = 16
RAD2 = np.float32(0.2 ** 2)
LANES = 8192


def _sc_index_body(pos1_hbm, pos2_hbm, fac_hbm, idxc_hbm,
                   qv, p1c, p2c, facv, acc):
    nq = qv.shape[1]
    wid = lax.axis_index("s") * 2 + lax.axis_index("c")
    b = wid // 8
    i0 = (wid % 8) * nq
    pltpu.sync_copy(pos1_hbm.at[b, :, pl.ds(i0, nq)], qv)
    pltpu.sync_copy(pos1_hbm.at[b, :, pl.ds(0, 128)], p1c)
    pltpu.sync_copy(pos2_hbm.at[b, :, pl.ds(0, 128)], p2c)
    pltpu.sync_copy(fac_hbm, facv)

    iota = lax.iota(jnp.int32, 16)
    fvec = facv[pl.ds(0, 16)]
    sent = jnp.full((16,), NSAMPLE, dtype=jnp.int32)

    def rne_bf16(x):
        u = lax.bitcast_convert_type(x, jnp.int32)
        u2 = u + jnp.int32(0x7FFF) + \
            jnp.bitwise_and(lax.shift_right_logical(u, 16), jnp.int32(1))
        return lax.bitcast_convert_type(
            jnp.bitwise_and(u2, jnp.int32(-65536)), jnp.float32)

    c1v = [p1c[c, pl.ds(0, 16)] for c in range(3)]
    c2v = [p2c[c, pl.ds(0, 16)] for c in range(3)]
    pp1 = (c1v[0] * c1v[0] + c1v[1] * c1v[1]) + c1v[2] * c1v[2]
    pp2 = (c2v[0] * c2v[0] + c2v[1] * c2v[1]) + c2v[2] * c2v[2]
    c1v = [rne_bf16(v) for v in c1v]
    c2v = [rne_bf16(v) for v in c2v]

    def ball_pass(qx, qy, qz, qq, cv, pp, col_off, col_lim, rows, val_off):
        rank = jnp.zeros((16,), jnp.int32)
        kmin = sent
        for j in range(16):
            m = (qx * cv[0][j] + qy * cv[1][j]) + qz * cv[2][j]
            d = (-2.0 * m + qq) + pp[j]
            inball = jnp.logical_not(d > RAD2)
            jvec = jnp.full((16,), j, jnp.int32)
            kmin = jnp.minimum(kmin, jnp.where(inball, jvec, sent))
            cols = rank + col_off
            ok = jnp.logical_and(inball, cols < col_lim)
            plsc.store_scatter(acc, [cols * nq + rows],
                               jnp.full((16,), j + val_off, jnp.int32),
                               mask=ok)
            rank = rank + inball.astype(jnp.int32)
        return rank, kmin

    def qloop(g, carry):
        qb = g * 16
        qx = qv[0, pl.ds(qb, 16)]
        qy = qv[1, pl.ds(qb, 16)]
        qz = qv[2, pl.ds(qb, 16)]
        qq = (qx * qx + qy * qy) + qz * qz
        qx, qy, qz = rne_bf16(qx), rne_bf16(qy), rne_bf16(qz)
        rows = iota + qb
        rank1, kmin1 = ball_pass(qx, qy, qz, qq, c1v, pp1,
                                 jnp.zeros((16,), jnp.int32), fvec, rows, 0)
        rank2, kmin2 = ball_pass(qx, qy, qz, qq, c2v, pp2,
                                 fvec, sent, rows, 17)
        g1 = kmin1
        g2 = kmin2 + 17
        for c in range(16):
            cful = jnp.full((16,), c, jnp.int32)
            is1 = cful < fvec
            fill = jnp.where(is1, rank1 <= cful, rank2 <= cful - fvec)
            val = jnp.where(is1, g1, g2)
            plsc.store_scatter(acc, [cful * nq + rows], val, mask=fill)
        return carry

    lax.fori_loop(0, nq // 16, qloop, 0)
    for c in range(16):
        pltpu.sync_copy(acc.at[pl.ds(c * nq, nq)],
                        idxc_hbm.at[b, c, pl.ds(i0, nq)])


def _tc_group_body(idx_ref, ca_ref, of_ref, op_ref):
    kk, nbl = idx_ref.shape[1], idx_ref.shape[2]
    lanes = kk * nbl
    idxl = idx_ref[0].reshape(1, lanes)
    iota2 = lax.broadcasted_iota(jnp.int32, (40, lanes), 0)
    oh = (iota2 == idxl).astype(jnp.float32)
    dims = (((1,), (0,)), ((), ()))
    ra = lax.dot_general(ca_ref[0], oh, dims,
                         precision=lax.Precision.HIGHEST,
                         preferred_element_type=jnp.float32)
    nf = of_ref.shape[1]
    of_ref[0] = ra[:nf].reshape(nf, kk, nbl)
    op_ref[0] = ra[nf:nf + 3].reshape(3, kk, nbl)


def kernel(pos1, pos2, feats1, feats2, factor):
    B, C, N = feats1.shape
    K = NSAMPLE
    nq = (B * N) // 32
    facv = jnp.full((128,), factor, dtype=jnp.int32)

    sc_idx = pl.kernel(
        _sc_index_body,
        out_type=jax.ShapeDtypeStruct((B, K, N), jnp.int32),
        mesh=plsc.VectorSubcoreMesh(core_axis_name="c", subcore_axis_name="s"),
        compiler_params=pltpu.CompilerParams(needs_layout_passes=False,
                                             use_tc_tiling_on_sc=True),
        scratch_types=[
            pltpu.VMEM((3, nq), jnp.float32),
            pltpu.VMEM((3, 128), jnp.float32),
            pltpu.VMEM((3, 128), jnp.float32),
            pltpu.VMEM((128,), jnp.int32),
            pltpu.VMEM((nq * 16,), jnp.int32),
        ],
    )
    idxc = sc_idx(pos1, pos2, facv)

    zf = jnp.zeros((B, C, 40 - 34), jnp.float32)
    zp = jnp.zeros((B, 3, 40 - 34), jnp.float32)
    cand_f = jnp.concatenate(
        [feats1[:, :, :17], feats2[:, :, :17], zf], axis=2)
    cand_p = jnp.concatenate(
        [pos1[:, :, :17], pos2[:, :, :17], zp], axis=2)
    cand_a = jnp.concatenate([cand_f, cand_p], axis=1)

    nbl = LANES // K
    nblk = N // nbl
    out_f, out_p = pl.pallas_call(
        _tc_group_body,
        grid=(B, nblk),
        in_specs=[
            pl.BlockSpec((1, K, nbl), lambda b, j: (b, 0, j)),
            pl.BlockSpec((1, C + 3, 40), lambda b, j: (b, 0, 0)),
        ],
        out_specs=[
            pl.BlockSpec((1, C, K, nbl), lambda b, j: (b, 0, 0, j)),
            pl.BlockSpec((1, 3, K, nbl), lambda b, j: (b, 0, 0, j)),
        ],
        out_shape=[
            jax.ShapeDtypeStruct((B, C, K, N), jnp.float32),
            jax.ShapeDtypeStruct((B, 3, K, N), jnp.float32),
        ],
    )(idxc, cand_a)

    new_pos1 = jnp.transpose(out_p, (0, 1, 3, 2))
    new_feats1 = jnp.transpose(out_f, (0, 1, 3, 2))
    return (new_pos1, new_feats1)

# --- scband reference (transcript-rebuilt; emitter-appended) ---
"""Pipeline reference for scband-mix-9354438770917 (READ-ONLY COPY).

The authoritative reference and input builder live on the scoring server;
editing this copy changes nothing except your own understanding.
"""

import jax, jax.numpy as jnp
import numpy as np

NSAMPLE = 16
RADIUS = 0.2
USE_MIX = True


def square_distance(src, dst):
    dist = -2.0 * jnp.matmul(src, jnp.transpose(dst, (0, 2, 1)))
    dist = dist + jnp.sum(src ** 2, -1)[:, :, None]
    dist = dist + jnp.sum(dst ** 2, -1)[:, None, :]
    return dist


def query_ball_point(radius, nsample, xyz, new_xyz):
    B, N, C = xyz.shape
    S = new_xyz.shape[1]
    group_idx = jnp.broadcast_to(jnp.arange(N, dtype=jnp.int32)[None, None, :], (B, S, N))
    sqrdists = square_distance(new_xyz, xyz)
    group_idx = jnp.where(sqrdists > radius ** 2, jnp.int32(nsample), group_idx)
    group_idx = jnp.sort(group_idx, axis=-1)[:, :, :nsample]
    group_first = jnp.broadcast_to(group_idx[:, :, 0:1], (B, S, nsample))
    mask = group_idx == nsample
    cnt = mask.sum(axis=-1)
    group_idx = jnp.where(mask, group_first, group_idx)
    return group_idx, cnt


def grouping_operation(points, idx):
    # points: [B, C, N], idx: [B, S, K] -> [B, C, S, K]
    B, C, N = points.shape
    _, S, K = idx.shape
    idx_b = jnp.broadcast_to(idx.reshape(B, 1, S * K), (B, C, S * K))
    out = jnp.take_along_axis(points, idx_b, axis=2)
    return out.reshape(B, C, S, K)


def setup_inputs(seed: int = 0):
    key = jax.random.key(seed)
    k1, k2, k3, k4 = jax.random.split(key, 4)
    B, N, C = 4, 4096, 64
    return {
        "pos1": jax.random.uniform(k1, (B, 3, N), dtype=jnp.float32),
        "pos2": jax.random.uniform(k2, (B, 3, N), dtype=jnp.float32),
        "feats1": jax.random.normal(k3, (B, C, N), dtype=jnp.float32),
        "feats2": jax.random.normal(k4, (B, C, N), dtype=jnp.float32),
        "factor": 8,
    }


def reference(pos1, pos2, feats1, feats2, factor):
    nsample = NSAMPLE
    radius = RADIUS
    pos1_t = jnp.transpose(pos1, (0, 2, 1))
    pos2_t = jnp.transpose(pos2, (0, 2, 1))
    idx_intra, _ = query_ball_point(radius, nsample, pos2_t, pos1_t)
    idx, _ = query_ball_point(radius, nsample, pos1_t, pos1_t)
    pos2_grouped = grouping_operation(pos2, idx_intra)
    pos1_grouped = grouping_operation(pos1, idx)
    feats2_grouped = grouping_operation(feats2, idx_intra)
    if USE_MIX:
        feats1_grouped = grouping_operation(feats1, idx)
    k_idx = jnp.arange(nsample)
    sel = k_idx < factor
    shift_idx = jnp.clip(k_idx - factor, 0, nsample - 1).reshape(1, 1, 1, nsample)
    new_pos1 = jnp.where(sel, pos1_grouped, jnp.take_along_axis(pos2_grouped, shift_idx, axis=-1))
    if USE_MIX:
        new_feats1 = jnp.where(sel, feats1_grouped, jnp.take_along_axis(feats2_grouped, shift_idx, axis=-1))
    else:
        new_feats1 = feats2_grouped
    return (new_pos1, new_feats1)

if __name__ == "__main__":
    import jax
    _d = setup_inputs()
    print(jax.jit(kernel)(*tuple(_d.values())))

</pallas_src>

<mosaic_0001>
#map = affine_map<(d0, d1) -> (0, 0, 0)>
#map1 = affine_map<(d0, d1) -> (0)>
module attributes {stable_mosaic.version = 14 : i64} {
  func.func @_sc_index_body(%arg0: i32, %arg1: i32, %arg2: memref<4x3x4096xf32, #tpu.memory_space<hbm>>, %arg3: memref<4x3x4096xf32, #tpu.memory_space<hbm>>, %arg4: memref<128xi32, #tpu.memory_space<hbm>>, %arg5: memref<4x16x4096xi32, #tpu.memory_space<hbm>>, %arg6: memref<3x512xf32, #tpu.memory_space<vmem>>, %arg7: memref<3x128xf32, #tpu.memory_space<vmem>>, %arg8: memref<3x128xf32, #tpu.memory_space<vmem>>, %arg9: memref<128xi32, #tpu.memory_space<vmem>>, %arg10: memref<8192xi32, #tpu.memory_space<vmem>>) attributes {dimension_semantics = [#tpu.dimension_semantics<core_parallel>, #tpu.dimension_semantics<subcore_parallel>], iteration_bounds = array<i64: 2, 16>, scalar_prefetch = 0 : i64, scratch_operands = 5 : i64, tpu.core_type = #tpu.core_type<sc_vector_subcore>, window_params = [{transform_indices = #map}, {transform_indices = #map}, {transform_indices = #map1}, {transform_indices = #map}]} {
    %mul3A = arith.constant 2 : i32
    %mul3A_0 = arith.muli %arg1, %mul3A : i32
    %add3A = arith.addi %mul3A_0, %arg0 : i32
    %jit3A = arith.constant 8 : i32
    %div3A = arith.divsi %add3A, %jit3A : i32
    %sign3A = arith.constant 0 : i32
    %sign3A_1 = arith.cmpi sgt, %add3A, %sign3A : i32
    %sign3A_2 = arith.extui %sign3A_1 : i1 to i32
    %sign3A_3 = arith.constant 0 : i32
    %sign3A_4 = arith.cmpi slt, %add3A, %sign3A_3 : i32
    %sign3A_5 = arith.extui %sign3A_4 : i1 to i32
    %sign3A_6 = arith.subi %sign3A_2, %sign3A_5 : i32
    %sign3A_7 = arith.constant 0 : i32
    %sign3A_8 = arith.cmpi sgt, %jit3A, %sign3A_7 : i32
    %sign3A_9 = arith.extui %sign3A_8 : i1 to i32
    %sign3A_10 = arith.constant 0 : i32
    %sign3A_11 = arith.cmpi slt, %jit3A, %sign3A_10 : i32
    %sign3A_12 = arith.extui %sign3A_11 : i1 to i32
    %sign3A_13 = arith.subi %sign3A_9, %sign3A_12 : i32
    %ne3A = arith.cmpi ne, %sign3A_6, %sign3A_13 : i32
    %rem3A = arith.remsi %add3A, %jit3A : i32
    %ne3A_14 = arith.constant 0 : i32
    %ne3A_15 = arith.cmpi ne, %rem3A, %ne3A_14 : i32
    %and3A = arith.andi %ne3A, %ne3A_15 : i1
    %sub3A = arith.constant 1 : i32
    %sub3A_16 = arith.subi %div3A, %sub3A : i32
    %select_n3A = arith.select %and3A, %sub3A_16, %div3A : i32
    %jit3A_17 = arith.constant 8 : i32
    %eq3A = arith.constant 0 : i32
    %eq3A_18 = arith.cmpi eq, %jit3A_17, %eq3A : i32
    %jit3A_19 = arith.constant 1 : i32
    %select_n3A_20 = arith.select %eq3A_18, %jit3A_19, %jit3A_17 : i32
    %rem3A_21 = arith.remsi %add3A, %select_n3A_20 : i32
    %ne3A_22 = arith.constant 0 : i32
    %ne3A_23 = arith.cmpi ne, %rem3A_21, %ne3A_22 : i32
    %lt3A = arith.constant 0 : i32
    %lt3A_24 = arith.cmpi slt, %rem3A_21, %lt3A : i32
    %lt3A_25 = arith.constant 0 : i32
    %lt3A_26 = arith.cmpi slt, %select_n3A_20, %lt3A_25 : i32
    %ne3A_27 = arith.xori %lt3A_24, %lt3A_26 : i1
    %and3A_28 = arith.andi %ne3A_27, %ne3A_23 : i1
    %add3A_29 = arith.addi %rem3A_21, %select_n3A_20 : i32
    %select_n3A_30 = arith.select %and3A_28, %add3A_29, %rem3A_21 : i32
    %mul3A_31 = arith.constant 512 : i32
    %mul3A_32 = arith.muli %select_n3A_30, %mul3A_31 : i32
    "tpu.region"() ({
      %run_scoped3A_177 = tpu.sem_alloc : memref<!tpu.dma_semaphore, #tpu.memory_space<semaphore_mem>>
      %dma_start3A = arith.constant 0 : i32
      %dma_start3A_178 = tpu.memref_slice %arg2[%select_n3A, %dma_start3A, %mul3A_32] : memref<4x3x4096xf32, #tpu.memory_space<hbm>> -> memref<1x3x512xf32, #tpu.memory_space<hbm>>
      %dma_start3A_179 = tpu.memref_squeeze %dma_start3A_178 : memref<1x3x512xf32, #tpu.memory_space<hbm>> -> memref<3x512xf32, #tpu.memory_space<hbm>>
      %dma_start3A_180 = arith.constant 0 : i32
      %dma_start3A_181 = tpu.memref_slice %arg2[%select_n3A, %dma_start3A_180, %mul3A_32] : memref<4x3x4096xf32, #tpu.memory_space<hbm>> -> memref<1x3x512xf32, #tpu.memory_space<hbm>>
      %dma_start3A_182 = tpu.memref_squeeze %dma_start3A_181 : memref<1x3x512xf32, #tpu.memory_space<hbm>> -> memref<3x512xf32, #tpu.memory_space<hbm>>
      tpu.enqueue_dma source(%dma_start3A_182 : memref<3x512xf32, #tpu.memory_space<hbm>>) target(%arg6 : memref<3x512xf32, #tpu.memory_space<vmem>>) target_semaphore(%run_scoped3A_177 : memref<!tpu.dma_semaphore, #tpu.memory_space<semaphore_mem>>)
      %dma_wait3A = arith.constant 0 : i32
      %dma_wait3A_183 = tpu.memref_slice %arg2[%select_n3A, %dma_wait3A, %mul3A_32] : memref<4x3x4096xf32, #tpu.memory_space<hbm>> -> memref<1x3x512xf32, #tpu.memory_space<hbm>>
      %dma_wait3A_184 = tpu.memref_squeeze %dma_wait3A_183 : memref<1x3x512xf32, #tpu.memory_space<hbm>> -> memref<3x512xf32, #tpu.memory_space<hbm>>
      %dma_wait3A_185 = arith.constant 0 : i32
      %dma_wait3A_186 = tpu.memref_slice %arg2[%select_n3A, %dma_wait3A_185, %mul3A_32] : memref<4x3x4096xf32, #tpu.memory_space<hbm>> -> memref<1x3x512xf32, #tpu.memory_space<hbm>>
      %dma_wait3A_187 = tpu.memref_squeeze %dma_wait3A_186 : memref<1x3x512xf32, #tpu.memory_space<hbm>> -> memref<3x512xf32, #tpu.memory_space<hbm>>
      tpu.wait_dma2 semaphore(%run_scoped3A_177 : memref<!tpu.dma_semaphore, #tpu.memory_space<semaphore_mem>>) src(%dma_wait3A_187 : memref<3x512xf32, #tpu.memory_space<hbm>>) dst(%arg6 : memref<3x512xf32, #tpu.memory_space<vmem>>)
      tpu.yield
    }) : () -> ()
    "tpu.region"() ({
      %run_scoped3A_177 = tpu.sem_alloc : memref<!tpu.dma_semaphore, #tpu.memory_space<semaphore_mem>>
      %dma_start3A = arith.constant 0 : i32
      %dma_start3A_178 = arith.constant 0 : i32
      %dma_start3A_179 = tpu.memref_slice %arg2[%select_n3A, %dma_start3A, %dma_start3A_178] : memref<4x3x4096xf32, #tpu.memory_space<hbm>> -> memref<1x3x128xf32, #tpu.memory_space<hbm>>
      %dma_start3A_180 = tpu.memref_squeeze %dma_start3A_179 : memref<1x3x128xf32, #tpu.memory_space<hbm>> -> memref<3x128xf32, #tpu.memory_space<hbm>>
      %dma_start3A_181 = arith.constant 0 : i32
      %dma_start3A_182 = arith.constant 0 : i32
      %dma_start3A_183 = tpu.memref_slice %arg2[%select_n3A, %dma_start3A_181, %dma_start3A_182] : memref<4x3x4096xf32, #tpu.memory_space<hbm>> -> memref<1x3x128xf32, #tpu.memory_space<hbm>>
      %dma_start3A_184 = tpu.memref_squeeze %dma_start3A_183 : memref<1x3x128xf32, #tpu.memory_space<hbm>> -> memref<3x128xf32, #tpu.memory_space<hbm>>
      tpu.enqueue_dma source(%dma_start3A_184 : memref<3x128xf32, #tpu.memory_space<hbm>>) target(%arg7 : memref<3x128xf32, #tpu.memory_space<vmem>>) target_semaphore(%run_scoped3A_177 : memref<!tpu.dma_semaphore, #tpu.memory_space<semaphore_mem>>)
      %dma_wait3A = arith.constant 0 : i32
      %dma_wait3A_185 = arith.constant 0 : i32
      %dma_wait3A_186 = tpu.memref_slice %arg2[%select_n3A, %dma_wait3A, %dma_wait3A_185] : memref<4x3x4096xf32, #tpu.memory_space<hbm>> -> memref<1x3x128xf32, #tpu.memory_space<hbm>>
      %dma_wait3A_187 = tpu.memref_squeeze %dma_wait3A_186 : memref<1x3x128xf32, #tpu.memory_space<hbm>> -> memref<3x128xf32, #tpu.memory_space<hbm>>
      %dma_wait3A_188 = arith.constant 0 : i32
      %dma_wait3A_189 = arith.constant 0 : i32
      %dma_wait3A_190 = tpu.memref_slice %arg2[%select_n3A, %dma_wait3A_188, %dma_wait3A_189] : memref<4x3x4096xf32, #tpu.memory_space<hbm>> -> memref<1x3x128xf32, #tpu.memory_space<hbm>>
      %dma_wait3A_191 = tpu.memref_squeeze %dma_wait3A_190 : memref<1x3x128xf32, #tpu.memory_space<hbm>> -> memref<3x128xf32, #tpu.memory_space<hbm>>
      tpu.wait_dma2 semaphore(%run_scoped3A_177 : memref<!tpu.dma_semaphore, #tpu.memory_space<semaphore_mem>>) src(%dma_wait3A_191 : memref<3x128xf32, #tpu.memory_space<hbm>>) dst(%arg7 : memref<3x128xf32, #tpu.memory_space<vmem>>)
      tpu.yield
    }) : () -> ()
    "tpu.region"() ({
      %run_scoped3A_177 = tpu.sem_alloc : memref<!tpu.dma_semaphore, #tpu.memory_space<semaphore_mem>>
      %dma_start3A = arith.constant 0 : i32
      %dma_start3A_178 = arith.constant 0 : i32
      %dma_start3A_179 = tpu.memref_slice %arg3[%select_n3A, %dma_start3A, %dma_start3A_178] : memref<4x3x4096xf32, #tpu.memory_space<hbm>> -> memref<1x3x128xf32, #tpu.memory_space<hbm>>
      %dma_start3A_180 = tpu.memref_squeeze %dma_start3A_179 : memref<1x3x128xf32, #tpu.memory_space<hbm>> -> memref<3x128xf32, #tpu.memory_space<hbm>>
      %dma_start3A_181 = arith.constant 0 : i32
      %dma_start3A_182 = arith.constant 0 : i32
      %dma_start3A_183 = tpu.memref_slice %arg3[%select_n3A, %dma_start3A_181, %dma_start3A_182] : memref<4x3x4096xf32, #tpu.memory_space<hbm>> -> memref<1x3x128xf32, #tpu.memory_space<hbm>>
      %dma_start3A_184 = tpu.memref_squeeze %dma_start3A_183 : memref<1x3x128xf32, #tpu.memory_space<hbm>> -> memref<3x128xf32, #tpu.memory_space<hbm>>
      tpu.enqueue_dma source(%dma_start3A_184 : memref<3x128xf32, #tpu.memory_space<hbm>>) target(%arg8 : memref<3x128xf32, #tpu.memory_space<vmem>>) target_semaphore(%run_scoped3A_177 : memref<!tpu.dma_semaphore, #tpu.memory_space<semaphore_mem>>)
      %dma_wait3A = arith.constant 0 : i32
      %dma_wait3A_185 = arith.constant 0 : i32
      %dma_wait3A_186 = tpu.memref_slice %arg3[%select_n3A, %dma_wait3A, %dma_wait3A_185] : memref<4x3x4096xf32, #tpu.memory_space<hbm>> -> memref<1x3x128xf32, #tpu.memory_space<hbm>>
      %dma_wait3A_187 = tpu.memref_squeeze %dma_wait3A_186 : memref<1x3x128xf32, #tpu.memory_space<hbm>> -> memref<3x128xf32, #tpu.memory_space<hbm>>
      %dma_wait3A_188 = arith.constant 0 : i32
      %dma_wait3A_189 = arith.constant 0 : i32
      %dma_wait3A_190 = tpu.memref_slice %arg3[%select_n3A, %dma_wait3A_188, %dma_wait3A_189] : memref<4x3x4096xf32, #tpu.memory_space<hbm>> -> memref<1x3x128xf32, #tpu.memory_space<hbm>>
      %dma_wait3A_191 = tpu.memref_squeeze %dma_wait3A_190 : memref<1x3x128xf32, #tpu.memory_space<hbm>> -> memref<3x128xf32, #tpu.memory_space<hbm>>
      tpu.wait_dma2 semaphore(%run_scoped3A_177 : memref<!tpu.dma_semaphore, #tpu.memory_space<semaphore_mem>>) src(%dma_wait3A_191 : memref<3x128xf32, #tpu.memory_space<hbm>>) dst(%arg8 : memref<3x128xf32, #tpu.memory_space<vmem>>)
      tpu.yield
    }) : () -> ()
    "tpu.region"() ({
      %run_scoped3A_177 = tpu.sem_alloc : memref<!tpu.dma_semaphore, #tpu.memory_space<semaphore_mem>>
      tpu.enqueue_dma source(%arg4 : memref<128xi32, #tpu.memory_space<hbm>>) target(%arg9 : memref<128xi32, #tpu.memory_space<vmem>>) target_semaphore(%run_scoped3A_177 : memref<!tpu.dma_semaphore, #tpu.memory_space<semaphore_mem>>)
      tpu.wait_dma2 semaphore(%run_scoped3A_177 : memref<!tpu.dma_semaphore, #tpu.memory_space<semaphore_mem>>) src(%arg4 : memref<128xi32, #tpu.memory_space<hbm>>) dst(%arg9 : memref<128xi32, #tpu.memory_space<vmem>>)
      tpu.yield
    }) : () -> ()
    %iota3A = tpu.iota {dimensions = array<i32: 0>} : vector<16xi32>
    %get3A = arith.constant 0 : index
    %get3A_33 = tpu.vector_load %arg9[%get3A] {strides = array<i32>} : memref<128xi32, #tpu.memory_space<vmem>>, vector<16xi32>,
    %broadcast_in_dim3A = arith.constant 16 : i32
    %broadcast_in_dim3A_34 = vector.broadcast %broadcast_in_dim3A : i32 to vector<16xi32>
    %get3A_35 = arith.constant 0 : i32
    %get3A_36 = arith.index_cast %get3A_35 : i32 to index
    %get3A_37 = arith.constant 0 : index
    %get3A_38 = tpu.vector_load %arg7[%get3A_36, %get3A_37] {strides = array<i32>} : memref<3x128xf32, #tpu.memory_space<vmem>>, vector<16xf32>,
    %get3A_39 = arith.constant 1 : i32
    %get3A_40 = arith.index_cast %get3A_39 : i32 to index
    %get3A_41 = arith.constant 0 : index
    %get3A_42 = tpu.vector_load %arg7[%get3A_40, %get3A_41] {strides = array<i32>} : memref<3x128xf32, #tpu.memory_space<vmem>>, vector<16xf32>,
    %get3A_43 = arith.constant 2 : i32
    %get3A_44 = arith.index_cast %get3A_43 : i32 to index
    %get3A_45 = arith.constant 0 : index
    %get3A_46 = tpu.vector_load %arg7[%get3A_44, %get3A_45] {strides = array<i32>} : memref<3x128xf32, #tpu.memory_space<vmem>>, vector<16xf32>,
    %get3A_47 = arith.constant 0 : i32
    %get3A_48 = arith.index_cast %get3A_47 : i32 to index
    %get3A_49 = arith.constant 0 : index
    %get3A_50 = tpu.vector_load %arg8[%get3A_48, %get3A_49] {strides = array<i32>} : memref<3x128xf32, #tpu.memory_space<vmem>>, vector<16xf32>,
    %get3A_51 = arith.constant 1 : i32
    %get3A_52 = arith.index_cast %get3A_51 : i32 to index
    %get3A_53 = arith.constant 0 : index
    %get3A_54 = tpu.vector_load %arg8[%get3A_52, %get3A_53] {strides = array<i32>} : memref<3x128xf32, #tpu.memory_space<vmem>>, vector<16xf32>,
    %get3A_55 = arith.constant 2 : i32
    %get3A_56 = arith.index_cast %get3A_55 : i32 to index
    %get3A_57 = arith.constant 0 : index
    %get3A_58 = tpu.vector_load %arg8[%get3A_56, %get3A_57] {strides = array<i32>} : memref<3x128xf32, #tpu.memory_space<vmem>>, vector<16xf32>,
    %mul3A_59 = arith.mulf %get3A_38, %get3A_38 : vector<16xf32>
    %mul3A_60 = arith.mulf %get3A_42, %get3A_42 : vector<16xf32>
    %add3A_61 = arith.addf %mul3A_59, %mul3A_60 : vector<16xf32>
    %mul3A_62 = arith.mulf %get3A_46, %get3A_46 : vector<16xf32>
    %add3A_63 = arith.addf %add3A_61, %mul3A_62 : vector<16xf32>
    %mul3A_64 = arith.mulf %get3A_50, %get3A_50 : vector<16xf32>
    %mul3A_65 = arith.mulf %get3A_54, %get3A_54 : vector<16xf32>
    %add3A_66 = arith.addf %mul3A_64, %mul3A_65 : vector<16xf32>
    %mul3A_67 = arith.mulf %get3A_58, %get3A_58 : vector<16xf32>
    %add3A_68 = arith.addf %add3A_66, %mul3A_67 : vector<16xf32>
    %bitcast_convert_type3A = tpu.bitcast %get3A_38 : vector<16xf32> -> vector<16xi32>
    %add3A_69 = arith.constant 32767 : i32
    %add3A_70 = vector.broadcast %add3A_69 : i32 to vector<16xi32>
    %add3A_71 = arith.addi %bitcast_convert_type3A, %add3A_70 : vector<16xi32>
    %shift_right_logical3A = arith.constant 16 : i32
    %shift_right_logical3A_72 = vector.broadcast %shift_right_logical3A : i32 to vector<16xi32>
    %shift_right_logical3A_73 = arith.shrui %bitcast_convert_type3A, %shift_right_logical3A_72 : vector<16xi32>
    %and3A_74 = arith.constant 1 : i32
    %and3A_75 = vector.broadcast %and3A_74 : i32 to vector<16xi32>
    %and3A_76 = arith.andi %shift_right_logical3A_73, %and3A_75 : vector<16xi32>
    %add3A_77 = arith.addi %add3A_71, %and3A_76 : vector<16xi32>
    %and3A_78 = arith.constant -65536 : i32
    %and3A_79 = vector.broadcast %and3A_78 : i32 to vector<16xi32>
    %and3A_80 = arith.andi %add3A_77, %and3A_79 : vector<16xi32>
    %bitcast_convert_type3A_81 = tpu.bitcast %and3A_80 : vector<16xi32> -> vector<16xf32>
    %bitcast_convert_type3A_82 = tpu.bitcast %get3A_42 : vector<16xf32> -> vector<16xi32>
    %add3A_83 = arith.constant 32767 : i32
    %add3A_84 = vector.broadcast %add3A_83 : i32 to vector<16xi32>
    %add3A_85 = arith.addi %bitcast_convert_type3A_82, %add3A_84 : vector<16xi32>
    %shift_right_logical3A_86 = arith.constant 16 : i32
    %shift_right_logical3A_87 = vector.broadcast %shift_right_logical3A_86 : i32 to vector<16xi32>
    %shift_right_logical3A_88 = arith.shrui %bitcast_convert_type3A_82, %shift_right_logical3A_87 : vector<16xi32>
    %and3A_89 = arith.constant 1 : i32
    %and3A_90 = vector.broadcast %and3A_89 : i32 to vector<16xi32>
    %and3A_91 = arith.andi %shift_right_logical3A_88, %and3A_90 : vector<16xi32>
    %add3A_92 = arith.addi %add3A_85, %and3A_91 : vector<16xi32>
    %and3A_93 = arith.constant -65536 : i32
    %and3A_94 = vector.broadcast %and3A_93 : i32 to vector<16xi32>
    %and3A_95 = arith.andi %add3A_92, %and3A_94 : vector<16xi32>
    %bitcast_convert_type3A_96 = tpu.bitcast %and3A_95 : vector<16xi32> -> vector<16xf32>
    %bitcast_convert_type3A_97 = tpu.bitcast %get3A_46 : vector<16xf32> -> vector<16xi32>
    %add3A_98 = arith.constant 32767 : i32
    %add3A_99 = vector.broadcast %add3A_98 : i32 to vector<16xi32>
    %add3A_100 = arith.addi %bitcast_convert_type3A_97, %add3A_99 : vector<16xi32>
    %shift_right_logical3A_101 = arith.constant 16 : i32
    %shift_right_logical3A_102 = vector.broadcast %shift_right_logical3A_101 : i32 to vector<16xi32>
    %shift_right_logical3A_103 = arith.shrui %bitcast_convert_type3A_97, %shift_right_logical3A_102 : vector<16xi32>
    %and3A_104 = arith.constant 1 : i32
    %and3A_105 = vector.broadcast %and3A_104 : i32 to vector<16xi32>
    %and3A_106 = arith.andi %shift_right_logical3A_103, %and3A_105 : vector<16xi32>
    %add3A_107 = arith.addi %add3A_100, %and3A_106 : vector<16xi32>
    %and3A_108 = arith.constant -65536 : i32
    %and3A_109 = vector.broadcast %and3A_108 : i32 to vector<16xi32>
    %and3A_110 = arith.andi %add3A_107, %and3A_109 : vector<16xi32>
    %bitcast_convert_type3A_111 = tpu.bitcast %and3A_110 : vector<16xi32> -> vector<16xf32>
    %bitcast_convert_type3A_112 = tpu.bitcast %get3A_50 : vector<16xf32> -> vector<16xi32>
    %add3A_113 = arith.constant 32767 : i32
    %add3A_114 = vector.broadcast %add3A_113 : i32 to vector<16xi32>
    %add3A_115 = arith.addi %bitcast_convert_type3A_112, %add3A_114 : vector<16xi32>
    %shift_right_logical3A_116 = arith.constant 16 : i32
    %shift_right_logical3A_117 = vector.broadcast %shift_right_logical3A_116 : i32 to vector<16xi32>
    %shift_right_logical3A_118 = arith.shrui %bitcast_convert_type3A_112, %shift_right_logical3A_117 : vector<16xi32>
    %and3A_119 = arith.constant 1 : i32
    %and3A_120 = vector.broadcast %and3A_119 : i32 to vector<16xi32>
    %and3A_121 = arith.andi %shift_right_logical3A_118, %and3A_120 : vector<16xi32>
    %add3A_122 = arith.addi %add3A_115, %and3A_121 : vector<16xi32>
    %and3A_123 = arith.constant -65536 : i32
    %and3A_124 = vector.broadcast %and3A_123 : i32 to vector<16xi32>
    %and3A_125 = arith.andi %add3A_122, %and3A_124 : vector<16xi32>
    %bitcast_convert_type3A_126 = tpu.bitcast %and3A_125 : vector<16xi32> -> vector<16xf32>
    %bitcast_convert_type3A_127 = tpu.bitcast %get3A_54 : vector<16xf32> -> vector<16xi32>
    %add3A_128 = arith.constant 32767 : i32
    %add3A_129 = vector.broadcast %add3A_128 : i32 to vector<16xi32>
    %add3A_130 = arith.addi %bitcast_convert_type3A_127, %add3A_129 : vector<16xi32>
    %shift_right_logical3A_131 = arith.constant 16 : i32
    %shift_right_logical3A_132 = vector.broadcast %shift_right_logical3A_131 : i32 to vector<16xi32>
    %shift_right_logical3A_133 = arith.shrui %bitcast_convert_type3A_127, %shift_right_logical3A_132 : vector<16xi32>
    %and3A_134 = arith.constant 1 : i32
    %and3A_135 = vector.broadcast %and3A_134 : i32 to vector<16xi32>
    %and3A_136 = arith.andi %shift_right_logical3A_133, %and3A_135 : vector<16xi32>
    %add3A_137 = arith.addi %add3A_130, %and3A_136 : vector<16xi32>
    %and3A_138 = arith.constant -65536 : i32
    %and3A_139 = vector.broadcast %and3A_138 : i32 to vector<16xi32>
    %and3A_140 = arith.andi %add3A_137, %and3A_139 : vector<16xi32>
    %bitcast_convert_type3A_141 = tpu.bitcast %and3A_140 : vector<16xi32> -> vector<16xf32>
    %bitcast_convert_type3A_142 = tpu.bitcast %get3A_58 : vector<16xf32> -> vector<16xi32>
    %add3A_143 = arith.constant 32767 : i32
    %add3A_144 = vector.broadcast %add3A_143 : i32 to vector<16xi32>
    %add3A_145 = arith.addi %bitcast_convert_type3A_142, %add3A_144 : vector<16xi32>
    %shift_right_logical3A_146 = arith.constant 16 : i32
    %shift_right_logical3A_147 = vector.broadcast %shift_right_logical3A_146 : i32 to vector<16xi32>
    %shift_right_logical3A_148 = arith.shrui %bitcast_convert_type3A_142, %shift_right_logical3A_147 : vector<16xi32>
    %and3A_149 = arith.constant 1 : i32
    %and3A_150 = vector.broadcast %and3A_149 : i32 to vector<16xi32>
    %and3A_151 = arith.andi %shift_right_logical3A_148, %and3A_150 : vector<16xi32>
    %add3A_152 = arith.addi %add3A_145, %and3A_151 : vector<16xi32>
    %and3A_153 = arith.constant -65536 : i32
    %and3A_154 = vector.broadcast %and3A_153 : i32 to vector<16xi32>
    %and3A_155 = arith.andi %add3A_152, %and3A_154 : vector<16xi32>
    %bitcast_convert_type3A_156 = tpu.bitcast %and3A_155 : vector<16xi32> -> vector<16xf32>
    %scan3A = arith.constant 0 : i32
    %scan3A_157 = arith.constant 0 : i32
    %scan3A_158 = arith.constant 32 : i32
    %scan3A_159 = arith.addi %scan3A_157, %scan3A_158 : i32
    %scan3A_160 = arith.constant 1 : i32
    scf.for %scan3A_177 = %scan3A_157 to %scan3A_159 step %scan3A_160  : i32 {
      %mul3A_178 = arith.constant 16 : i32
      %mul3A_179 = arith.muli %scan3A_177, %mul3A_178 : i32
      %get3A_180 = arith.constant 0 : i32
      %get3A_181 = arith.index_cast %get3A_180 : i32 to index
      %get3A_182 = arith.index_cast %mul3A_179 : i32 to index
      %get3A_183 = tpu.vector_load %arg6[%get3A_181, %get3A_182] {strides = array<i32>} : memref<3x512xf32, #tpu.memory_space<vmem>>, vector<16xf32>,
      %get3A_184 = arith.constant 1 : i32
      %get3A_185 = arith.index_cast %get3A_184 : i32 to index
      %get3A_186 = arith.index_cast %mul3A_179 : i32 to index
      %get3A_187 = tpu.vector_load %arg6[%get3A_185, %get3A_186] {strides = array<i32>} : memref<3x512xf32, #tpu.memory_space<vmem>>, vector<16xf32>,
      %get3A_188 = arith.constant 2 : i32
      %get3A_189 = arith.index_cast %get3A_188 : i32 to index
      %get3A_190 = arith.index_cast %mul3A_179 : i32 to index
      %get3A_191 = tpu.vector_load %arg6[%get3A_189, %get3A_190] {strides = array<i32>} : memref<3x512xf32, #tpu.memory_space<vmem>>, vector<16xf32>,
      %mul3A_192 = arith.mulf %get3A_183, %get3A_183 : vector<16xf32>
      %mul3A_193 = arith.mulf %get3A_187, %get3A_187 : vector<16xf32>
      %add3A_194 = arith.addf %mul3A_192, %mul3A_193 : vector<16xf32>
      %mul3A_195 = arith.mulf %get3A_191, %get3A_191 : vector<16xf32>
      %add3A_196 = arith.addf %add3A_194, %mul3A_195 : vector<16xf32>
      %bitcast_convert_type3A_197 = tpu.bitcast %get3A_183 : vector<16xf32> -> vector<16xi32>
      %add3A_198 = arith.constant 32767 : i32
      %add3A_199 = vector.broadcast %add3A_198 : i32 to vector<16xi32>
      %add3A_200 = arith.addi %bitcast_convert_type3A_197, %add3A_199 : vector<16xi32>
      %shift_right_logical3A_201 = arith.constant 16 : i32
      %shift_right_logical3A_202 = vector.broadcast %shift_right_logical3A_201 : i32 to vector<16xi32>
      %shift_right_logical3A_203 = arith.shrui %bitcast_convert_type3A_197, %shift_right_logical3A_202 : vector<16xi32>
      %and3A_204 = arith.constant 1 : i32
      %and3A_205 = vector.broadcast %and3A_204 : i32 to vector<16xi32>
      %and3A_206 = arith.andi %shift_right_logical3A_203, %and3A_205 : vector<16xi32>
      %add3A_207 = arith.addi %add3A_200, %and3A_206 : vector<16xi32>
      %and3A_208 = arith.constant -65536 : i32
      %and3A_209 = vector.broadcast %and3A_208 : i32 to vector<16xi32>
      %and3A_210 = arith.andi %add3A_207, %and3A_209 : vector<16xi32>
      %bitcast_convert_type3A_211 = tpu.bitcast %and3A_210 : vector<16xi32> -> vector<16xf32>
      %bitcast_convert_type3A_212 = tpu.bitcast %get3A_187 : vector<16xf32> -> vector<16xi32>
      %add3A_213 = arith.constant 32767 : i32
      %add3A_214 = vector.broadcast %add3A_213 : i32 to vector<16xi32>
      %add3A_215 = arith.addi %bitcast_convert_type3A_212, %add3A_214 : vector<16xi32>
      %shift_right_logical3A_216 = arith.constant 16 : i32
      %shift_right_logical3A_217 = vector.broadcast %shift_right_logical3A_216 : i32 to vector<16xi32>
      %shift_right_logical3A_218 = arith.shrui %bitcast_convert_type3A_212, %shift_right_logical3A_217 : vector<16xi32>
      %and3A_219 = arith.constant 1 : i32
      %and3A_220 = vector.broadcast %and3A_219 : i32 to vector<16xi32>
      %and3A_221 = arith.andi %shift_right_logical3A_218, %and3A_220 : vector<16xi32>
      %add3A_222 = arith.addi %add3A_215, %and3A_221 : vector<16xi32>
      %and3A_223 = arith.constant -65536 : i32
      %and3A_224 = vector.broadcast %and3A_223 : i32 to vector<16xi32>
      %and3A_225 = arith.andi %add3A_222, %and3A_224 : vector<16xi32>
      %bitcast_convert_type3A_226 = tpu.bitcast %and3A_225 : vector<16xi32> -> vector<16xf32>
      %bitcast_convert_type3A_227 = tpu.bitcast %get3A_191 : vector<16xf32> -> vector<16xi32>
      %add3A_228 = arith.constant 32767 : i32
      %add3A_229 = vector.broadcast %add3A_228 : i32 to vector<16xi32>
      %add3A_230 = arith.addi %bitcast_convert_type3A_227, %add3A_229 : vector<16xi32>
      %shift_right_logical3A_231 = arith.constant 16 : i32
      %shift_right_logical3A_232 = vector.broadcast %shift_right_logical3A_231 : i32 to vector<16xi32>
      %shift_right_logical3A_233 = arith.shrui %bitcast_convert_type3A_227, %shift_right_logical3A_232 : vector<16xi32>
      %and3A_234 = arith.constant 1 : i32
      %and3A_235 = vector.broadcast %and3A_234 : i32 to vector<16xi32>
      %and3A_236 = arith.andi %shift_right_logical3A_233, %and3A_235 : vector<16xi32>
      %add3A_237 = arith.addi %add3A_230, %and3A_236 : vector<16xi32>
      %and3A_238 = arith.constant -65536 : i32
      %and3A_239 = vector.broadcast %and3A_238 : i32 to vector<16xi32>
      %and3A_240 = arith.andi %add3A_237, %and3A_239 : vector<16xi32>
      %bitcast_convert_type3A_241 = tpu.bitcast %and3A_240 : vector<16xi32> -> vector<16xf32>
      %add3A_242 = vector.broadcast %mul3A_179 : i32 to vector<16xi32>
      %add3A_243 = arith.addi %iota3A, %add3A_242 : vector<16xi32>
      %broadcast_in_dim3A_244 = arith.constant 0 : i32
      %broadcast_in_dim3A_245 = vector.broadcast %broadcast_in_dim3A_244 : i32 to vector<16xi32>
      %broadcast_in_dim3A_246 = arith.constant 0 : i32
      %broadcast_in_dim3A_247 = vector.broadcast %broadcast_in_dim3A_246 : i32 to vector<16xi32>
      %slice3A = vector.extract_strided_slice %bitcast_convert_type3A_81 {offsets = [0], sizes = [1], strides = [1]} : vector<16xf32> to vector<1xf32>
      %squeeze3A = vector.extract %slice3A[0] : f32 from vector<1xf32>
      %mul3A_248 = vector.broadcast %squeeze3A : f32 to vector<16xf32>
      %mul3A_249 = arith.mulf %bitcast_convert_type3A_211, %mul3A_248 : vector<16xf32>
      %slice3A_250 = vector.extract_strided_slice %bitcast_convert_type3A_96 {offsets = [0], sizes = [1], strides = [1]} : vector<16xf32> to vector<1xf32>
      %squeeze3A_251 = vector.extract %slice3A_250[0] : f32 from vector<1xf32>
      %mul3A_252 = vector.broadcast %squeeze3A_251 : f32 to vector<16xf32>
      %mul3A_253 = arith.mulf %bitcast_convert_type3A_226, %mul3A_252 : vector<16xf32>
      %add3A_254 = arith.addf %mul3A_249, %mul3A_253 : vector<16xf32>
      %slice3A_255 = vector.extract_strided_slice %bitcast_convert_type3A_111 {offsets = [0], sizes = [1], strides = [1]} : vector<16xf32> to vector<1xf32>
      %squeeze3A_256 = vector.extract %slice3A_255[0] : f32 from vector<1xf32>
      %mul3A_257 = vector.broadcast %squeeze3A_256 : f32 to vector<16xf32>
      %mul3A_258 = arith.mulf %bitcast_convert_type3A_241, %mul3A_257 : vector<16xf32>
      %add3A_259 = arith.addf %add3A_254, %mul3A_258 : vector<16xf32>
      %mul3A_260 = arith.constant -2.000000e+00 : f32
      %mul3A_261 = vector.broadcast %mul3A_260 : f32 to vector<16xf32>
      %mul3A_262 = arith.mulf %mul3A_261, %add3A_259 : vector<16xf32>
      %add3A_263 = arith.addf %mul3A_262, %add3A_196 : vector<16xf32>
      %slice3A_264 = vector.extract_strided_slice %add3A_63 {offsets = [0], sizes = [1], strides = [1]} : vector<16xf32> to vector<1xf32>
      %squeeze3A_265 = vector.extract %slice3A_264[0] : f32 from vector<1xf32>
      %add3A_266 = vector.broadcast %squeeze3A_265 : f32 to vector<16xf32>
      %add3A_267 = arith.addf %add3A_263, %add3A_266 : vector<16xf32>
      %gt3A = arith.constant 4.000000e-02 : f32
      %gt3A_268 = vector.broadcast %gt3A : f32 to vector<16xf32>
      %gt3A_269 = arith.cmpf ogt, %add3A_267, %gt3A_268 : vector<16xf32>
      %not3A = arith.constant dense<true> : vector<16xi1>
      %not3A_270 = arith.xori %gt3A_269, %not3A : vector<16xi1>
      %broadcast_in_dim3A_271 = arith.constant 0 : i32
      %broadcast_in_dim3A_272 = vector.broadcast %broadcast_in_dim3A_271 : i32 to vector<16xi32>
      %select_n3A_273 = arith.select %not3A_270, %broadcast_in_dim3A_272, %broadcast_in_dim3A_34 : vector<16xi1>, vector<16xi32>
      %min3A = arith.minsi %broadcast_in_dim3A_34, %select_n3A_273 : vector<16xi32>
      %add3A_274 = arith.addi %broadcast_in_dim3A_247, %broadcast_in_dim3A_245 : vector<16xi32>
      %lt3A_275 = arith.cmpi slt, %add3A_274, %get3A_33 : vector<16xi32>
      %and3A_276 = arith.andi %not3A_270, %lt3A_275 : vector<16xi1>
      %mul3A_277 = arith.constant 512 : i32
      %mul3A_278 = vector.broadcast %mul3A_277 : i32 to vector<16xi32>
      %mul3A_279 = arith.muli %add3A_274, %mul3A_278 : vector<16xi32>
      %add3A_280 = arith.addi %mul3A_279, %add3A_243 : vector<16xi32>
      %broadcast_in_dim3A_281 = arith.constant 0 : i32
      %broadcast_in_dim3A_282 = vector.broadcast %broadcast_in_dim3A_281 : i32 to vector<16xi32>
      tpu.vector_store_idx %arg10[%add3A_280], %broadcast_in_dim3A_282 masked %and3A_276 : memref<8192xi32, #tpu.memory_space<vmem>>[vector<16xi32>], vector<16xi32>, vector<16xi1>
      %convert_element_type3A = arith.extui %not3A_270 : vector<16xi1> to vector<16xi32>
      %add3A_283 = arith.addi %broadcast_in_dim3A_247, %convert_element_type3A : vector<16xi32>
      %slice3A_284 = vector.extract_strided_slice %bitcast_convert_type3A_81 {offsets = [1], sizes = [1], strides = [1]} : vector<16xf32> to vector<1xf32>
      %squeeze3A_285 = vector.extract %slice3A_284[0] : f32 from vector<1xf32>
      %mul3A_286 = vector.broadcast %squeeze3A_285 : f32 to vector<16xf32>
      %mul3A_287 = arith.mulf %bitcast_convert_type3A_211, %mul3A_286 : vector<16xf32>
      %slice3A_288 = vector.extract_strided_slice %bitcast_convert_type3A_96 {offsets = [1], sizes = [1], strides = [1]} : vector<16xf32> to vector<1xf32>
      %squeeze3A_289 = vector.extract %slice3A_288[0] : f32 from vector<1xf32>
      %mul3A_290 = vector.broadcast %squeeze3A_289 : f32 to vector<16xf32>
      %mul3A_291 = arith.mulf %bitcast_convert_type3A_226, %mul3A_290 : vector<16xf32>
      %add3A_292 = arith.addf %mul3A_287, %mul3A_291 : vector<16xf32>
      %slice3A_293 = vector.extract_strided_slice %bitcast_convert_type3A_111 {offsets = [1], sizes = [1], strides = [1]} : vector<16xf32> to vector<1xf32>
      %squeeze3A_294 = vector.extract %slice3A_293[0] : f32 from vector<1xf32>
      %mul3A_295 = vector.broadcast %squeeze3A_294 : f32 to vector<16xf32>
      %mul3A_296 = arith.mulf %bitcast_convert_type3A_241, %mul3A_295 : vector<16xf32>
      %add3A_297 = arith.addf %add3A_292, %mul3A_296 : vector<16xf32>
      %mul3A_298 = arith.constant -2.000000e+00 : f32
      %mul3A_299 = vector.broadcast %mul3A_298 : f32 to vector<16xf32>
      %mul3A_300 = arith.mulf %mul3A_299, %add3A_297 : vector<16xf32>
      %add3A_301 = arith.addf %mul3A_300, %add3A_196 : vector<16xf32>
      %slice3A_302 = vector.extract_strided_slice %add3A_63 {offsets = [1], sizes = [1], strides = [1]} : vector<16xf32> to vector<1xf32>
      %squeeze3A_303 = vector.extract %slice3A_302[0] : f32 from vector<1xf32>
      %add3A_304 = vector.broadcast %squeeze3A_303 : f32 to vector<16xf32>
      %add3A_305 = arith.addf %add3A_301, %add3A_304 : vector<16xf32>
      %gt3A_306 = arith.constant 4.000000e-02 : f32
      %gt3A_307 = vector.broadcast %gt3A_306 : f32 to vector<16xf32>
      %gt3A_308 = arith.cmpf ogt, %add3A_305, %gt3A_307 : vector<16xf32>
      %not3A_309 = arith.constant dense<true> : vector<16xi1>
      %not3A_310 = arith.xori %gt3A_308, %not3A_309 : vector<16xi1>
      %broadcast_in_dim3A_311 = arith.constant 1 : i32
      %broadcast_in_dim3A_312 = vector.broadcast %broadcast_in_dim3A_311 : i32 to vector<16xi32>
      %select_n3A_313 = arith.select %not3A_310, %broadcast_in_dim3A_312, %broadcast_in_dim3A_34 : vector<16xi1>, vector<16xi32>
      %min3A_314 = arith.minsi %min3A, %select_n3A_313 : vector<16xi32>
      %add3A_315 = arith.addi %add3A_283, %broadcast_in_dim3A_245 : vector<16xi32>
      %lt3A_316 = arith.cmpi slt, %add3A_315, %get3A_33 : vector<16xi32>
      %and3A_317 = arith.andi %not3A_310, %lt3A_316 : vector<16xi1>
      %mul3A_318 = arith.constant 512 : i32
      %mul3A_319 = vector.broadcast %mul3A_318 : i32 to vector<16xi32>
      %mul3A_320 = arith.muli %add3A_315, %mul3A_319 : vector<16xi32>
      %add3A_321 = arith.addi %mul3A_320, %add3A_243 : vector<16xi32>
      %broadcast_in_dim3A_322 = arith.constant 1 : i32
      %broadcast_in_dim3A_323 = vector.broadcast %broadcast_in_dim3A_322 : i32 to vector<16xi32>
      tpu.vector_store_idx %arg10[%add3A_321], %broadcast_in_dim3A_323 masked %and3A_317 : memref<8192xi32, #tpu.memory_space<vmem>>[vector<16xi32>], vector<16xi32>, vector<16xi1>
      %convert_element_type3A_324 = arith.extui %not3A_310 : vector<16xi1> to vector<16xi32>
      %add3A_325 = arith.addi %add3A_283, %convert_element_type3A_324 : vector<16xi32>
      %slice3A_326 = vector.extract_strided_slice %bitcast_convert_type3A_81 {offsets = [2], sizes = [1], strides = [1]} : vector<16xf32> to vector<1xf32>
      %squeeze3A_327 = vector.extract %slice3A_326[0] : f32 from vector<1xf32>
      %mul3A_328 = vector.broadcast %squeeze3A_327 : f32 to vector<16xf32>
      %mul3A_329 = arith.mulf %bitcast_convert_type3A_211, %mul3A_328 : vector<16xf32>
      %slice3A_330 = vector.extract_strided_slice %bitcast_convert_type3A_96 {offsets = [2], sizes = [1], strides = [1]} : vector<16xf32> to vector<1xf32>
      %squeeze3A_331 = vector.extract %slice3A_330[0] : f32 from vector<1xf32>
      %mul3A_332 = vector.broadcast %squeeze3A_331 : f32 to vector<16xf32>
      %mul3A_333 = arith.mulf %bitcast_convert_type3A_226, %mul3A_332 : vector<16xf32>
      %add3A_334 = arith.addf %mul3A_329, %mul3A_333 : vector<16xf32>
      %slice3A_335 = vector.extract_strided_slice %bitcast_convert_type3A_111 {offsets = [2], sizes = [1], strides = [1]} : vector<16xf32> to vector<1xf32>
      %squeeze3A_336 = vector.extract %slice3A_335[0] : f32 from vector<1xf32>
      %mul3A_337 = vector.broadcast %squeeze3A_336 : f32 to vector<16xf32>
      %mul3A_338 = arith.mulf %bitcast_convert_type3A_241, %mul3A_337 : vector<16xf32>
      %add3A_339 = arith.addf %add3A_334, %mul3A_338 : vector<16xf32>
      %mul3A_340 = arith.constant -2.000000e+00 : f32
      %mul3A_341 = vector.broadcast %mul3A_340 : f32 to vector<16xf32>
      %mul3A_342 = arith.mulf %mul3A_341, %add3A_339 : vector<16xf32>
      %add3A_343 = arith.addf %mul3A_342, %add3A_196 : vector<16xf32>
      %slice3A_344 = vector.extract_strided_slice %add3A_63 {offsets = [2], sizes = [1], strides = [1]} : vector<16xf32> to vector<1xf32>
      %squeeze3A_345 = vector.extract %slice3A_344[0] : f32 from vector<1xf32>
      %add3A_346 = vector.broadcast %squeeze3A_345 : f32 to vector<16xf32>
      %add3A_347 = arith.addf %add3A_343, %add3A_346 : vector<16xf32>
      %gt3A_348 = arith.constant 4.000000e-02 : f32
      %gt3A_349 = vector.broadcast %gt3A_348 : f32 to vector<16xf32>
      %gt3A_350 = arith.cmpf ogt, %add3A_347, %gt3A_349 : vector<16xf32>
      %not3A_351 = arith.constant dense<true> : vector<16xi1>
      %not3A_352 = arith.xori %gt3A_350, %not3A_351 : vector<16xi1>
      %broadcast_in_dim3A_353 = arith.constant 2 : i32
      %broadcast_in_dim3A_354 = vector.broadcast %broadcast_in_dim3A_353 : i32 to vector<16xi32>
      %select_n3A_355 = arith.select %not3A_352, %broadcast_in_dim3A_354, %broadcast_in_dim3A_34 : vector<16xi1>, vector<16xi32>
      %min3A_356 = arith.minsi %min3A_314, %select_n3A_355 : vector<16xi32>
      %add3A_357 = arith.addi %add3A_325, %broadcast_in_dim3A_245 : vector<16xi32>
      %lt3A_358 = arith.cmpi slt, %add3A_357, %get3A_33 : vector<16xi32>
      %and3A_359 = arith.andi %not3A_352, %lt3A_358 : vector<16xi1>
      %mul3A_360 = arith.constant 512 : i32
      %mul3A_361 = vector.broadcast %mul3A_360 : i32 to vector<16xi32>
      %mul3A_362 = arith.muli %add3A_357, %mul3A_361 : vector<16xi32>
      %add3A_363 = arith.addi %mul3A_362, %add3A_243 : vector<16xi32>
      %broadcast_in_dim3A_364 = arith.constant 2 : i32
      %broadcast_in_dim3A_365 = vector.broadcast %broadcast_in_dim3A_364 : i32 to vector<16xi32>
      tpu.vector_store_idx %arg10[%add3A_363], %broadcast_in_dim3A_365 masked %and3A_359 : memref<8192xi32, #tpu.memory_space<vmem>>[vector<16xi32>], vector<16xi32>, vector<16xi1>
      %convert_element_type3A_366 = arith.extui %not3A_352 : vector<16xi1> to vector<16xi32>
      %add3A_367 = arith.addi %add3A_325, %convert_element_type3A_366 : vector<16xi32>
      %slice3A_368 = vector.extract_strided_slice %bitcast_convert_type3A_81 {offsets = [3], sizes = [1], strides = [1]} : vector<16xf32> to vector<1xf32>
      %squeeze3A_369 = vector.extract %slice3A_368[0] : f32 from vector<1xf32>
      %mul3A_370 = vector.broadcast %squeeze3A_369 : f32 to vector<16xf32>
      %mul3A_371 = arith.mulf %bitcast_convert_type3A_211, %mul3A_370 : vector<16xf32>
      %slice3A_372 = vector.extract_strided_slice %bitcast_convert_type3A_96 {offsets = [3], sizes = [1], strides = [1]} : vector<16xf32> to vector<1xf32>
      %squeeze3A_373 = vector.extract %slice3A_372[0] : f32 from vector<1xf32>
      %mul3A_374 = vector.broadcast %squeeze3A_373 : f32 to vector<16xf32>
      %mul3A_375 = arith.mulf %bitcast_convert_type3A_226, %mul3A_374 : vector<16xf32>
      %add3A_376 = arith.addf %mul3A_371, %mul3A_375 : vector<16xf32>
      %slice3A_377 = vector.extract_strided_slice %bitcast_convert_type3A_111 {offsets = [3], sizes = [1], strides = [1]} : vector<16xf32> to vector<1xf32>
      %squeeze3A_378 = vector.extract %slice3A_377[0] : f32 from vector<1xf32>
      %mul3A_379 = vector.broadcast %squeeze3A_378 : f32 to vector<16xf32>
      %mul3A_380 = arith.mulf %bitcast_convert_type3A_241, %mul3A_379 : vector<16xf32>
      %add3A_381 = arith.addf %add3A_376, %mul3A_380 : vector<16xf32>
      %mul3A_382 = arith.constant -2.000000e+00 : f32
      %mul3A_383 = vector.broadcast %mul3A_382 : f32 to vector<16xf32>
      %mul3A_384 = arith.mulf %mul3A_383, %add3A_381 : vector<16xf32>
      %add3A_385 = arith.addf %mul3A_384, %add3A_196 : vector<16xf32>
      %slice3A_386 = vector.extract_strided_slice %add3A_63 {offsets = [3], sizes = [1], strides = [1]} : vector<16xf32> to vector<1xf32>
      %squeeze3A_387 = vector.extract %slice3A_386[0] : f32 from vector<1xf32>
      %add3A_388 = vector.broadcast %squeeze3A_387 : f32 to vector<16xf32>
      %add3A_389 = arith.addf %add3A_385, %add3A_388 : vector<16xf32>
      %gt3A_390 = arith.constant 4.000000e-02 : f32
      %gt3A_391 = vector.broadcast %gt3A_390 : f32 to vector<16xf32>
      %gt3A_392 = arith.cmpf ogt, %add3A_389, %gt3A_391 : vector<16xf32>
      %not3A_393 = arith.constant dense<true> : vector<16xi1>
      %not3A_394 = arith.xori %gt3A_392, %not3A_393 : vector<16xi1>
      %broadcast_in_dim3A_395 = arith.constant 3 : i32
      %broadcast_in_dim3A_396 = vector.broadcast %broadcast_in_dim3A_395 : i32 to vector<16xi32>
      %select_n3A_397 = arith.select %not3A_394, %broadcast_in_dim3A_396, %broadcast_in_dim3A_34 : vector<16xi1>, vector<16xi32>
      %min3A_398 = arith.minsi %min3A_356, %select_n3A_397 : vector<16xi32>
      %add3A_399 = arith.addi %add3A_367, %broadcast_in_dim3A_245 : vector<16xi32>
      %lt3A_400 = arith.cmpi slt, %add3A_399, %get3A_33 : vector<16xi32>
      %and3A_401 = arith.andi %not3A_394, %lt3A_400 : vector<16xi1>
      %mul3A_402 = arith.constant 512 : i32
      %mul3A_403 = vector.broadcast %mul3A_402 : i32 to vector<16xi32>
      %mul3A_404 = arith.muli %add3A_399, %mul3A_403 : vector<16xi32>
      %add3A_405 = arith.addi %mul3A_404, %add3A_243 : vector<16xi32>
      %broadcast_in_dim3A_406 = arith.constant 3 : i32
      %broadcast_in_dim3A_407 = vector.broadcast %broadcast_in_dim3A_406 : i32 to vector<16xi32>
      tpu.vector_store_idx %arg10[%add3A_405], %broadcast_in_dim3A_407 masked %and3A_401 : memref<8192xi32, #tpu.memory_space<vmem>>[vector<16xi32>], vector<16xi32>, vector<16xi1>
      %convert_element_type3A_408 = arith.extui %not3A_394 : vector<16xi1> to vector<16xi32>
      %add3A_409 = arith.addi %add3A_367, %convert_element_type3A_408 : vector<16xi32>
      %slice3A_410 = vector.extract_strided_slice %bitcast_convert_type3A_81 {offsets = [4], sizes = [1], strides = [1]} : vector<16xf32> to vector<1xf32>
      %squeeze3A_411 = vector.extract %slice3A_410[0] : f32 from vector<1xf32>
      %mul3A_412 = vector.broadcast %squeeze3A_411 : f32 to vector<16xf32>
      %mul3A_413 = arith.mulf %bitcast_convert_type3A_211, %mul3A_412 : vector<16xf32>
      %slice3A_414 = vector.extract_strided_slice %bitcast_convert_type3A_96 {offsets = [4], sizes = [1], strides = [1]} : vector<16xf32> to vector<1xf32>
      %squeeze3A_415 = vector.extract %slice3A_414[0] : f32 from vector<1xf32>
      %mul3A_416 = vector.broadcast %squeeze3A_415 : f32 to vector<16xf32>
      %mul3A_417 = arith.mulf %bitcast_convert_type3A_226, %mul3A_416 : vector<16xf32>
      %add3A_418 = arith.addf %mul3A_413, %mul3A_417 : vector<16xf32>
      %slice3A_419 = vector.extract_strided_slice %bitcast_convert_type3A_111 {offsets = [4], sizes = [1], strides = [1]} : vector<16xf32> to vector<1xf32>
      %squeeze3A_420 = vector.extract %slice3A_419[0] : f32 from vector<1xf32>
      %mul3A_421 = vector.broadcast %squeeze3A_420 : f32 to vector<16xf32>
      %mul3A_422 = arith.mulf %bitcast_convert_type3A_241, %mul3A_421 : vector<16xf32>
      %add3A_423 = arith.addf %add3A_418, %mul3A_422 : vector<16xf32>
      %mul3A_424 = arith.constant -2.000000e+00 : f32
      %mul3A_425 = vector.broadcast %mul3A_424 : f32 to vector<16xf32>
      %mul3A_426 = arith.mulf %mul3A_425, %add3A_423 : vector<16xf32>
      %add3A_427 = arith.addf %mul3A_426, %add3A_196 : vector<16xf32>
      %slice3A_428 = vector.extract_strided_slice %add3A_63 {offsets = [4], sizes = [1], strides = [1]} : vector<16xf32> to vector<1xf32>
      %squeeze3A_429 = vector.extract %slice3A_428[0] : f32 from vector<1xf32>
      %add3A_430 = vector.broadcast %squeeze3A_429 : f32 to vector<16xf32>
      %add3A_431 = arith.addf %add3A_427, %add3A_430 : vector<16xf32>
      %gt3A_432 = arith.constant 4.000000e-02 : f32
      %gt3A_433 = vector.broadcast %gt3A_432 : f32 to vector<16xf32>
      %gt3A_434 = arith.cmpf ogt, %add3A_431, %gt3A_433 : vector<16xf32>
      %not3A_435 = arith.constant dense<true> : vector<16xi1>
      %not3A_436 = arith.xori %gt3A_434, %not3A_435 : vector<16xi1>
      %broadcast_in_dim3A_437 = arith.constant 4 : i32
      %broadcast_in_dim3A_438 = vector.broadcast %broadcast_in_dim3A_437 : i32 to vector<16xi32>
      %select_n3A_439 = arith.select %not3A_436, %broadcast_in_dim3A_438, %broadcast_in_dim3A_34 : vector<16xi1>, vector<16xi32>
      %min3A_440 = arith.minsi %min3A_398, %select_n3A_439 : vector<16xi32>
      %add3A_441 = arith.addi %add3A_409, %broadcast_in_dim3A_245 : vector<16xi32>
      %lt3A_442 = arith.cmpi slt, %add3A_441, %get3A_33 : vector<16xi32>
      %and3A_443 = arith.andi %not3A_436, %lt3A_442 : vector<16xi1>
      %mul3A_444 = arith.constant 512 : i32
      %mul3A_445 = vector.broadcast %mul3A_444 : i32 to vector<16xi32>
      %mul3A_446 = arith.muli %add3A_441, %mul3A_445 : vector<16xi32>
      %add3A_447 = arith.addi %mul3A_446, %add3A_243 : vector<16xi32>
      %broadcast_in_dim3A_448 = arith.constant 4 : i32
      %broadcast_in_dim3A_449 = vector.broadcast %broadcast_in_dim3A_448 : i32 to vector<16xi32>
      tpu.vector_store_idx %arg10[%add3A_447], %broadcast_in_dim3A_449 masked %and3A_443 : memref<8192xi32, #tpu.memory_space<vmem>>[vector<16xi32>], vector<16xi32>, vector<16xi1>
      %convert_element_type3A_450 = arith.extui %not3A_436 : vector<16xi1> to vector<16xi32>
      %add3A_451 = arith.addi %add3A_409, %convert_element_type3A_450 : vector<16xi32>
      %slice3A_452 = vector.extract_strided_slice %bitcast_convert_type3A_81 {offsets = [5], sizes = [1], strides = [1]} : vector<16xf32> to vector<1xf32>
      %squeeze3A_453 = vector.extract %slice3A_452[0] : f32 from vector<1xf32>
      %mul3A_454 = vector.broadcast %squeeze3A_453 : f32 to vector<16xf32>
      %mul3A_455 = arith.mulf %bitcast_convert_type3A_211, %mul3A_454 : vector<16xf32>
      %slice3A_456 = vector.extract_strided_slice %bitcast_convert_type3A_96 {offsets = [5], sizes = [1], strides = [1]} : vector<16xf32> to vector<1xf32>
      %squeeze3A_457 = vector.extract %slice3A_456[0] : f32 from vector<1xf32>
      %mul3A_458 = vector.broadcast %squeeze3A_457 : f32 to vector<16xf32>
      %mul3A_459 = arith.mulf %bitcast_convert_type3A_226, %mul3A_458 : vector<16xf32>
      %add3A_460 = arith.addf %mul3A_455, %mul3A_459 : vector<16xf32>
      %slice3A_461 = vector.extract_strided_slice %bitcast_convert_type3A_111 {offsets = [5], sizes = [1], strides = [1]} : vector<16xf32> to vector<1xf32>
      %squeeze3A_462 = vector.extract %slice3A_461[0] : f32 from vector<1xf32>
      %mul3A_463 = vector.broadcast %squeeze3A_462 : f32 to vector<16xf32>
      %mul3A_464 = arith.mulf %bitcast_convert_type3A_241, %mul3A_463 : vector<16xf32>
      %add3A_465 = arith.addf %add3A_460, %mul3A_464 : vector<16xf32>
      %mul3A_466 = arith.constant -2.000000e+00 : f32
      %mul3A_467 = vector.broadcast %mul3A_466 : f32 to vector<16xf32>
      %mul3A_468 = arith.mulf %mul3A_467, %add3A_465 : vector<16xf32>
      %add3A_469 = arith.addf %mul3A_468, %add3A_196 : vector<16xf32>
      %slice3A_470 = vector.extract_strided_slice %add3A_63 {offsets = [5], sizes = [1], strides = [1]} : vector<16xf32> to vector<1xf32>
      %squeeze3A_471 = vector.extract %slice3A_470[0] : f32 from vector<1xf32>
      %add3A_472 = vector.broadcast %squeeze3A_471 : f32 to vector<16xf32>
      %add3A_473 = arith.addf %add3A_469, %add3A_472 : vector<16xf32>
      %gt3A_474 = arith.constant 4.000000e-02 : f32
      %gt3A_475 = vector.broadcast %gt3A_474 : f32 to vector<16xf32>
      %gt3A_476 = arith.cmpf ogt, %add3A_473, %gt3A_475 : vector<16xf32>
      %not3A_477 = arith.constant dense<true> : vector<16xi1>
      %not3A_478 = arith.xori %gt3A_476, %not3A_477 : vector<16xi1>
      %broadcast_in_dim3A_479 = arith.constant 5 : i32
      %broadcast_in_dim3A_480 = vector.broadcast %broadcast_in_dim3A_479 : i32 to vector<16xi32>
      %select_n3A_481 = arith.select %not3A_478, %broadcast_in_dim3A_480, %broadcast_in_dim3A_34 : vector<16xi1>, vector<16xi32>
      %min3A_482 = arith.minsi %min3A_440, %select_n3A_481 : vector<16xi32>
      %add3A_483 = arith.addi %add3A_451, %broadcast_in_dim3A_245 : vector<16xi32>
      %lt3A_484 = arith.cmpi slt, %add3A_483, %get3A_33 : vector<16xi32>
      %and3A_485 = arith.andi %not3A_478, %lt3A_484 : vector<16xi1>
      %mul3A_486 = arith.constant 512 : i32
      %mul3A_487 = vector.broadcast %mul3A_486 : i32 to vector<16xi32>
      %mul3A_488 = arith.muli %add3A_483, %mul3A_487 : vector<16xi32>
      %add3A_489 = arith.addi %mul3A_488, %add3A_243 : vector<16xi32>
      %broadcast_in_dim3A_490 = arith.constant 5 : i32
      %broadcast_in_dim3A_491 = vector.broadcast %broadcast_in_dim3A_490 : i32 to vector<16xi32>
      tpu.vector_store_idx %arg10[%add3A_489], %broadcast_in_dim3A_491 masked %and3A_485 : memref<8192xi32, #tpu.memory_space<vmem>>[vector<16xi32>], vector<16xi32>, vector<16xi1>
      %convert_element_type3A_492 = arith.extui %not3A_478 : vector<16xi1> to vector<16xi32>
      %add3A_493 = arith.addi %add3A_451, %convert_element_type3A_492 : vector<16xi32>
      %slice3A_494 = vector.extract_strided_slice %bitcast_convert_type3A_81 {offsets = [6], sizes = [1], strides = [1]} : vector<16xf32> to vector<1xf32>
      %squeeze3A_495 = vector.extract %slice3A_494[0] : f32 from vector<1xf32>
      %mul3A_496 = vector.broadcast %squeeze3A_495 : f32 to vector<16xf32>
      %mul3A_497 = arith.mulf %bitcast_convert_type3A_211, %mul3A_496 : vector<16xf32>
      %slice3A_498 = vector.extract_strided_slice %bitcast_convert_type3A_96 {offsets = [6], sizes = [1], strides = [1]} : vector<16xf32> to vector<1xf32>
      %squeeze3A_499 = vector.extract %slice3A_498[0] : f32 from vector<1xf32>
      %mul3A_500 = vector.broadcast %squeeze3A_499 : f32 to vector<16xf32>
      %mul3A_501 = arith.mulf %bitcast_convert_type3A_226, %mul3A_500 : vector<16xf32>
      %add3A_502 = arith.addf %mul3A_497, %mul3A_501 : vector<16xf32>
      %slice3A_503 = vector.extract_strided_slice %bitcast_convert_type3A_111 {offsets = [6], sizes = [1], strides = [1]} : vector<16xf32> to vector<1xf32>
      %squeeze3A_504 = vector.extract %slice3A_503[0] : f32 from vector<1xf32>
      %mul3A_505 = vector.broadcast %squeeze3A_504 : f32 to vector<16xf32>
      %mul3A_506 = arith.mulf %bitcast_convert_type3A_241, %mul3A_505 : vector<16xf32>
      %add3A_507 = arith.addf %add3A_502, %mul3A_506 : vector<16xf32>
      %mul3A_508 = arith.constant -2.000000e+00 : f32
      %mul3A_509 = vector.broadcast %mul3A_508 : f32 to vector<16xf32>
      %mul3A_510 = arith.mulf %mul3A_509, %add3A_507 : vector<16xf32>
      %add3A_511 = arith.addf %mul3A_510, %add3A_196 : vector<16xf32>
      %slice3A_512 = vector.extract_strided_slice %add3A_63 {offsets = [6], sizes = [1], strides = [1]} : vector<16xf32> to vector<1xf32>
      %squeeze3A_513 = vector.extract %slice3A_512[0] : f32 from vector<1xf32>
      %add3A_514 = vector.broadcast %squeeze3A_513 : f32 to vector<16xf32>
      %add3A_515 = arith.addf %add3A_511, %add3A_514 : vector<16xf32>
      %gt3A_516 = arith.constant 4.000000e-02 : f32
      %gt3A_517 = vector.broadcast %gt3A_516 : f32 to vector<16xf32>
      %gt3A_518 = arith.cmpf ogt, %add3A_515, %gt3A_517 : vector<16xf32>
      %not3A_519 = arith.constant dense<true> : vector<16xi1>
      %not3A_520 = arith.xori %gt3A_518, %not3A_519 : vector<16xi1>
      %broadcast_in_dim3A_521 = arith.constant 6 : i32
      %broadcast_in_dim3A_522 = vector.broadcast %broadcast_in_dim3A_521 : i32 to vector<16xi32>
      %select_n3A_523 = arith.select %not3A_520, %broadcast_in_dim3A_522, %broadcast_in_dim3A_34 : vector<16xi1>, vector<16xi32>
      %min3A_524 = arith.minsi %min3A_482, %select_n3A_523 : vector<16xi32>
      %add3A_525 = arith.addi %add3A_493, %broadcast_in_dim3A_245 : vector<16xi32>
      %lt3A_526 = arith.cmpi slt, %add3A_525, %get3A_33 : vector<16xi32>
      %and3A_527 = arith.andi %not3A_520, %lt3A_526 : vector<16xi1>
      %mul3A_528 = arith.constant 512 : i32
      %mul3A_529 = vector.broadcast %mul3A_528 : i32 to vector<16xi32>
      %mul3A_530 = arith.muli %add3A_525, %mul3A_529 : vector<16xi32>
      %add3A_531 = arith.addi %mul3A_530, %add3A_243 : vector<16xi32>
      %broadcast_in_dim3A_532 = arith.constant 6 : i32
      %broadcast_in_dim3A_533 = vector.broadcast %broadcast_in_dim3A_532 : i32 to vector<16xi32>
      tpu.vector_store_idx %arg10[%add3A_531], %broadcast_in_dim3A_533 masked %and3A_527 : memref<8192xi32, #tpu.memory_space<vmem>>[vector<16xi32>], vector<16xi32>, vector<16xi1>
      %convert_element_type3A_534 = arith.extui %not3A_520 : vector<16xi1> to vector<16xi32>
      %add3A_535 = arith.addi %add3A_493, %convert_element_type3A_534 : vector<16xi32>
      %slice3A_536 = vector.extract_strided_slice %bitcast_convert_type3A_81 {offsets = [7], sizes = [1], strides = [1]} : vector<16xf32> to vector<1xf32>
      %squeeze3A_537 = vector.extract %slice3A_536[0] : f32 from vector<1xf32>
      %mul3A_538 = vector.broadcast %squeeze3A_537 : f32 to vector<16xf32>
      %mul3A_539 = arith.mulf %bitcast_convert_type3A_211, %mul3A_538 : vector<16xf32>
      %slice3A_540 = vector.extract_strided_slice %bitcast_convert_type3A_96 {offsets = [7], sizes = [1], strides = [1]} : vector<16xf32> to vector<1xf32>
      %squeeze3A_541 = vector.extract %slice3A_540[0] : f32 from vector<1xf32>
      %mul3A_542 = vector.broadcast %squeeze3A_541 : f32 to vector<16xf32>
      %mul3A_543 = arith.mulf %bitcast_convert_type3A_226, %mul3A_542 : vector<16xf32>
      %add3A_544 = arith.addf %mul3A_539, %mul3A_543 : vector<16xf32>
      %slice3A_545 = vector.extract_strided_slice %bitcast_convert_type3A_111 {offsets = [7], sizes = [1], strides = [1]} : vector<16xf32> to vector<1xf32>
      %squeeze3A_546 = vector.extract %slice3A_545[0] : f32 from vector<1xf32>
      %mul3A_547 = vector.broadcast %squeeze3A_546 : f32 to vector<16xf32>
      %mul3A_548 = arith.mulf %bitcast_convert_type3A_241, %mul3A_547 : vector<16xf32>
      %add3A_549 = arith.addf %add3A_544, %mul3A_548 : vector<16xf32>
      %mul3A_550 = arith.constant -2.000000e+00 : f32
      %mul3A_551 = vector.broadcast %mul3A_550 : f32 to vector<16xf32>
      %mul3A_552 = arith.mulf %mul3A_551, %add3A_549 : vector<16xf32>
      %add3A_553 = arith.addf %mul3A_552, %add3A_196 : vector<16xf32>
      %slice3A_554 = vector.extract_strided_slice %add3A_63 {offsets = [7], sizes = [1], strides = [1]} : vector<16xf32> to vector<1xf32>
      %squeeze3A_555 = vector.extract %slice3A_554[0] : f32 from vector<1xf32>
      %add3A_556 = vector.broadcast %squeeze3A_555 : f32 to vector<16xf32>
      %add3A_557 = arith.addf %add3A_553, %add3A_556 : vector<16xf32>
      %gt3A_558 = arith.constant 4.000000e-02 : f32
      %gt3A_559 = vector.broadcast %gt3A_558 : f32 to vector<16xf32>
      %gt3A_560 = arith.cmpf ogt, %add3A_557, %gt3A_559 : vector<16xf32>
      %not3A_561 = arith.constant dense<true> : vector<16xi1>
      %not3A_562 = arith.xori %gt3A_560, %not3A_561 : vector<16xi1>
      %broadcast_in_dim3A_563 = arith.constant 7 : i32
      %broadcast_in_dim3A_564 = vector.broadcast %broadcast_in_dim3A_563 : i32 to vector<16xi32>
      %select_n3A_565 = arith.select %not3A_562, %broadcast_in_dim3A_564, %broadcast_in_dim3A_34 : vector<16xi1>, vector<16xi32>
      %min3A_566 = arith.minsi %min3A_524, %select_n3A_565 : vector<16xi32>
      %add3A_567 = arith.addi %add3A_535, %broadcast_in_dim3A_245 : vector<16xi32>
      %lt3A_568 = arith.cmpi slt, %add3A_567, %get3A_33 : vector<16xi32>
      %and3A_569 = arith.andi %not3A_562, %lt3A_568 : vector<16xi1>
      %mul3A_570 = arith.constant 512 : i32
      %mul3A_571 = vector.broadcast %mul3A_570 : i32 to vector<16xi32>
      %mul3A_572 = arith.muli %add3A_567, %mul3A_571 : vector<16xi32>
      %add3A_573 = arith.addi %mul3A_572, %add3A_243 : vector<16xi32>
      %broadcast_in_dim3A_574 = arith.constant 7 : i32
      %broadcast_in_dim3A_575 = vector.broadcast %broadcast_in_dim3A_574 : i32 to vector<16xi32>
      tpu.vector_store_idx %arg10[%add3A_573], %broadcast_in_dim3A_575 masked %and3A_569 : memref<8192xi32, #tpu.memory_space<vmem>>[vector<16xi32>], vector<16xi32>, vector<16xi1>
      %convert_element_type3A_576 = arith.extui %not3A_562 : vector<16xi1> to vector<16xi32>
      %add3A_577 = arith.addi %add3A_535, %convert_element_type3A_576 : vector<16xi32>
      %slice3A_578 = vector.extract_strided_slice %bitcast_convert_type3A_81 {offsets = [8], sizes = [1], strides = [1]} : vector<16xf32> to vector<1xf32>
      %squeeze3A_579 = vector.extract %slice3A_578[0] : f32 from vector<1xf32>
      %mul3A_580 = vector.broadcast %squeeze3A_579 : f32 to vector<16xf32>
      %mul3A_581 = arith.mulf %bitcast_convert_type3A_211, %mul3A_580 : vector<16xf32>
      %slice3A_582 = vector.extract_strided_slice %bitcast_convert_type3A_96 {offsets = [8], sizes = [1], strides = [1]} : vector<16xf32> to vector<1xf32>
      %squeeze3A_583 = vector.extract %slice3A_582[0] : f32 from vector<1xf32>
      %mul3A_584 = vector.broadcast %squeeze3A_583 : f32 to vector<16xf32>
      %mul3A_585 = arith.mulf %bitcast_convert_type3A_226, %mul3A_584 : vector<16xf32>
      %add3A_586 = arith.addf %mul3A_581, %mul3A_585 : vector<16xf32>
      %slice3A_587 = vector.extract_strided_slice %bitcast_convert_type3A_111 {offsets = [8], sizes = [1], strides = [1]} : vector<16xf32> to vector<1xf32>
      %squeeze3A_588 = vector.extract %slice3A_587[0] : f32 from vector<1xf32>
      %mul3A_589 = vector.broadcast %squeeze3A_588 : f32 to vector<16xf32>
      %mul3A_590 = arith.mulf %bitcast_convert_type3A_241, %mul3A_589 : vector<16xf32>
      %add3A_591 = arith.addf %add3A_586, %mul3A_590 : vector<16xf32>
      %mul3A_592 = arith.constant -2.000000e+00 : f32
      %mul3A_593 = vector.broadcast %mul3A_592 : f32 to vector<16xf32>
      %mul3A_594 = arith.mulf %mul3A_593, %add3A_591 : vector<16xf32>
      %add3A_595 = arith.addf %mul3A_594, %add3A_196 : vector<16xf32>
      %slice3A_596 = vector.extract_strided_slice %add3A_63 {offsets = [8], sizes = [1], strides = [1]} : vector<16xf32> to vector<1xf32>
      %squeeze3A_597 = vector.extract %slice3A_596[0] : f32 from vector<1xf32>
      %add3A_598 = vector.broadcast %squeeze3A_597 : f32 to vector<16xf32>
      %add3A_599 = arith.addf %add3A_595, %add3A_598 : vector<16xf32>
      %gt3A_600 = arith.constant 4.000000e-02 : f32
      %gt3A_601 = vector.broadcast %gt3A_600 : f32 to vector<16xf32>
      %gt3A_602 = arith.cmpf ogt, %add3A_599, %gt3A_601 : vector<16xf32>
      %not3A_603 = arith.constant dense<true> : vector<16xi1>
      %not3A_604 = arith.xori %gt3A_602, %not3A_603 : vector<16xi1>
      %broadcast_in_dim3A_605 = arith.constant 8 : i32
      %broadcast_in_dim3A_606 = vector.broadcast %broadcast_in_dim3A_605 : i32 to vector<16xi32>
      %select_n3A_607 = arith.select %not3A_604, %broadcast_in_dim3A_606, %broadcast_in_dim3A_34 : vector<16xi1>, vector<16xi32>
      %min3A_608 = arith.minsi %min3A_566, %select_n3A_607 : vector<16xi32>
      %add3A_609 = arith.addi %add3A_577, %broadcast_in_dim3A_245 : vector<16xi32>
      %lt3A_610 = arith.cmpi slt, %add3A_609, %get3A_33 : vector<16xi32>
      %and3A_611 = arith.andi %not3A_604, %lt3A_610 : vector<16xi1>
      %mul3A_612 = arith.constant 512 : i32
      %mul3A_613 = vector.broadcast %mul3A_612 : i32 to vector<16xi32>
      %mul3A_614 = arith.muli %add3A_609, %mul3A_613 : vector<16xi32>
      %add3A_615 = arith.addi %mul3A_614, %add3A_243 : vector<16xi32>
      %broadcast_in_dim3A_616 = arith.constant 8 : i32
      %broadcast_in_dim3A_617 = vector.broadcast %broadcast_in_dim3A_616 : i32 to vector<16xi32>
      tpu.vector_store_idx %arg10[%add3A_615], %broadcast_in_dim3A_617 masked %and3A_611 : memref<8192xi32, #tpu.memory_space<vmem>>[vector<16xi32>], vector<16xi32>, vector<16xi1>
      %convert_element_type3A_618 = arith.extui %not3A_604 : vector<16xi1> to vector<16xi32>
      %add3A_619 = arith.addi %add3A_577, %convert_element_type3A_618 : vector<16xi32>
      %slice3A_620 = vector.extract_strided_slice %bitcast_convert_type3A_81 {offsets = [9], sizes = [1], strides = [1]} : vector<16xf32> to vector<1xf32>
      %squeeze3A_621 = vector.extract %slice3A_620[0] : f32 from vector<1xf32>
      %mul3A_622 = vector.broadcast %squeeze3A_621 : f32 to vector<16xf32>
      %mul3A_623 = arith.mulf %bitcast_convert_type3A_211, %mul3A_622 : vector<16xf32>
      %slice3A_624 = vector.extract_strided_slice %bitcast_convert_type3A_96 {offsets = [9], sizes = [1], strides = [1]} : vector<16xf32> to vector<1xf32>
      %squeeze3A_625 = vector.extract %slice3A_624[0] : f32 from vector<1xf32>
      %mul3A_626 = vector.broadcast %squeeze3A_625 : f32 to vector<16xf32>
      %mul3A_627 = arith.mulf %bitcast_convert_type3A_226, %mul3A_626 : vector<16xf32>
      %add3A_628 = arith.addf %mul3A_623, %mul3A_627 : vector<16xf32>
      %slice3A_629 = vector.extract_strided_slice %bitcast_convert_type3A_111 {offsets = [9], sizes = [1], strides = [1]} : vector<16xf32> to vector<1xf32>
      %squeeze3A_630 = vector.extract %slice3A_629[0] : f32 from vector<1xf32>
      %mul3A_631 = vector.broadcast %squeeze3A_630 : f32 to vector<16xf32>
      %mul3A_632 = arith.mulf %bitcast_convert_type3A_241, %mul3A_631 : vector<16xf32>
      %add3A_633 = arith.addf %add3A_628, %mul3A_632 : vector<16xf32>
      %mul3A_634 = arith.constant -2.000000e+00 : f32
      %mul3A_635 = vector.broadcast %mul3A_634 : f32 to vector<16xf32>
      %mul3A_636 = arith.mulf %mul3A_635, %add3A_633 : vector<16xf32>
      %add3A_637 = arith.addf %mul3A_636, %add3A_196 : vector<16xf32>
      %slice3A_638 = vector.extract_strided_slice %add3A_63 {offsets = [9], sizes = [1], strides = [1]} : vector<16xf32> to vector<1xf32>
      %squeeze3A_639 = vector.extract %slice3A_638[0] : f32 from vector<1xf32>
      %add3A_640 = vector.broadcast %squeeze3A_639 : f32 to vector<16xf32>
      %add3A_641 = arith.addf %add3A_637, %add3A_640 : vector<16xf32>
      %gt3A_642 = arith.constant 4.000000e-02 : f32
      %gt3A_643 = vector.broadcast %gt3A_642 : f32 to vector<16xf32>
      %gt3A_644 = arith.cmpf ogt, %add3A_641, %gt3A_643 : vector<16xf32>
      %not3A_645 = arith.constant dense<true> : vector<16xi1>
      %not3A_646 = arith.xori %gt3A_644, %not3A_645 : vector<16xi1>
      %broadcast_in_dim3A_647 = arith.constant 9 : i32
      %broadcast_in_dim3A_648 = vector.broadcast %broadcast_in_dim3A_647 : i32 to vector<16xi32>
      %select_n3A_649 = arith.select %not3A_646, %broadcast_in_dim3A_648, %broadcast_in_dim3A_34 : vector<16xi1>, vector<16xi32>
      %min3A_650 = arith.minsi %min3A_608, %select_n3A_649 : vector<16xi32>
      %add3A_651 = arith.addi %add3A_619, %broadcast_in_dim3A_245 : vector<16xi32>
      %lt3A_652 = arith.cmpi slt, %add3A_651, %get3A_33 : vector<16xi32>
      %and3A_653 = arith.andi %not3A_646, %lt3A_652 : vector<16xi1>
      %mul3A_654 = arith.constant 512 : i32
      %mul3A_655 = vector.broadcast %mul3A_654 : i32 to vector<16xi32>
      %mul3A_656 = arith.muli %add3A_651, %mul3A_655 : vector<16xi32>
      %add3A_657 = arith.addi %mul3A_656, %add3A_243 : vector<16xi32>
      %broadcast_in_dim3A_658 = arith.constant 9 : i32
      %broadcast_in_dim3A_659 = vector.broadcast %broadcast_in_dim3A_658 : i32 to vector<16xi32>
      tpu.vector_store_idx %arg10[%add3A_657], %broadcast_in_dim3A_659 masked %and3A_653 : memref<8192xi32, #tpu.memory_space<vmem>>[vector<16xi32>], vector<16xi32>, vector<16xi1>
      %convert_element_type3A_660 = arith.extui %not3A_646 : vector<16xi1> to vector<16xi32>
      %add3A_661 = arith.addi %add3A_619, %convert_element_type3A_660 : vector<16xi32>
      %slice3A_662 = vector.extract_strided_slice %bitcast_convert_type3A_81 {offsets = [10], sizes = [1], strides = [1]} : vector<16xf32> to vector<1xf32>
      %squeeze3A_663 = vector.extract %slice3A_662[0] : f32 from vector<1xf32>
      %mul3A_664 = vector.broadcast %squeeze3A_663 : f32 to vector<16xf32>
      %mul3A_665 = arith.mulf %bitcast_convert_type3A_211, %mul3A_664 : vector<16xf32>
      %slice3A_666 = vector.extract_strided_slice %bitcast_convert_type3A_96 {offsets = [10], sizes = [1], strides = [1]} : vector<16xf32> to vector<1xf32>
      %squeeze3A_667 = vector.extract %slice3A_666[0] : f32 from vector<1xf32>
      %mul3A_668 = vector.broadcast %squeeze3A_667 : f32 to vector<16xf32>
      %mul3A_669 = arith.mulf %bitcast_convert_type3A_226, %mul3A_668 : vector<16xf32>
      %add3A_670 = arith.addf %mul3A_665, %mul3A_669 : vector<16xf32>
      %slice3A_671 = vector.extract_strided_slice %bitcast_convert_type3A_111 {offsets = [10], sizes = [1], strides = [1]} : vector<16xf32> to vector<1xf32>
      %squeeze3A_672 = vector.extract %slice3A_671[0] : f32 from vector<1xf32>
      %mul3A_673 = vector.broadcast %squeeze3A_672 : f32 to vector<16xf32>
      %mul3A_674 = arith.mulf %bitcast_convert_type3A_241, %mul3A_673 : vector<16xf32>
      %add3A_675 = arith.addf %add3A_670, %mul3A_674 : vector<16xf32>
      %mul3A_676 = arith.constant -2.000000e+00 : f32
      %mul3A_677 = vector.broadcast %mul3A_676 : f32 to vector<16xf32>
      %mul3A_678 = arith.mulf %mul3A_677, %add3A_675 : vector<16xf32>
      %add3A_679 = arith.addf %mul3A_678, %add3A_196 : vector<16xf32>
      %slice3A_680 = vector.extract_strided_slice %add3A_63 {offsets = [10], sizes = [1], strides = [1]} : vector<16xf32> to vector<1xf32>
      %squeeze3A_681 = vector.extract %slice3A_680[0] : f32 from vector<1xf32>
      %add3A_682 = vector.broadcast %squeeze3A_681 : f32 to vector<16xf32>
      %add3A_683 = arith.addf %add3A_679, %add3A_682 : vector<16xf32>
      %gt3A_684 = arith.constant 4.000000e-02 : f32
      %gt3A_685 = vector.broadcast %gt3A_684 : f32 to vector<16xf32>
      %gt3A_686 = arith.cmpf ogt, %add3A_683, %gt3A_685 : vector<16xf32>
      %not3A_687 = arith.constant dense<true> : vector<16xi1>
      %not3A_688 = arith.xori %gt3A_686, %not3A_687 : vector<16xi1>
      %broadcast_in_dim3A_689 = arith.constant 10 : i32
      %broadcast_in_dim3A_690 = vector.broadcast %broadcast_in_dim3A_689 : i32 to vector<16xi32>
      %select_n3A_691 = arith.select %not3A_688, %broadcast_in_dim3A_690, %broadcast_in_dim3A_34 : vector<16xi1>, vector<16xi32>
      %min3A_692 = arith.minsi %min3A_650, %select_n3A_691 : vector<16xi32>
      %add3A_693 = arith.addi %add3A_661, %broadcast_in_dim3A_245 : vector<16xi32>
      %lt3A_694 = arith.cmpi slt, %add3A_693, %get3A_33 : vector<16xi32>
      %and3A_695 = arith.andi %not3A_688, %lt3A_694 : vector<16xi1>
      %mul3A_696 = arith.constant 512 : i32
      %mul3A_697 = vector.broadcast %mul3A_696 : i32 to vector<16xi32>
      %mul3A_698 = arith.muli %add3A_693, %mul3A_697 : vector<16xi32>
      %add3A_699 = arith.addi %mul3A_698, %add3A_243 : vector<16xi32>
      %broadcast_in_dim3A_700 = arith.constant 10 : i32
      %broadcast_in_dim3A_701 = vector.broadcast %broadcast_in_dim3A_700 : i32 to vector<16xi32>
      tpu.vector_store_idx %arg10[%add3A_699], %broadcast_in_dim3A_701 masked %and3A_695 : memref<8192xi32, #tpu.memory_space<vmem>>[vector<16xi32>], vector<16xi32>, vector<16xi1>
      %convert_element_type3A_702 = arith.extui %not3A_688 : vector<16xi1> to vector<16xi32>
      %add3A_703 = arith.addi %add3A_661, %convert_element_type3A_702 : vector<16xi32>
      %slice3A_704 = vector.extract_strided_slice %bitcast_convert_type3A_81 {offsets = [11], sizes = [1], strides = [1]} : vector<16xf32> to vector<1xf32>
      %squeeze3A_705 = vector.extract %slice3A_704[0] : f32 from vector<1xf32>
      %mul3A_706 = vector.broadcast %squeeze3A_705 : f32 to vector<16xf32>
      %mul3A_707 = arith.mulf %bitcast_convert_type3A_211, %mul3A_706 : vector<16xf32>
      %slice3A_708 = vector.extract_strided_slice %bitcast_convert_type3A_96 {offsets = [11], sizes = [1], strides = [1]} : vector<16xf32> to vector<1xf32>
      %squeeze3A_709 = vector.extract %slice3A_708[0] : f32 from vector<1xf32>
      %mul3A_710 = vector.broadcast %squeeze3A_709 : f32 to vector<16xf32>
      %mul3A_711 = arith.mulf %bitcast_convert_type3A_226, %mul3A_710 : vector<16xf32>
      %add3A_712 = arith.addf %mul3A_707, %mul3A_711 : vector<16xf32>
      %slice3A_713 = vector.extract_strided_slice %bitcast_convert_type3A_111 {offsets = [11], sizes = [1], strides = [1]} : vector<16xf32> to vector<1xf32>
      %squeeze3A_714 = vector.extract %slice3A_713[0] : f32 from vector<1xf32>
      %mul3A_715 = vector.broadcast %squeeze3A_714 : f32 to vector<16xf32>
      %mul3A_716 = arith.mulf %bitcast_convert_type3A_241, %mul3A_715 : vector<16xf32>
      %add3A_717 = arith.addf %add3A_712, %mul3A_716 : vector<16xf32>
      %mul3A_718 = arith.constant -2.000000e+00 : f32
      %mul3A_719 = vector.broadcast %mul3A_718 : f32 to vector<16xf32>
      %mul3A_720 = arith.mulf %mul3A_719, %add3A_717 : vector<16xf32>
      %add3A_721 = arith.addf %mul3A_720, %add3A_196 : vector<16xf32>
      %slice3A_722 = vector.extract_strided_slice %add3A_63 {offsets = [11], sizes = [1], strides = [1]} : vector<16xf32> to vector<1xf32>
      %squeeze3A_723 = vector.extract %slice3A_722[0] : f32 from vector<1xf32>
      %add3A_724 = vector.broadcast %squeeze3A_723 : f32 to vector<16xf32>
      %add3A_725 = arith.addf %add3A_721, %add3A_724 : vector<16xf32>
      %gt3A_726 = arith.constant 4.000000e-02 : f32
      %gt3A_727 = vector.broadcast %gt3A_726 : f32 to vector<16xf32>
      %gt3A_728 = arith.cmpf ogt, %add3A_725, %gt3A_727 : vector<16xf32>
      %not3A_729 = arith.constant dense<true> : vector<16xi1>
      %not3A_730 = arith.xori %gt3A_728, %not3A_729 : vector<16xi1>
      %broadcast_in_dim3A_731 = arith.constant 11 : i32
      %broadcast_in_dim3A_732 = vector.broadcast %broadcast_in_dim3A_731 : i32 to vector<16xi32>
      %select_n3A_733 = arith.select %not3A_730, %broadcast_in_dim3A_732, %broadcast_in_dim3A_34 : vector<16xi1>, vector<16xi32>
      %min3A_734 = arith.minsi %min3A_692, %select_n3A_733 : vector<16xi32>
      %add3A_735 = arith.addi %add3A_703, %broadcast_in_dim3A_245 : vector<16xi32>
      %lt3A_736 = arith.cmpi slt, %add3A_735, %get3A_33 : vector<16xi32>
      %and3A_737 = arith.andi %not3A_730, %lt3A_736 : vector<16xi1>
      %mul3A_738 = arith.constant 512 : i32
      %mul3A_739 = vector.broadcast %mul3A_738 : i32 to vector<16xi32>
      %mul3A_740 = arith.muli %add3A_735, %mul3A_739 : vector<16xi32>
      %add3A_741 = arith.addi %mul3A_740, %add3A_243 : vector<16xi32>
      %broadcast_in_dim3A_742 = arith.constant 11 : i32
      %broadcast_in_dim3A_743 = vector.broadcast %broadcast_in_dim3A_742 : i32 to vector<16xi32>
      tpu.vector_store_idx %arg10[%add3A_741], %broadcast_in_dim3A_743 masked %and3A_737 : memref<8192xi32, #tpu.memory_space<vmem>>[vector<16xi32>], vector<16xi32>, vector<16xi1>
      %convert_element_type3A_744 = arith.extui %not3A_730 : vector<16xi1> to vector<16xi32>
      %add3A_745 = arith.addi %add3A_703, %convert_element_type3A_744 : vector<16xi32>
      %slice3A_746 = vector.extract_strided_slice %bitcast_convert_type3A_81 {offsets = [12], sizes = [1], strides = [1]} : vector<16xf32> to vector<1xf32>
      %squeeze3A_747 = vector.extract %slice3A_746[0] : f32 from vector<1xf32>
      %mul3A_748 = vector.broadcast %squeeze3A_747 : f32 to vector<16xf32>
      %mul3A_749 = arith.mulf %bitcast_convert_type3A_211, %mul3A_748 : vector<16xf32>
      %slice3A_750 = vector.extract_strided_slice %bitcast_convert_type3A_96 {offsets = [12], sizes = [1], strides = [1]} : vector<16xf32> to vector<1xf32>
      %squeeze3A_751 = vector.extract %slice3A_750[0] : f32 from vector<1xf32>
      %mul3A_752 = vector.broadcast %squeeze3A_751 : f32 to vector<16xf32>
      %mul3A_753 = arith.mulf %bitcast_convert_type3A_226, %mul3A_752 : vector<16xf32>
      %add3A_754 = arith.addf %mul3A_749, %mul3A_753 : vector<16xf32>
      %slice3A_755 = vector.extract_strided_slice %bitcast_convert_type3A_111 {offsets = [12], sizes = [1], strides = [1]} : vector<16xf32> to vector<1xf32>
      %squeeze3A_756 = vector.extract %slice3A_755[0] : f32 from vector<1xf32>
      %mul3A_757 = vector.broadcast %squeeze3A_756 : f32 to vector<16xf32>
      %mul3A_758 = arith.mulf %bitcast_convert_type3A_241, %mul3A_757 : vector<16xf32>
      %add3A_759 = arith.addf %add3A_754, %mul3A_758 : vector<16xf32>
      %mul3A_760 = arith.constant -2.000000e+00 : f32
      %mul3A_761 = vector.broadcast %mul3A_760 : f32 to vector<16xf32>
      %mul3A_762 = arith.mulf %mul3A_761, %add3A_759 : vector<16xf32>
      %add3A_763 = arith.addf %mul3A_762, %add3A_196 : vector<16xf32>
      %slice3A_764 = vector.extract_strided_slice %add3A_63 {offsets = [12], sizes = [1], strides = [1]} : vector<16xf32> to vector<1xf32>
      %squeeze3A_765 = vector.extract %slice3A_764[0] : f32 from vector<1xf32>
      %add3A_766 = vector.broadcast %squeeze3A_765 : f32 to vector<16xf32>
      %add3A_767 = arith.addf %add3A_763, %add3A_766 : vector<16xf32>
      %gt3A_768 = arith.constant 4.000000e-02 : f32
      %gt3A_769 = vector.broadcast %gt3A_768 : f32 to vector<16xf32>
      %gt3A_770 = arith.cmpf ogt, %add3A_767, %gt3A_769 : vector<16xf32>
      %not3A_771 = arith.constant dense<true> : vector<16xi1>
      %not3A_772 = arith.xori %gt3A_770, %not3A_771 : vector<16xi1>
      %broadcast_in_dim3A_773 = arith.constant 12 : i32
      %broadcast_in_dim3A_774 = vector.broadcast %broadcast_in_dim3A_773 : i32 to vector<16xi32>
      %select_n3A_775 = arith.select %not3A_772, %broadcast_in_dim3A_774, %broadcast_in_dim3A_34 : vector<16xi1>, vector<16xi32>
      %min3A_776 = arith.minsi %min3A_734, %select_n3A_775 : vector<16xi32>
      %add3A_777 = arith.addi %add3A_745, %broadcast_in_dim3A_245 : vector<16xi32>
      %lt3A_778 = arith.cmpi slt, %add3A_777, %get3A_33 : vector<16xi32>
      %and3A_779 = arith.andi %not3A_772, %lt3A_778 : vector<16xi1>
      %mul3A_780 = arith.constant 512 : i32
      %mul3A_781 = vector.broadcast %mul3A_780 : i32 to vector<16xi32>
      %mul3A_782 = arith.muli %add3A_777, %mul3A_781 : vector<16xi32>
      %add3A_783 = arith.addi %mul3A_782, %add3A_243 : vector<16xi32>
      %broadcast_in_dim3A_784 = arith.constant 12 : i32
      %broadcast_in_dim3A_785 = vector.broadcast %broadcast_in_dim3A_784 : i32 to vector<16xi32>
      tpu.vector_store_idx %arg10[%add3A_783], %broadcast_in_dim3A_785 masked %and3A_779 : memref<8192xi32, #tpu.memory_space<vmem>>[vector<16xi32>], vector<16xi32>, vector<16xi1>
      %convert_element_type3A_786 = arith.extui %not3A_772 : vector<16xi1> to vector<16xi32>
      %add3A_787 = arith.addi %add3A_745, %convert_element_type3A_786 : vector<16xi32>
      %slice3A_788 = vector.extract_strided_slice %bitcast_convert_type3A_81 {offsets = [13], sizes = [1], strides = [1]} : vector<16xf32> to vector<1xf32>
      %squeeze3A_789 = vector.extract %slice3A_788[0] : f32 from vector<1xf32>
      %mul3A_790 = vector.broadcast %squeeze3A_789 : f32 to vector<16xf32>
      %mul3A_791 = arith.mulf %bitcast_convert_type3A_211, %mul3A_790 : vector<16xf32>
      %slice3A_792 = vector.extract_strided_slice %bitcast_convert_type3A_96 {offsets = [13], sizes = [1], strides = [1]} : vector<16xf32> to vector<1xf32>
      %squeeze3A_793 = vector.extract %slice3A_792[0] : f32 from vector<1xf32>
      %mul3A_794 = vector.broadcast %squeeze3A_793 : f32 to vector<16xf32>
      %mul3A_795 = arith.mulf %bitcast_convert_type3A_226, %mul3A_794 : vector<16xf32>
      %add3A_796 = arith.addf %mul3A_791, %mul3A_795 : vector<16xf32>
      %slice3A_797 = vector.extract_strided_slice %bitcast_convert_type3A_111 {offsets = [13], sizes = [1], strides = [1]} : vector<16xf32> to vector<1xf32>
      %squeeze3A_798 = vector.extract %slice3A_797[0] : f32 from vector<1xf32>
      %mul3A_799 = vector.broadcast %squeeze3A_798 : f32 to vector<16xf32>
      %mul3A_800 = arith.mulf %bitcast_convert_type3A_241, %mul3A_799 : vector<16xf32>
      %add3A_801 = arith.addf %add3A_796, %mul3A_800 : vector<16xf32>
      %mul3A_802 = arith.constant -2.000000e+00 : f32
      %mul3A_803 = vector.broadcast %mul3A_802 : f32 to vector<16xf32>
      %mul3A_804 = arith.mulf %mul3A_803, %add3A_801 : vector<16xf32>
      %add3A_805 = arith.addf %mul3A_804, %add3A_196 : vector<16xf32>
      %slice3A_806 = vector.extract_strided_slice %add3A_63 {offsets = [13], sizes = [1], strides = [1]} : vector<16xf32> to vector<1xf32>
      %squeeze3A_807 = vector.extract %slice3A_806[0] : f32 from vector<1xf32>
      %add3A_808 = vector.broadcast %squeeze3A_807 : f32 to vector<16xf32>
      %add3A_809 = arith.addf %add3A_805, %add3A_808 : vector<16xf32>
      %gt3A_810 = arith.constant 4.000000e-02 : f32
      %gt3A_811 = vector.broadcast %gt3A_810 : f32 to vector<16xf32>
      %gt3A_812 = arith.cmpf ogt, %add3A_809, %gt3A_811 : vector<16xf32>
      %not3A_813 = arith.constant dense<true> : vector<16xi1>
      %not3A_814 = arith.xori %gt3A_812, %not3A_813 : vector<16xi1>
      %broadcast_in_dim3A_815 = arith.constant 13 : i32
      %broadcast_in_dim3A_816 = vector.broadcast %broadcast_in_dim3A_815 : i32 to vector<16xi32>
      %select_n3A_817 = arith.select %not3A_814, %broadcast_in_dim3A_816, %broadcast_in_dim3A_34 : vector<16xi1>, vector<16xi32>
      %min3A_818 = arith.minsi %min3A_776, %select_n3A_817 : vector<16xi32>
      %add3A_819 = arith.addi %add3A_787, %broadcast_in_dim3A_245 : vector<16xi32>
      %lt3A_820 = arith.cmpi slt, %add3A_819, %get3A_33 : vector<16xi32>
      %and3A_821 = arith.andi %not3A_814, %lt3A_820 : vector<16xi1>
      %mul3A_822 = arith.constant 512 : i32
      %mul3A_823 = vector.broadcast %mul3A_822 : i32 to vector<16xi32>
      %mul3A_824 = arith.muli %add3A_819, %mul3A_823 : vector<16xi32>
      %add3A_825 = arith.addi %mul3A_824, %add3A_243 : vector<16xi32>
      %broadcast_in_dim3A_826 = arith.constant 13 : i32
      %broadcast_in_dim3A_827 = vector.broadcast %broadcast_in_dim3A_826 : i32 to vector<16xi32>
      tpu.vector_store_idx %arg10[%add3A_825], %broadcast_in_dim3A_827 masked %and3A_821 : memref<8192xi32, #tpu.memory_space<vmem>>[vector<16xi32>], vector<16xi32>, vector<16xi1>
      %convert_element_type3A_828 = arith.extui %not3A_814 : vector<16xi1> to vector<16xi32>
      %add3A_829 = arith.addi %add3A_787, %convert_element_type3A_828 : vector<16xi32>
      %slice3A_830 = vector.extract_strided_slice %bitcast_convert_type3A_81 {offsets = [14], sizes = [1], strides = [1]} : vector<16xf32> to vector<1xf32>
      %squeeze3A_831 = vector.extract %slice3A_830[0] : f32 from vector<1xf32>
      %mul3A_832 = vector.broadcast %squeeze3A_831 : f32 to vector<16xf32>
      %mul3A_833 = arith.mulf %bitcast_convert_type3A_211, %mul3A_832 : vector<16xf32>
      %slice3A_834 = vector.extract_strided_slice %bitcast_convert_type3A_96 {offsets = [14], sizes = [1], strides = [1]} : vector<16xf32> to vector<1xf32>
      %squeeze3A_835 = vector.extract %slice3A_834[0] : f32 from vector<1xf32>
      %mul3A_836 = vector.broadcast %squeeze3A_835 : f32 to vector<16xf32>
      %mul3A_837 = arith.mulf %bitcast_convert_type3A_226, %mul3A_836 : vector<16xf32>
      %add3A_838 = arith.addf %mul3A_833, %mul3A_837 : vector<16xf32>
      %slice3A_839 = vector.extract_strided_slice %bitcast_convert_type3A_111 {offsets = [14], sizes = [1], strides = [1]} : vector<16xf32> to vector<1xf32>
      %squeeze3A_840 = vector.extract %slice3A_839[0] : f32 from vector<1xf32>
      %mul3A_841 = vector.broadcast %squeeze3A_840 : f32 to vector<16xf32>
      %mul3A_842 = arith.mulf %bitcast_convert_type3A_241, %mul3A_841 : vector<16xf32>
      %add3A_843 = arith.addf %add3A_838, %mul3A_842 : vector<16xf32>
      %mul3A_844 = arith.constant -2.000000e+00 : f32
      %mul3A_845 = vector.broadcast %mul3A_844 : f32 to vector<16xf32>
      %mul3A_846 = arith.mulf %mul3A_845, %add3A_843 : vector<16xf32>
      %add3A_847 = arith.addf %mul3A_846, %add3A_196 : vector<16xf32>
      %slice3A_848 = vector.extract_strided_slice %add3A_63 {offsets = [14], sizes = [1], strides = [1]} : vector<16xf32> to vector<1xf32>
      %squeeze3A_849 = vector.extract %slice3A_848[0] : f32 from vector<1xf32>
      %add3A_850 = vector.broadcast %squeeze3A_849 : f32 to vector<16xf32>
      %add3A_851 = arith.addf %add3A_847, %add3A_850 : vector<16xf32>
      %gt3A_852 = arith.constant 4.000000e-02 : f32
      %gt3A_853 = vector.broadcast %gt3A_852 : f32 to vector<16xf32>
      %gt3A_854 = arith.cmpf ogt, %add3A_851, %gt3A_853 : vector<16xf32>
      %not3A_855 = arith.constant dense<true> : vector<16xi1>
      %not3A_856 = arith.xori %gt3A_854, %not3A_855 : vector<16xi1>
      %broadcast_in_dim3A_857 = arith.constant 14 : i32
      %broadcast_in_dim3A_858 = vector.broadcast %broadcast_in_dim3A_857 : i32 to vector<16xi32>
      %select_n3A_859 = arith.select %not3A_856, %broadcast_in_dim3A_858, %broadcast_in_dim3A_34 : vector<16xi1>, vector<16xi32>
      %min3A_860 = arith.minsi %min3A_818, %select_n3A_859 : vector<16xi32>
      %add3A_861 = arith.addi %add3A_829, %broadcast_in_dim3A_245 : vector<16xi32>
      %lt3A_862 = arith.cmpi slt, %add3A_861, %get3A_33 : vector<16xi32>
      %and3A_863 = arith.andi %not3A_856, %lt3A_862 : vector<16xi1>
      %mul3A_864 = arith.constant 512 : i32
      %mul3A_865 = vector.broadcast %mul3A_864 : i32 to vector<16xi32>
      %mul3A_866 = arith.muli %add3A_861, %mul3A_865 : vector<16xi32>
      %add3A_867 = arith.addi %mul3A_866, %add3A_243 : vector<16xi32>
      %broadcast_in_dim3A_868 = arith.constant 14 : i32
      %broadcast_in_dim3A_869 = vector.broadcast %broadcast_in_dim3A_868 : i32 to vector<16xi32>
      tpu.vector_store_idx %arg10[%add3A_867], %broadcast_in_dim3A_869 masked %and3A_863 : memref<8192xi32, #tpu.memory_space<vmem>>[vector<16xi32>], vector<16xi32>, vector<16xi1>
      %convert_element_type3A_870 = arith.extui %not3A_856 : vector<16xi1> to vector<16xi32>
      %add3A_871 = arith.addi %add3A_829, %convert_element_type3A_870 : vector<16xi32>
      %slice3A_872 = vector.extract_strided_slice %bitcast_convert_type3A_81 {offsets = [15], sizes = [1], strides = [1]} : vector<16xf32> to vector<1xf32>
      %squeeze3A_873 = vector.extract %slice3A_872[0] : f32 from vector<1xf32>
      %mul3A_874 = vector.broadcast %squeeze3A_873 : f32 to vector<16xf32>
      %mul3A_875 = arith.mulf %bitcast_convert_type3A_211, %mul3A_874 : vector<16xf32>
      %slice3A_876 = vector.extract_strided_slice %bitcast_convert_type3A_96 {offsets = [15], sizes = [1], strides = [1]} : vector<16xf32> to vector<1xf32>
      %squeeze3A_877 = vector.extract %slice3A_876[0] : f32 from vector<1xf32>
      %mul3A_878 = vector.broadcast %squeeze3A_877 : f32 to vector<16xf32>
      %mul3A_879 = arith.mulf %bitcast_convert_type3A_226, %mul3A_878 : vector<16xf32>
      %add3A_880 = arith.addf %mul3A_875, %mul3A_879 : vector<16xf32>
      %slice3A_881 = vector.extract_strided_slice %bitcast_convert_type3A_111 {offsets = [15], sizes = [1], strides = [1]} : vector<16xf32> to vector<1xf32>
      %squeeze3A_882 = vector.extract %slice3A_881[0] : f32 from vector<1xf32>
      %mul3A_883 = vector.broadcast %squeeze3A_882 : f32 to vector<16xf32>
      %mul3A_884 = arith.mulf %bitcast_convert_type3A_241, %mul3A_883 : vector<16xf32>
      %add3A_885 = arith.addf %add3A_880, %mul3A_884 : vector<16xf32>
      %mul3A_886 = arith.constant -2.000000e+00 : f32
      %mul3A_887 = vector.broadcast %mul3A_886 : f32 to vector<16xf32>
      %mul3A_888 = arith.mulf %mul3A_887, %add3A_885 : vector<16xf32>
      %add3A_889 = arith.addf %mul3A_888, %add3A_196 : vector<16xf32>
      %slice3A_890 = vector.extract_strided_slice %add3A_63 {offsets = [15], sizes = [1], strides = [1]} : vector<16xf32> to vector<1xf32>
      %squeeze3A_891 = vector.extract %slice3A_890[0] : f32 from vector<1xf32>
      %add3A_892 = vector.broadcast %squeeze3A_891 : f32 to vector<16xf32>
      %add3A_893 = arith.addf %add3A_889, %add3A_892 : vector<16xf32>
      %gt3A_894 = arith.constant 4.000000e-02 : f32
      %gt3A_895 = vector.broadcast %gt3A_894 : f32 to vector<16xf32>
      %gt3A_896 = arith.cmpf ogt, %add3A_893, %gt3A_895 : vector<16xf32>
      %not3A_897 = arith.constant dense<true> : vector<16xi1>
      %not3A_898 = arith.xori %gt3A_896, %not3A_897 : vector<16xi1>
      %broadcast_in_dim3A_899 = arith.constant 15 : i32
      %broadcast_in_dim3A_900 = vector.broadcast %broadcast_in_dim3A_899 : i32 to vector<16xi32>
      %select_n3A_901 = arith.select %not3A_898, %broadcast_in_dim3A_900, %broadcast_in_dim3A_34 : vector<16xi1>, vector<16xi32>
      %min3A_902 = arith.minsi %min3A_860, %select_n3A_901 : vector<16xi32>
      %add3A_903 = arith.addi %add3A_871, %broadcast_in_dim3A_245 : vector<16xi32>
      %lt3A_904 = arith.cmpi slt, %add3A_903, %get3A_33 : vector<16xi32>
      %and3A_905 = arith.andi %not3A_898, %lt3A_904 : vector<16xi1>
      %mul3A_906 = arith.constant 512 : i32
      %mul3A_907 = vector.broadcast %mul3A_906 : i32 to vector<16xi32>
      %mul3A_908 = arith.muli %add3A_903, %mul3A_907 : vector<16xi32>
      %add3A_909 = arith.addi %mul3A_908, %add3A_243 : vector<16xi32>
      %broadcast_in_dim3A_910 = arith.constant 15 : i32
      %broadcast_in_dim3A_911 = vector.broadcast %broadcast_in_dim3A_910 : i32 to vector<16xi32>
      tpu.vector_store_idx %arg10[%add3A_909], %broadcast_in_dim3A_911 masked %and3A_905 : memref<8192xi32, #tpu.memory_space<vmem>>[vector<16xi32>], vector<16xi32>, vector<16xi1>
      %convert_element_type3A_912 = arith.extui %not3A_898 : vector<16xi1> to vector<16xi32>
      %add3A_913 = arith.addi %add3A_871, %convert_element_type3A_912 : vector<16xi32>
      %broadcast_in_dim3A_914 = arith.constant 0 : i32
      %broadcast_in_dim3A_915 = vector.broadcast %broadcast_in_dim3A_914 : i32 to vector<16xi32>
      %slice3A_916 = vector.extract_strided_slice %bitcast_convert_type3A_126 {offsets = [0], sizes = [1], strides = [1]} : vector<16xf32> to vector<1xf32>
      %squeeze3A_917 = vector.extract %slice3A_916[0] : f32 from vector<1xf32>
      %mul3A_918 = vector.broadcast %squeeze3A_917 : f32 to vector<16xf32>
      %mul3A_919 = arith.mulf %bitcast_convert_type3A_211, %mul3A_918 : vector<16xf32>
      %slice3A_920 = vector.extract_strided_slice %bitcast_convert_type3A_141 {offsets = [0], sizes = [1], strides = [1]} : vector<16xf32> to vector<1xf32>
      %squeeze3A_921 = vector.extract %slice3A_920[0] : f32 from vector<1xf32>
      %mul3A_922 = vector.broadcast %squeeze3A_921 : f32 to vector<16xf32>
      %mul3A_923 = arith.mulf %bitcast_convert_type3A_226, %mul3A_922 : vector<16xf32>
      %add3A_924 = arith.addf %mul3A_919, %mul3A_923 : vector<16xf32>
      %slice3A_925 = vector.extract_strided_slice %bitcast_convert_type3A_156 {offsets = [0], sizes = [1], strides = [1]} : vector<16xf32> to vector<1xf32>
      %squeeze3A_926 = vector.extract %slice3A_925[0] : f32 from vector<1xf32>
      %mul3A_927 = vector.broadcast %squeeze3A_926 : f32 to vector<16xf32>
      %mul3A_928 = arith.mulf %bitcast_convert_type3A_241, %mul3A_927 : vector<16xf32>
      %add3A_929 = arith.addf %add3A_924, %mul3A_928 : vector<16xf32>
      %mul3A_930 = arith.constant -2.000000e+00 : f32
      %mul3A_931 = vector.broadcast %mul3A_930 : f32 to vector<16xf32>
      %mul3A_932 = arith.mulf %mul3A_931, %add3A_929 : vector<16xf32>
      %add3A_933 = arith.addf %mul3A_932, %add3A_196 : vector<16xf32>
      %slice3A_934 = vector.extract_strided_slice %add3A_68 {offsets = [0], sizes = [1], strides = [1]} : vector<16xf32> to vector<1xf32>
      %squeeze3A_935 = vector.extract %slice3A_934[0] : f32 from vector<1xf32>
      %add3A_936 = vector.broadcast %squeeze3A_935 : f32 to vector<16xf32>
      %add3A_937 = arith.addf %add3A_933, %add3A_936 : vector<16xf32>
      %gt3A_938 = arith.constant 4.000000e-02 : f32
      %gt3A_939 = vector.broadcast %gt3A_938 : f32 to vector<16xf32>
      %gt3A_940 = arith.cmpf ogt, %add3A_937, %gt3A_939 : vector<16xf32>
      %not3A_941 = arith.constant dense<true> : vector<16xi1>
      %not3A_942 = arith.xori %gt3A_940, %not3A_941 : vector<16xi1>
      %broadcast_in_dim3A_943 = arith.constant 0 : i32
      %broadcast_in_dim3A_944 = vector.broadcast %broadcast_in_dim3A_943 : i32 to vector<16xi32>
      %select_n3A_945 = arith.select %not3A_942, %broadcast_in_dim3A_944, %broadcast_in_dim3A_34 : vector<16xi1>, vector<16xi32>
      %min3A_946 = arith.minsi %broadcast_in_dim3A_34, %select_n3A_945 : vector<16xi32>
      %add3A_947 = arith.addi %broadcast_in_dim3A_915, %get3A_33 : vector<16xi32>
      %lt3A_948 = arith.cmpi slt, %add3A_947, %broadcast_in_dim3A_34 : vector<16xi32>
      %and3A_949 = arith.andi %not3A_942, %lt3A_948 : vector<16xi1>
      %mul3A_950 = arith.constant 512 : i32
      %mul3A_951 = vector.broadcast %mul3A_950 : i32 to vector<16xi32>
      %mul3A_952 = arith.muli %add3A_947, %mul3A_951 : vector<16xi32>
      %add3A_953 = arith.addi %mul3A_952, %add3A_243 : vector<16xi32>
      %broadcast_in_dim3A_954 = arith.constant 17 : i32
      %broadcast_in_dim3A_955 = vector.broadcast %broadcast_in_dim3A_954 : i32 to vector<16xi32>
      tpu.vector_store_idx %arg10[%add3A_953], %broadcast_in_dim3A_955 masked %and3A_949 : memref<8192xi32, #tpu.memory_space<vmem>>[vector<16xi32>], vector<16xi32>, vector<16xi1>
      %convert_element_type3A_956 = arith.extui %not3A_942 : vector<16xi1> to vector<16xi32>
      %add3A_957 = arith.addi %broadcast_in_dim3A_915, %convert_element_type3A_956 : vector<16xi32>
      %slice3A_958 = vector.extract_strided_slice %bitcast_convert_type3A_126 {offsets = [1], sizes = [1], strides = [1]} : vector<16xf32> to vector<1xf32>
      %squeeze3A_959 = vector.extract %slice3A_958[0] : f32 from vector<1xf32>
      %mul3A_960 = vector.broadcast %squeeze3A_959 : f32 to vector<16xf32>
      %mul3A_961 = arith.mulf %bitcast_convert_type3A_211, %mul3A_960 : vector<16xf32>
      %slice3A_962 = vector.extract_strided_slice %bitcast_convert_type3A_141 {offsets = [1], sizes = [1], strides = [1]} : vector<16xf32> to vector<1xf32>
      %squeeze3A_963 = vector.extract %slice3A_962[0] : f32 from vector<1xf32>
      %mul3A_964 = vector.broadcast %squeeze3A_963 : f32 to vector<16xf32>
      %mul3A_965 = arith.mulf %bitcast_convert_type3A_226, %mul3A_964 : vector<16xf32>
      %add3A_966 = arith.addf %mul3A_961, %mul3A_965 : vector<16xf32>
      %slice3A_967 = vector.extract_strided_slice %bitcast_convert_type3A_156 {offsets = [1], sizes = [1], strides = [1]} : vector<16xf32> to vector<1xf32>
      %squeeze3A_968 = vector.extract %slice3A_967[0] : f32 from vector<1xf32>
      %mul3A_969 = vector.broadcast %squeeze3A_968 : f32 to vector<16xf32>
      %mul3A_970 = arith.mulf %bitcast_convert_type3A_241, %mul3A_969 : vector<16xf32>
      %add3A_971 = arith.addf %add3A_966, %mul3A_970 : vector<16xf32>
      %mul3A_972 = arith.constant -2.000000e+00 : f32
      %mul3A_973 = vector.broadcast %mul3A_972 : f32 to vector<16xf32>
      %mul3A_974 = arith.mulf %mul3A_973, %add3A_971 : vector<16xf32>
      %add3A_975 = arith.addf %mul3A_974, %add3A_196 : vector<16xf32>
      %slice3A_976 = vector.extract_strided_slice %add3A_68 {offsets = [1], sizes = [1], strides = [1]} : vector<16xf32> to vector<1xf32>
      %squeeze3A_977 = vector.extract %slice3A_976[0] : f32 from vector<1xf32>
      %add3A_978 = vector.broadcast %squeeze3A_977 : f32 to vector<16xf32>
      %add3A_979 = arith.addf %add3A_975, %add3A_978 : vector<16xf32>
      %gt3A_980 = arith.constant 4.000000e-02 : f32
      %gt3A_981 = vector.broadcast %gt3A_980 : f32 to vector<16xf32>
      %gt3A_982 = arith.cmpf ogt, %add3A_979, %gt3A_981 : vector<16xf32>
      %not3A_983 = arith.constant dense<true> : vector<16xi1>
      %not3A_984 = arith.xori %gt3A_982, %not3A_983 : vector<16xi1>
      %broadcast_in_dim3A_985 = arith.constant 1 : i32
      %broadcast_in_dim3A_986 = vector.broadcast %broadcast_in_dim3A_985 : i32 to vector<16xi32>
      %select_n3A_987 = arith.select %not3A_984, %broadcast_in_dim3A_986, %broadcast_in_dim3A_34 : vector<16xi1>, vector<16xi32>
      %min3A_988 = arith.minsi %min3A_946, %select_n3A_987 : vector<16xi32>
      %add3A_989 = arith.addi %add3A_957, %get3A_33 : vector<16xi32>
      %lt3A_990 = arith.cmpi slt, %add3A_989, %broadcast_in_dim3A_34 : vector<16xi32>
      %and3A_991 = arith.andi %not3A_984, %lt3A_990 : vector<16xi1>
      %mul3A_992 = arith.constant 512 : i32
      %mul3A_993 = vector.broadcast %mul3A_992 : i32 to vector<16xi32>
      %mul3A_994 = arith.muli %add3A_989, %mul3A_993 : vector<16xi32>
      %add3A_995 = arith.addi %mul3A_994, %add3A_243 : vector<16xi32>
      %broadcast_in_dim3A_996 = arith.constant 18 : i32
      %broadcast_in_dim3A_997 = vector.broadcast %broadcast_in_dim3A_996 : i32 to vector<16xi32>
      tpu.vector_store_idx %arg10[%add3A_995], %broadcast_in_dim3A_997 masked %and3A_991 : memref<8192xi32, #tpu.memory_space<vmem>>[vector<16xi32>], vector<16xi32>, vector<16xi1>
      %convert_element_type3A_998 = arith.extui %not3A_984 : vector<16xi1> to vector<16xi32>
      %add3A_999 = arith.addi %add3A_957, %convert_element_type3A_998 : vector<16xi32>
      %slice3A_1000 = vector.extract_strided_slice %bitcast_convert_type3A_126 {offsets = [2], sizes = [1], strides = [1]} : vector<16xf32> to vector<1xf32>
      %squeeze3A_1001 = vector.extract %slice3A_1000[0] : f32 from vector<1xf32>
      %mul3A_1002 = vector.broadcast %squeeze3A_1001 : f32 to vector<16xf32>
      %mul3A_1003 = arith.mulf %bitcast_convert_type3A_211, %mul3A_1002 : vector<16xf32>
      %slice3A_1004 = vector.extract_strided_slice %bitcast_convert_type3A_141 {offsets = [2], sizes = [1], strides = [1]} : vector<16xf32> to vector<1xf32>
      %squeeze3A_1005 = vector.extract %slice3A_1004[0] : f32 from vector<1xf32>
      %mul3A_1006 = vector.broadcast %squeeze3A_1005 : f32 to vector<16xf32>
      %mul3A_1007 = arith.mulf %bitcast_convert_type3A_226, %mul3A_1006 : vector<16xf32>
      %add3A_1008 = arith.addf %mul3A_1003, %mul3A_1007 : vector<16xf32>
      %slice3A_1009 = vector.extract_strided_slice %bitcast_convert_type3A_156 {offsets = [2], sizes = [1], strides = [1]} : vector<16xf32> to vector<1xf32>
      %squeeze3A_1010 = vector.extract %slice3A_1009[0] : f32 from vector<1xf32>
      %mul3A_1011 = vector.broadcast %squeeze3A_1010 : f32 to vector<16xf32>
      %mul3A_1012 = arith.mulf %bitcast_convert_type3A_241, %mul3A_1011 : vector<16xf32>
      %add3A_1013 = arith.addf %add3A_1008, %mul3A_1012 : vector<16xf32>
      %mul3A_1014 = arith.constant -2.000000e+00 : f32
      %mul3A_1015 = vector.broadcast %mul3A_1014 : f32 to vector<16xf32>
      %mul3A_1016 = arith.mulf %mul3A_1015, %add3A_1013 : vector<16xf32>
      %add3A_1017 = arith.addf %mul3A_1016, %add3A_196 : vector<16xf32>
      %slice3A_1018 = vector.extract_strided_slice %add3A_68 {offsets = [2], sizes = [1], strides = [1]} : vector<16xf32> to vector<1xf32>
      %squeeze3A_1019 = vector.extract %slice3A_1018[0] : f32 from vector<1xf32>
      %add3A_1020 = vector.broadcast %squeeze3A_1019 : f32 to vector<16xf32>
      %add3A_1021 = arith.addf %add3A_1017, %add3A_1020 : vector<16xf32>
      %gt3A_1022 = arith.constant 4.000000e-02 : f32
      %gt3A_1023 = vector.broadcast %gt3A_1022 : f32 to vector<16xf32>
      %gt3A_1024 = arith.cmpf ogt, %add3A_1021, %gt3A_1023 : vector<16xf32>
      %not3A_1025 = arith.constant dense<true> : vector<16xi1>
      %not3A_1026 = arith.xori %gt3A_1024, %not3A_1025 : vector<16xi1>
      %broadcast_in_dim3A_1027 = arith.constant 2 : i32
      %broadcast_in_dim3A_1028 = vector.broadcast %broadcast_in_dim3A_1027 : i32 to vector<16xi32>
      %select_n3A_1029 = arith.select %not3A_1026, %broadcast_in_dim3A_1028, %broadcast_in_dim3A_34 : vector<16xi1>, vector<16xi32>
      %min3A_1030 = arith.minsi %min3A_988, %select_n3A_1029 : vector<16xi32>
      %add3A_1031 = arith.addi %add3A_999, %get3A_33 : vector<16xi32>
      %lt3A_1032 = arith.cmpi slt, %add3A_1031, %broadcast_in_dim3A_34 : vector<16xi32>
      %and3A_1033 = arith.andi %not3A_1026, %lt3A_1032 : vector<16xi1>
      %mul3A_1034 = arith.constant 512 : i32
      %mul3A_1035 = vector.broadcast %mul3A_1034 : i32 to vector<16xi32>
      %mul3A_1036 = arith.muli %add3A_1031, %mul3A_1035 : vector<16xi32>
      %add3A_1037 = arith.addi %mul3A_1036, %add3A_243 : vector<16xi32>
      %broadcast_in_dim3A_1038 = arith.constant 19 : i32
      %broadcast_in_dim3A_1039 = vector.broadcast %broadcast_in_dim3A_1038 : i32 to vector<16xi32>
      tpu.vector_store_idx %arg10[%add3A_1037], %broadcast_in_dim3A_1039 masked %and3A_1033 : memref<8192xi32, #tpu.memory_space<vmem>>[vector<16xi32>], vector<16xi32>, vector<16xi1>
      %convert_element_type3A_1040 = arith.extui %not3A_1026 : vector<16xi1> to vector<16xi32>
      %add3A_1041 = arith.addi %add3A_999, %convert_element_type3A_1040 : vector<16xi32>
      %slice3A_1042 = vector.extract_strided_slice %bitcast_convert_type3A_126 {offsets = [3], sizes = [1], strides = [1]} : vector<16xf32> to vector<1xf32>
      %squeeze3A_1043 = vector.extract %slice3A_1042[0] : f32 from vector<1xf32>
      %mul3A_1044 = vector.broadcast %squeeze3A_1043 : f32 to vector<16xf32>
      %mul3A_1045 = arith.mulf %bitcast_convert_type3A_211, %mul3A_1044 : vector<16xf32>
      %slice3A_1046 = vector.extract_strided_slice %bitcast_convert_type3A_141 {offsets = [3], sizes = [1], strides = [1]} : vector<16xf32> to vector<1xf32>
      %squeeze3A_1047 = vector.extract %slice3A_1046[0] : f32 from vector<1xf32>
      %mul3A_1048 = vector.broadcast %squeeze3A_1047 : f32 to vector<16xf32>
      %mul3A_1049 = arith.mulf %bitcast_convert_type3A_226, %mul3A_1048 : vector<16xf32>
      %add3A_1050 = arith.addf %mul3A_1045, %mul3A_1049 : vector<16xf32>
      %slice3A_1051 = vector.extract_strided_slice %bitcast_convert_type3A_156 {offsets = [3], sizes = [1], strides = [1]} : vector<16xf32> to vector<1xf32>
      %squeeze3A_1052 = vector.extract %slice3A_1051[0] : f32 from vector<1xf32>
      %mul3A_1053 = vector.broadcast %squeeze3A_1052 : f32 to vector<16xf32>
      %mul3A_1054 = arith.mulf %bitcast_convert_type3A_241, %mul3A_1053 : vector<16xf32>
      %add3A_1055 = arith.addf %add3A_1050, %mul3A_1054 : vector<16xf32>
      %mul3A_1056 = arith.constant -2.000000e+00 : f32
      %mul3A_1057 = vector.broadcast %mul3A_1056 : f32 to vector<16xf32>
      %mul3A_1058 = arith.mulf %mul3A_1057, %add3A_1055 : vector<16xf32>
      %add3A_1059 = arith.addf %mul3A_1058, %add3A_196 : vector<16xf32>
      %slice3A_1060 = vector.extract_strided_slice %add3A_68 {offsets = [3], sizes = [1], strides = [1]} : vector<16xf32> to vector<1xf32>
      %squeeze3A_1061 = vector.extract %slice3A_1060[0] : f32 from vector<1xf32>
      %add3A_1062 = vector.broadcast %squeeze3A_1061 : f32 to vector<16xf32>
      %add3A_1063 = arith.addf %add3A_1059, %add3A_1062 : vector<16xf32>
      %gt3A_1064 = arith.constant 4.000000e-02 : f32
      %gt3A_1065 = vector.broadcast %gt3A_1064 : f32 to vector<16xf32>
      %gt3A_1066 = arith.cmpf ogt, %add3A_1063, %gt3A_1065 : vector<16xf32>
      %not3A_1067 = arith.constant dense<true> : vector<16xi1>
      %not3A_1068 = arith.xori %gt3A_1066, %not3A_1067 : vector<16xi1>
      %broadcast_in_dim3A_1069 = arith.constant 3 : i32
      %broadcast_in_dim3A_1070 = vector.broadcast %broadcast_in_dim3A_1069 : i32 to vector<16xi32>
      %select_n3A_1071 = arith.select %not3A_1068, %broadcast_in_dim3A_1070, %broadcast_in_dim3A_34 : vector<16xi1>, vector<16xi32>
      %min3A_1072 = arith.minsi %min3A_1030, %select_n3A_1071 : vector<16xi32>
      %add3A_1073 = arith.addi %add3A_1041, %get3A_33 : vector<16xi32>
      %lt3A_1074 = arith.cmpi slt, %add3A_1073, %broadcast_in_dim3A_34 : vector<16xi32>
      %and3A_1075 = arith.andi %not3A_1068, %lt3A_1074 : vector<16xi1>
      %mul3A_1076 = arith.constant 512 : i32
      %mul3A_1077 = vector.broadcast %mul3A_1076 : i32 to vector<16xi32>
      %mul3A_1078 = arith.muli %add3A_1073, %mul3A_1077 : vector<16xi32>
      %add3A_1079 = arith.addi %mul3A_1078, %add3A_243 : vector<16xi32>
      %broadcast_in_dim3A_1080 = arith.constant 20 : i32
      %broadcast_in_dim3A_1081 = vector.broadcast %broadcast_in_dim3A_1080 : i32 to vector<16xi32>
      tpu.vector_store_idx %arg10[%add3A_1079], %broadcast_in_dim3A_1081 masked %and3A_1075 : memref<8192xi32, #tpu.memory_space<vmem>>[vector<16xi32>], vector<16xi32>, vector<16xi1>
      %convert_element_type3A_1082 = arith.extui %not3A_1068 : vector<16xi1> to vector<16xi32>
      %add3A_1083 = arith.addi %add3A_1041, %convert_element_type3A_1082 : vector<16xi32>
      %slice3A_1084 = vector.extract_strided_slice %bitcast_convert_type3A_126 {offsets = [4], sizes = [1], strides = [1]} : vector<16xf32> to vector<1xf32>
      %squeeze3A_1085 = vector.extract %slice3A_1084[0] : f32 from vector<1xf32>
      %mul3A_1086 = vector.broadcast %squeeze3A_1085 : f32 to vector<16xf32>
      %mul3A_1087 = arith.mulf %bitcast_convert_type3A_211, %mul3A_1086 : vector<16xf32>
      %slice3A_1088 = vector.extract_strided_slice %bitcast_convert_type3A_141 {offsets = [4], sizes = [1], strides = [1]} : vector<16xf32> to vector<1xf32>
      %squeeze3A_1089 = vector.extract %slice3A_1088[0] : f32 from vector<1xf32>
      %mul3A_1090 = vector.broadcast %squeeze3A_1089 : f32 to vector<16xf32>
      %mul3A_1091 = arith.mulf %bitcast_convert_type3A_226, %mul3A_1090 : vector<16xf32>
      %add3A_1092 = arith.addf %mul3A_1087, %mul3A_1091 : vector<16xf32>
      %slice3A_1093 = vector.extract_strided_slice %bitcast_convert_type3A_156 {offsets = [4], sizes = [1], strides = [1]} : vector<16xf32> to vector<1xf32>
      %squeeze3A_1094 = vector.extract %slice3A_1093[0] : f32 from vector<1xf32>
      %mul3A_1095 = vector.broadcast %squeeze3A_1094 : f32 to vector<16xf32>
      %mul3A_1096 = arith.mulf %bitcast_convert_type3A_241, %mul3A_1095 : vector<16xf32>
      %add3A_1097 = arith.addf %add3A_1092, %mul3A_1096 : vector<16xf32>
      %mul3A_1098 = arith.constant -2.000000e+00 : f32
      %mul3A_1099 = vector.broadcast %mul3A_1098 : f32 to vector<16xf32>
      %mul3A_1100 = arith.mulf %mul3A_1099, %add3A_1097 : vector<16xf32>
      %add3A_1101 = arith.addf %mul3A_1100, %add3A_196 : vector<16xf32>
      %slice3A_1102 = vector.extract_strided_slice %add3A_68 {offsets = [4], sizes = [1], strides = [1]} : vector<16xf32> to vector<1xf32>
      %squeeze3A_1103 = vector.extract %slice3A_1102[0] : f32 from vector<1xf32>
      %add3A_1104 = vector.broadcast %squeeze3A_1103 : f32 to vector<16xf32>
      %add3A_1105 = arith.addf %add3A_1101, %add3A_1104 : vector<16xf32>
      %gt3A_1106 = arith.constant 4.000000e-02 : f32
      %gt3A_1107 = vector.broadcast %gt3A_1106 : f32 to vector<16xf32>
      %gt3A_1108 = arith.cmpf ogt, %add3A_1105, %gt3A_1107 : vector<16xf32>
      %not3A_1109 = arith.constant dense<true> : vector<16xi1>
      %not3A_1110 = arith.xori %gt3A_1108, %not3A_1109 : vector<16xi1>
      %broadcast_in_dim3A_1111 = arith.constant 4 : i32
      %broadcast_in_dim3A_1112 = vector.broadcast %broadcast_in_dim3A_1111 : i32 to vector<16xi32>
      %select_n3A_1113 = arith.select %not3A_1110, %broadcast_in_dim3A_1112, %broadcast_in_dim3A_34 : vector<16xi1>, vector<16xi32>
      %min3A_1114 = arith.minsi %min3A_1072, %select_n3A_1113 : vector<16xi32>
      %add3A_1115 = arith.addi %add3A_1083, %get3A_33 : vector<16xi32>
      %lt3A_1116 = arith.cmpi slt, %add3A_1115, %broadcast_in_dim3A_34 : vector<16xi32>
      %and3A_1117 = arith.andi %not3A_1110, %lt3A_1116 : vector<16xi1>
      %mul3A_1118 = arith.constant 512 : i32
      %mul3A_1119 = vector.broadcast %mul3A_1118 : i32 to vector<16xi32>
      %mul3A_1120 = arith.muli %add3A_1115, %mul3A_1119 : vector<16xi32>
      %add3A_1121 = arith.addi %mul3A_1120, %add3A_243 : vector<16xi32>
      %broadcast_in_dim3A_1122 = arith.constant 21 : i32
      %broadcast_in_dim3A_1123 = vector.broadcast %broadcast_in_dim3A_1122 : i32 to vector<16xi32>
      tpu.vector_store_idx %arg10[%add3A_1121], %broadcast_in_dim3A_1123 masked %and3A_1117 : memref<8192xi32, #tpu.memory_space<vmem>>[vector<16xi32>], vector<16xi32>, vector<16xi1>
      %convert_element_type3A_1124 = arith.extui %not3A_1110 : vector<16xi1> to vector<16xi32>
      %add3A_1125 = arith.addi %add3A_1083, %convert_element_type3A_1124 : vector<16xi32>
      %slice3A_1126 = vector.extract_strided_slice %bitcast_convert_type3A_126 {offsets = [5], sizes = [1], strides = [1]} : vector<16xf32> to vector<1xf32>
      %squeeze3A_1127 = vector.extract %slice3A_1126[0] : f32 from vector<1xf32>
      %mul3A_1128 = vector.broadcast %squeeze3A_1127 : f32 to vector<16xf32>
      %mul3A_1129 = arith.mulf %bitcast_convert_type3A_211, %mul3A_1128 : vector<16xf32>
      %slice3A_1130 = vector.extract_strided_slice %bitcast_convert_type3A_141 {offsets = [5], sizes = [1], strides = [1]} : vector<16xf32> to vector<1xf32>
      %squeeze3A_1131 = vector.extract %slice3A_1130[0] : f32 from vector<1xf32>
      %mul3A_1132 = vector.broadcast %squeeze3A_1131 : f32 to vector<16xf32>
      %mul3A_1133 = arith.mulf %bitcast_convert_type3A_226, %mul3A_1132 : vector<16xf32>
      %add3A_1134 = arith.addf %mul3A_1129, %mul3A_1133 : vector<16xf32>
      %slice3A_1135 = vector.extract_strided_slice %bitcast_convert_type3A_156 {offsets = [5], sizes = [1], strides = [1]} : vector<16xf32> to vector<1xf32>
      %squeeze3A_1136 = vector.extract %slice3A_1135[0] : f32 from vector<1xf32>
      %mul3A_1137 = vector.broadcast %squeeze3A_1136 : f32 to vector<16xf32>
      %mul3A_1138 = arith.mulf %bitcast_convert_type3A_241, %mul3A_1137 : vector<16xf32>
      %add3A_1139 = arith.addf %add3A_1134, %mul3A_1138 : vector<16xf32>
      %mul3A_1140 = arith.constant -2.000000e+00 : f32
      %mul3A_1141 = vector.broadcast %mul3A_1140 : f32 to vector<16xf32>
      %mul3A_1142 = arith.mulf %mul3A_1141, %add3A_1139 : vector<16xf32>
      %add3A_1143 = arith.addf %mul3A_1142, %add3A_196 : vector<16xf32>
      %slice3A_1144 = vector.extract_strided_slice %add3A_68 {offsets = [5], sizes = [1], strides = [1]} : vector<16xf32> to vector<1xf32>
      %squeeze3A_1145 = vector.extract %slice3A_1144[0] : f32 from vector<1xf32>
      %add3A_1146 = vector.broadcast %squeeze3A_1145 : f32 to vector<16xf32>
      %add3A_1147 = arith.addf %add3A_1143, %add3A_1146 : vector<16xf32>
      %gt3A_1148 = arith.constant 4.000000e-02 : f32
      %gt3A_1149 = vector.broadcast %gt3A_1148 : f32 to vector<16xf32>
      %gt3A_1150 = arith.cmpf ogt, %add3A_1147, %gt3A_1149 : vector<16xf32>
      %not3A_1151 = arith.constant dense<true> : vector<16xi1>
      %not3A_1152 = arith.xori %gt3A_1150, %not3A_1151 : vector<16xi1>
      %broadcast_in_dim3A_1153 = arith.constant 5 : i32
      %broadcast_in_dim3A_1154 = vector.broadcast %broadcast_in_dim3A_1153 : i32 to vector<16xi32>
      %select_n3A_1155 = arith.select %not3A_1152, %broadcast_in_dim3A_1154, %broadcast_in_dim3A_34 : vector<16xi1>, vector<16xi32>
      %min3A_1156 = arith.minsi %min3A_1114, %select_n3A_1155 : vector<16xi32>
      %add3A_1157 = arith.addi %add3A_1125, %get3A_33 : vector<16xi32>
      %lt3A_1158 = arith.cmpi slt, %add3A_1157, %broadcast_in_dim3A_34 : vector<16xi32>
      %and3A_1159 = arith.andi %not3A_1152, %lt3A_1158 : vector<16xi1>
      %mul3A_1160 = arith.constant 512 : i32
      %mul3A_1161 = vector.broadcast %mul3A_1160 : i32 to vector<16xi32>
      %mul3A_1162 = arith.muli %add3A_1157, %mul3A_1161 : vector<16xi32>
      %add3A_1163 = arith.addi %mul3A_1162, %add3A_243 : vector<16xi32>
      %broadcast_in_dim3A_1164 = arith.constant 22 : i32
      %broadcast_in_dim3A_1165 = vector.broadcast %broadcast_in_dim3A_1164 : i32 to vector<16xi32>
      tpu.vector_store_idx %arg10[%add3A_1163], %broadcast_in_dim3A_1165 masked %and3A_1159 : memref<8192xi32, #tpu.memory_space<vmem>>[vector<16xi32>], vector<16xi32>, vector<16xi1>
      %convert_element_type3A_1166 = arith.extui %not3A_1152 : vector<16xi1> to vector<16xi32>
      %add3A_1167 = arith.addi %add3A_1125, %convert_element_type3A_1166 : vector<16xi32>
      %slice3A_1168 = vector.extract_strided_slice %bitcast_convert_type3A_126 {offsets = [6], sizes = [1], strides = [1]} : vector<16xf32> to vector<1xf32>
      %squeeze3A_1169 = vector.extract %slice3A_1168[0] : f32 from vector<1xf32>
      %mul3A_1170 = vector.broadcast %squeeze3A_1169 : f32 to vector<16xf32>
      %mul3A_1171 = arith.mulf %bitcast_convert_type3A_211, %mul3A_1170 : vector<16xf32>
      %slice3A_1172 = vector.extract_strided_slice %bitcast_convert_type3A_141 {offsets = [6], sizes = [1], strides = [1]} : vector<16xf32> to vector<1xf32>
      %squeeze3A_1173 = vector.extract %slice3A_1172[0] : f32 from vector<1xf32>
      %mul3A_1174 = vector.broadcast %squeeze3A_1173 : f32 to vector<16xf32>
      %mul3A_1175 = arith.mulf %bitcast_convert_type3A_226, %mul3A_1174 : vector<16xf32>
      %add3A_1176 = arith.addf %mul3A_1171, %mul3A_1175 : vector<16xf32>
      %slice3A_1177 = vector.extract_strided_slice %bitcast_convert_type3A_156 {offsets = [6], sizes = [1], strides = [1]} : vector<16xf32> to vector<1xf32>
      %squeeze3A_1178 = vector.extract %slice3A_1177[0] : f32 from vector<1xf32>
      %mul3A_1179 = vector.broadcast %squeeze3A_1178 : f32 to vector<16xf32>
      %mul3A_1180 = arith.mulf %bitcast_convert_type3A_241, %mul3A_1179 : vector<16xf32>
      %add3A_1181 = arith.addf %add3A_1176, %mul3A_1180 : vector<16xf32>
      %mul3A_1182 = arith.constant -2.000000e+00 : f32
      %mul3A_1183 = vector.broadcast %mul3A_1182 : f32 to vector<16xf32>
      %mul3A_1184 = arith.mulf %mul3A_1183, %add3A_1181 : vector<16xf32>
      %add3A_1185 = arith.addf %mul3A_1184, %add3A_196 : vector<16xf32>
      %slice3A_1186 = vector.extract_strided_slice %add3A_68 {offsets = [6], sizes = [1], strides = [1]} : vector<16xf32> to vector<1xf32>
      %squeeze3A_1187 = vector.extract %slice3A_1186[0] : f32 from vector<1xf32>
      %add3A_1188 = vector.broadcast %squeeze3A_1187 : f32 to vector<16xf32>
      %add3A_1189 = arith.addf %add3A_1185, %add3A_1188 : vector<16xf32>
      %gt3A_1190 = arith.constant 4.000000e-02 : f32
      %gt3A_1191 = vector.broadcast %gt3A_1190 : f32 to vector<16xf32>
      %gt3A_1192 = arith.cmpf ogt, %add3A_1189, %gt3A_1191 : vector<16xf32>
      %not3A_1193 = arith.constant dense<true> : vector<16xi1>
      %not3A_1194 = arith.xori %gt3A_1192, %not3A_1193 : vector<16xi1>
      %broadcast_in_dim3A_1195 = arith.constant 6 : i32
      %broadcast_in_dim3A_1196 = vector.broadcast %broadcast_in_dim3A_1195 : i32 to vector<16xi32>
      %select_n3A_1197 = arith.select %not3A_1194, %broadcast_in_dim3A_1196, %broadcast_in_dim3A_34 : vector<16xi1>, vector<16xi32>
      %min3A_1198 = arith.minsi %min3A_1156, %select_n3A_1197 : vector<16xi32>
      %add3A_1199 = arith.addi %add3A_1167, %get3A_33 : vector<16xi32>
      %lt3A_1200 = arith.cmpi slt, %add3A_1199, %broadcast_in_dim3A_34 : vector<16xi32>
      %and3A_1201 = arith.andi %not3A_1194, %lt3A_1200 : vector<16xi1>
      %mul3A_1202 = arith.constant 512 : i32
      %mul3A_1203 = vector.broadcast %mul3A_1202 : i32 to vector<16xi32>
      %mul3A_1204 = arith.muli %add3A_1199, %mul3A_1203 : vector<16xi32>
      %add3A_1205 = arith.addi %mul3A_1204, %add3A_243 : vector<16xi32>
      %broadcast_in_dim3A_1206 = arith.constant 23 : i32
      %broadcast_in_dim3A_1207 = vector.broadcast %broadcast_in_dim3A_1206 : i32 to vector<16xi32>
      tpu.vector_store_idx %arg10[%add3A_1205], %broadcast_in_dim3A_1207 masked %and3A_1201 : memref<8192xi32, #tpu.memory_space<vmem>>[vector<16xi32>], vector<16xi32>, vector<16xi1>
      %convert_element_type3A_1208 = arith.extui %not3A_1194 : vector<16xi1> to vector<16xi32>
      %add3A_1209 = arith.addi %add3A_1167, %convert_element_type3A_1208 : vector<16xi32>
      %slice3A_1210 = vector.extract_strided_slice %bitcast_convert_type3A_126 {offsets = [7], sizes = [1], strides = [1]} : vector<16xf32> to vector<1xf32>
      %squeeze3A_1211 = vector.extract %slice3A_1210[0] : f32 from vector<1xf32>
      %mul3A_1212 = vector.broadcast %squeeze3A_1211 : f32 to vector<16xf32>
      %mul3A_1213 = arith.mulf %bitcast_convert_type3A_211, %mul3A_1212 : vector<16xf32>
      %slice3A_1214 = vector.extract_strided_slice %bitcast_convert_type3A_141 {offsets = [7], sizes = [1], strides = [1]} : vector<16xf32> to vector<1xf32>
      %squeeze3A_1215 = vector.extract %slice3A_1214[0] : f32 from vector<1xf32>
      %mul3A_1216 = vector.broadcast %squeeze3A_1215 : f32 to vector<16xf32>
      %mul3A_1217 = arith.mulf %bitcast_convert_type3A_226, %mul3A_1216 : vector<16xf32>
      %add3A_1218 = arith.addf %mul3A_1213, %mul3A_1217 : vector<16xf32>
      %slice3A_1219 = vector.extract_strided_slice %bitcast_convert_type3A_156 {offsets = [7], sizes = [1], strides = [1]} : vector<16xf32> to vector<1xf32>
      %squeeze3A_1220 = vector.extract %slice3A_1219[0] : f32 from vector<1xf32>
      %mul3A_1221 = vector.broadcast %squeeze3A_1220 : f32 to vector<16xf32>
      %mul3A_1222 = arith.mulf %bitcast_convert_type3A_241, %mul3A_1221 : vector<16xf32>
      %add3A_1223 = arith.addf %add3A_1218, %mul3A_1222 : vector<16xf32>
      %mul3A_1224 = arith.constant -2.000000e+00 : f32
      %mul3A_1225 = vector.broadcast %mul3A_1224 : f32 to vector<16xf32>
      %mul3A_1226 = arith.mulf %mul3A_1225, %add3A_1223 : vector<16xf32>
      %add3A_1227 = arith.addf %mul3A_1226, %add3A_196 : vector<16xf32>
      %slice3A_1228 = vector.extract_strided_slice %add3A_68 {offsets = [7], sizes = [1], strides = [1]} : vector<16xf32> to vector<1xf32>
      %squeeze3A_1229 = vector.extract %slice3A_1228[0] : f32 from vector<1xf32>
      %add3A_1230 = vector.broadcast %squeeze3A_1229 : f32 to vector<16xf32>
      %add3A_1231 = arith.addf %add3A_1227, %add3A_1230 : vector<16xf32>
      %gt3A_1232 = arith.constant 4.000000e-02 : f32
      %gt3A_1233 = vector.broadcast %gt3A_1232 : f32 to vector<16xf32>
      %gt3A_1234 = arith.cmpf ogt, %add3A_1231, %gt3A_1233 : vector<16xf32>
      %not3A_1235 = arith.constant dense<true> : vector<16xi1>
      %not3A_1236 = arith.xori %gt3A_1234, %not3A_1235 : vector<16xi1>
      %broadcast_in_dim3A_1237 = arith.constant 7 : i32
      %broadcast_in_dim3A_1238 = vector.broadcast %broadcast_in_dim3A_1237 : i32 to vector<16xi32>
      %select_n3A_1239 = arith.select %not3A_1236, %broadcast_in_dim3A_1238, %broadcast_in_dim3A_34 : vector<16xi1>, vector<16xi32>
      %min3A_1240 = arith.minsi %min3A_1198, %select_n3A_1239 : vector<16xi32>
      %add3A_1241 = arith.addi %add3A_1209, %get3A_33 : vector<16xi32>
      %lt3A_1242 = arith.cmpi slt, %add3A_1241, %broadcast_in_dim3A_34 : vector<16xi32>
      %and3A_1243 = arith.andi %not3A_1236, %lt3A_1242 : vector<16xi1>
      %mul3A_1244 = arith.constant 512 : i32
      %mul3A_1245 = vector.broadcast %mul3A_1244 : i32 to vector<16xi32>
      %mul3A_1246 = arith.muli %add3A_1241, %mul3A_1245 : vector<16xi32>
      %add3A_1247 = arith.addi %mul3A_1246, %add3A_243 : vector<16xi32>
      %broadcast_in_dim3A_1248 = arith.constant 24 : i32
      %broadcast_in_dim3A_1249 = vector.broadcast %broadcast_in_dim3A_1248 : i32 to vector<16xi32>
      tpu.vector_store_idx %arg10[%add3A_1247], %broadcast_in_dim3A_1249 masked %and3A_1243 : memref<8192xi32, #tpu.memory_space<vmem>>[vector<16xi32>], vector<16xi32>, vector<16xi1>
      %convert_element_type3A_1250 = arith.extui %not3A_1236 : vector<16xi1> to vector<16xi32>
      %add3A_1251 = arith.addi %add3A_1209, %convert_element_type3A_1250 : vector<16xi32>
      %slice3A_1252 = vector.extract_strided_slice %bitcast_convert_type3A_126 {offsets = [8], sizes = [1], strides = [1]} : vector<16xf32> to vector<1xf32>
      %squeeze3A_1253 = vector.extract %slice3A_1252[0] : f32 from vector<1xf32>
      %mul3A_1254 = vector.broadcast %squeeze3A_1253 : f32 to vector<16xf32>
      %mul3A_1255 = arith.mulf %bitcast_convert_type3A_211, %mul3A_1254 : vector<16xf32>
      %slice3A_1256 = vector.extract_strided_slice %bitcast_convert_type3A_141 {offsets = [8], sizes = [1], strides = [1]} : vector<16xf32> to vector<1xf32>
      %squeeze3A_1257 = vector.extract %slice3A_1256[0] : f32 from vector<1xf32>
      %mul3A_1258 = vector.broadcast %squeeze3A_1257 : f32 to vector<16xf32>
      %mul3A_1259 = arith.mulf %bitcast_convert_type3A_226, %mul3A_1258 : vector<16xf32>
      %add3A_1260 = arith.addf %mul3A_1255, %mul3A_1259 : vector<16xf32>
      %slice3A_1261 = vector.extract_strided_slice %bitcast_convert_type3A_156 {offsets = [8], sizes = [1], strides = [1]} : vector<16xf32> to vector<1xf32>
      %squeeze3A_1262 = vector.extract %slice3A_1261[0] : f32 from vector<1xf32>
      %mul3A_1263 = vector.broadcast %squeeze3A_1262 : f32 to vector<16xf32>
      %mul3A_1264 = arith.mulf %bitcast_convert_type3A_241, %mul3A_1263 : vector<16xf32>
      %add3A_1265 = arith.addf %add3A_1260, %mul3A_1264 : vector<16xf32>
      %mul3A_1266 = arith.constant -2.000000e+00 : f32
      %mul3A_1267 = vector.broadcast %mul3A_1266 : f32 to vector<16xf32>
      %mul3A_1268 = arith.mulf %mul3A_1267, %add3A_1265 : vector<16xf32>
      %add3A_1269 = arith.addf %mul3A_1268, %add3A_196 : vector<16xf32>
      %slice3A_1270 = vector.extract_strided_slice %add3A_68 {offsets = [8], sizes = [1], strides = [1]} : vector<16xf32> to vector<1xf32>
      %squeeze3A_1271 = vector.extract %slice3A_1270[0] : f32 from vector<1xf32>
      %add3A_1272 = vector.broadcast %squeeze3A_1271 : f32 to vector<16xf32>
      %add3A_1273 = arith.addf %add3A_1269, %add3A_1272 : vector<16xf32>
      %gt3A_1274 = arith.constant 4.000000e-02 : f32
      %gt3A_1275 = vector.broadcast %gt3A_1274 : f32 to vector<16xf32>
      %gt3A_1276 = arith.cmpf ogt, %add3A_1273, %gt3A_1275 : vector<16xf32>
      %not3A_1277 = arith.constant dense<true> : vector<16xi1>
      %not3A_1278 = arith.xori %gt3A_1276, %not3A_1277 : vector<16xi1>
      %broadcast_in_dim3A_1279 = arith.constant 8 : i32
      %broadcast_in_dim3A_1280 = vector.broadcast %broadcast_in_dim3A_1279 : i32 to vector<16xi32>
      %select_n3A_1281 = arith.select %not3A_1278, %broadcast_in_dim3A_1280, %broadcast_in_dim3A_34 : vector<16xi1>, vector<16xi32>
      %min3A_1282 = arith.minsi %min3A_1240, %select_n3A_1281 : vector<16xi32>
      %add3A_1283 = arith.addi %add3A_1251, %get3A_33 : vector<16xi32>
      %lt3A_1284 = arith.cmpi slt, %add3A_1283, %broadcast_in_dim3A_34 : vector<16xi32>
      %and3A_1285 = arith.andi %not3A_1278, %lt3A_1284 : vector<16xi1>
      %mul3A_1286 = arith.constant 512 : i32
      %mul3A_1287 = vector.broadcast %mul3A_1286 : i32 to vector<16xi32>
      %mul3A_1288 = arith.muli %add3A_1283, %mul3A_1287 : vector<16xi32>
      %add3A_1289 = arith.addi %mul3A_1288, %add3A_243 : vector<16xi32>
      %broadcast_in_dim3A_1290 = arith.constant 25 : i32
      %broadcast_in_dim3A_1291 = vector.broadcast %broadcast_in_dim3A_1290 : i32 to vector<16xi32>
      tpu.vector_store_idx %arg10[%add3A_1289], %broadcast_in_dim3A_1291 masked %and3A_1285 : memref<8192xi32, #tpu.memory_space<vmem>>[vector<16xi32>], vector<16xi32>, vector<16xi1>
      %convert_element_type3A_1292 = arith.extui %not3A_1278 : vector<16xi1> to vector<16xi32>
      %add3A_1293 = arith.addi %add3A_1251, %convert_element_type3A_1292 : vector<16xi32>
      %slice3A_1294 = vector.extract_strided_slice %bitcast_convert_type3A_126 {offsets = [9], sizes = [1], strides = [1]} : vector<16xf32> to vector<1xf32>
      %squeeze3A_1295 = vector.extract %slice3A_1294[0] : f32 from vector<1xf32>
      %mul3A_1296 = vector.broadcast %squeeze3A_1295 : f32 to vector<16xf32>
      %mul3A_1297 = arith.mulf %bitcast_convert_type3A_211, %mul3A_1296 : vector<16xf32>
      %slice3A_1298 = vector.extract_strided_slice %bitcast_convert_type3A_141 {offsets = [9], sizes = [1], strides = [1]} : vector<16xf32> to vector<1xf32>
      %squeeze3A_1299 = vector.extract %slice3A_1298[0] : f32 from vector<1xf32>
      %mul3A_1300 = vector.broadcast %squeeze3A_1299 : f32 to vector<16xf32>
      %mul3A_1301 = arith.mulf %bitcast_convert_type3A_226, %mul3A_1300 : vector<16xf32>
      %add3A_1302 = arith.addf %mul3A_1297, %mul3A_1301 : vector<16xf32>
      %slice3A_1303 = vector.extract_strided_slice %bitcast_convert_type3A_156 {offsets = [9], sizes = [1], strides = [1]} : vector<16xf32> to vector<1xf32>
      %squeeze3A_1304 = vector.extract %slice3A_1303[0] : f32 from vector<1xf32>
      %mul3A_1305 = vector.broadcast %squeeze3A_1304 : f32 to vector<16xf32>
      %mul3A_1306 = arith.mulf %bitcast_convert_type3A_241, %mul3A_1305 : vector<16xf32>
      %add3A_1307 = arith.addf %add3A_1302, %mul3A_1306 : vector<16xf32>
      %mul3A_1308 = arith.constant -2.000000e+00 : f32
      %mul3A_1309 = vector.broadcast %mul3A_1308 : f32 to vector<16xf32>
      %mul3A_1310 = arith.mulf %mul3A_1309, %add3A_1307 : vector<16xf32>
      %add3A_1311 = arith.addf %mul3A_1310, %add3A_196 : vector<16xf32>
      %slice3A_1312 = vector.extract_strided_slice %add3A_68 {offsets = [9], sizes = [1], strides = [1]} : vector<16xf32> to vector<1xf32>
      %squeeze3A_1313 = vector.extract %slice3A_1312[0] : f32 from vector<1xf32>
      %add3A_1314 = vector.broadcast %squeeze3A_1313 : f32 to vector<16xf32>
      %add3A_1315 = arith.addf %add3A_1311, %add3A_1314 : vector<16xf32>
      %gt3A_1316 = arith.constant 4.000000e-02 : f32
      %gt3A_1317 = vector.broadcast %gt3A_1316 : f32 to vector<16xf32>
      %gt3A_1318 = arith.cmpf ogt, %add3A_1315, %gt3A_1317 : vector<16xf32>
      %not3A_1319 = arith.constant dense<true> : vector<16xi1>
      %not3A_1320 = arith.xori %gt3A_1318, %not3A_1319 : vector<16xi1>
      %broadcast_in_dim3A_1321 = arith.constant 9 : i32
      %broadcast_in_dim3A_1322 = vector.broadcast %broadcast_in_dim3A_1321 : i32 to vector<16xi32>
      %select_n3A_1323 = arith.select %not3A_1320, %broadcast_in_dim3A_1322, %broadcast_in_dim3A_34 : vector<16xi1>, vector<16xi32>
      %min3A_1324 = arith.minsi %min3A_1282, %select_n3A_1323 : vector<16xi32>
      %add3A_1325 = arith.addi %add3A_1293, %get3A_33 : vector<16xi32>
      %lt3A_1326 = arith.cmpi slt, %add3A_1325, %broadcast_in_dim3A_34 : vector<16xi32>
      %and3A_1327 = arith.andi %not3A_1320, %lt3A_1326 : vector<16xi1>
      %mul3A_1328 = arith.constant 512 : i32
      %mul3A_1329 = vector.broadcast %mul3A_1328 : i32 to vector<16xi32>
      %mul3A_1330 = arith.muli %add3A_1325, %mul3A_1329 : vector<16xi32>
      %add3A_1331 = arith.addi %mul3A_1330, %add3A_243 : vector<16xi32>
      %broadcast_in_dim3A_1332 = arith.constant 26 : i32
      %broadcast_in_dim3A_1333 = vector.broadcast %broadcast_in_dim3A_1332 : i32 to vector<16xi32>
      tpu.vector_store_idx %arg10[%add3A_1331], %broadcast_in_dim3A_1333 masked %and3A_1327 : memref<8192xi32, #tpu.memory_space<vmem>>[vector<16xi32>], vector<16xi32>, vector<16xi1>
      %convert_element_type3A_1334 = arith.extui %not3A_1320 : vector<16xi1> to vector<16xi32>
      %add3A_1335 = arith.addi %add3A_1293, %convert_element_type3A_1334 : vector<16xi32>
      %slice3A_1336 = vector.extract_strided_slice %bitcast_convert_type3A_126 {offsets = [10], sizes = [1], strides = [1]} : vector<16xf32> to vector<1xf32>
      %squeeze3A_1337 = vector.extract %slice3A_1336[0] : f32 from vector<1xf32>
      %mul3A_1338 = vector.broadcast %squeeze3A_1337 : f32 to vector<16xf32>
      %mul3A_1339 = arith.mulf %bitcast_convert_type3A_211, %mul3A_1338 : vector<16xf32>
      %slice3A_1340 = vector.extract_strided_slice %bitcast_convert_type3A_141 {offsets = [10], sizes = [1], strides = [1]} : vector<16xf32> to vector<1xf32>
      %squeeze3A_1341 = vector.extract %slice3A_1340[0] : f32 from vector<1xf32>
      %mul3A_1342 = vector.broadcast %squeeze3A_1341 : f32 to vector<16xf32>
      %mul3A_1343 = arith.mulf %bitcast_convert_type3A_226, %mul3A_1342 : vector<16xf32>
      %add3A_1344 = arith.addf %mul3A_1339, %mul3A_1343 : vector<16xf32>
      %slice3A_1345 = vector.extract_strided_slice %bitcast_convert_type3A_156 {offsets = [10], sizes = [1], strides = [1]} : vector<16xf32> to vector<1xf32>
      %squeeze3A_1346 = vector.extract %slice3A_1345[0] : f32 from vector<1xf32>
      %mul3A_1347 = vector.broadcast %squeeze3A_1346 : f32 to vector<16xf32>
      %mul3A_1348 = arith.mulf %bitcast_convert_type3A_241, %mul3A_1347 : vector<16xf32>
      %add3A_1349 = arith.addf %add3A_1344, %mul3A_1348 : vector<16xf32>
      %mul3A_1350 = arith.constant -2.000000e+00 : f32
      %mul3A_1351 = vector.broadcast %mul3A_1350 : f32 to vector<16xf32>
      %mul3A_1352 = arith.mulf %mul3A_1351, %add3A_1349 : vector<16xf32>
      %add3A_1353 = arith.addf %mul3A_1352, %add3A_196 : vector<16xf32>
      %slice3A_1354 = vector.extract_strided_slice %add3A_68 {offsets = [10], sizes = [1], strides = [1]} : vector<16xf32> to vector<1xf32>
      %squeeze3A_1355 = vector.extract %slice3A_1354[0] : f32 from vector<1xf32>
      %add3A_1356 = vector.broadcast %squeeze3A_1355 : f32 to vector<16xf32>
      %add3A_1357 = arith.addf %add3A_1353, %add3A_1356 : vector<16xf32>
      %gt3A_1358 = arith.constant 4.000000e-02 : f32
      %gt3A_1359 = vector.broadcast %gt3A_1358 : f32 to vector<16xf32>
      %gt3A_1360 = arith.cmpf ogt, %add3A_1357, %gt3A_1359 : vector<16xf32>
      %not3A_1361 = arith.constant dense<true> : vector<16xi1>
      %not3A_1362 = arith.xori %gt3A_1360, %not3A_1361 : vector<16xi1>
      %broadcast_in_dim3A_1363 = arith.constant 10 : i32
      %broadcast_in_dim3A_1364 = vector.broadcast %broadcast_in_dim3A_1363 : i32 to vector<16xi32>
      %select_n3A_1365 = arith.select %not3A_1362, %broadcast_in_dim3A_1364, %broadcast_in_dim3A_34 : vector<16xi1>, vector<16xi32>
      %min3A_1366 = arith.minsi %min3A_1324, %select_n3A_1365 : vector<16xi32>
      %add3A_1367 = arith.addi %add3A_1335, %get3A_33 : vector<16xi32>
      %lt3A_1368 = arith.cmpi slt, %add3A_1367, %broadcast_in_dim3A_34 : vector<16xi32>
      %and3A_1369 = arith.andi %not3A_1362, %lt3A_1368 : vector<16xi1>
      %mul3A_1370 = arith.constant 512 : i32
      %mul3A_1371 = vector.broadcast %mul3A_1370 : i32 to vector<16xi32>
      %mul3A_1372 = arith.muli %add3A_1367, %mul3A_1371 : vector<16xi32>
      %add3A_1373 = arith.addi %mul3A_1372, %add3A_243 : vector<16xi32>
      %broadcast_in_dim3A_1374 = arith.constant 27 : i32
      %broadcast_in_dim3A_1375 = vector.broadcast %broadcast_in_dim3A_1374 : i32 to vector<16xi32>
      tpu.vector_store_idx %arg10[%add3A_1373], %broadcast_in_dim3A_1375 masked %and3A_1369 : memref<8192xi32, #tpu.memory_space<vmem>>[vector<16xi32>], vector<16xi32>, vector<16xi1>
      %convert_element_type3A_1376 = arith.extui %not3A_1362 : vector<16xi1> to vector<16xi32>
      %add3A_1377 = arith.addi %add3A_1335, %convert_element_type3A_1376 : vector<16xi32>
      %slice3A_1378 = vector.extract_strided_slice %bitcast_convert_type3A_126 {offsets = [11], sizes = [1], strides = [1]} : vector<16xf32> to vector<1xf32>
      %squeeze3A_1379 = vector.extract %slice3A_1378[0] : f32 from vector<1xf32>
      %mul3A_1380 = vector.broadcast %squeeze3A_1379 : f32 to vector<16xf32>
      %mul3A_1381 = arith.mulf %bitcast_convert_type3A_211, %mul3A_1380 : vector<16xf32>
      %slice3A_1382 = vector.extract_strided_slice %bitcast_convert_type3A_141 {offsets = [11], sizes = [1], strides = [1]} : vector<16xf32> to vector<1xf32>
      %squeeze3A_1383 = vector.extract %slice3A_1382[0] : f32 from vector<1xf32>
      %mul3A_1384 = vector.broadcast %squeeze3A_1383 : f32 to vector<16xf32>
      %mul3A_1385 = arith.mulf %bitcast_convert_type3A_226, %mul3A_1384 : vector<16xf32>
      %add3A_1386 = arith.addf %mul3A_1381, %mul3A_1385 : vector<16xf32>
      %slice3A_1387 = vector.extract_strided_slice %bitcast_convert_type3A_156 {offsets = [11], sizes = [1], strides = [1]} : vector<16xf32> to vector<1xf32>
      %squeeze3A_1388 = vector.extract %slice3A_1387[0] : f32 from vector<1xf32>
      %mul3A_1389 = vector.broadcast %squeeze3A_1388 : f32 to vector<16xf32>
      %mul3A_1390 = arith.mulf %bitcast_convert_type3A_241, %mul3A_1389 : vector<16xf32>
      %add3A_1391 = arith.addf %add3A_1386, %mul3A_1390 : vector<16xf32>
      %mul3A_1392 = arith.constant -2.000000e+00 : f32
      %mul3A_1393 = vector.broadcast %mul3A_1392 : f32 to vector<16xf32>
      %mul3A_1394 = arith.mulf %mul3A_1393, %add3A_1391 : vector<16xf32>
      %add3A_1395 = arith.addf %mul3A_1394, %add3A_196 : vector<16xf32>
      %slice3A_1396 = vector.extract_strided_slice %add3A_68 {offsets = [11], sizes = [1], strides = [1]} : vector<16xf32> to vector<1xf32>
      %squeeze3A_1397 = vector.extract %slice3A_1396[0] : f32 from vector<1xf32>
      %add3A_1398 = vector.broadcast %squeeze3A_1397 : f32 to vector<16xf32>
      %add3A_1399 = arith.addf %add3A_1395, %add3A_1398 : vector<16xf32>
      %gt3A_1400 = arith.constant 4.000000e-02 : f32
      %gt3A_1401 = vector.broadcast %gt3A_1400 : f32 to vector<16xf32>
      %gt3A_1402 = arith.cmpf ogt, %add3A_1399, %gt3A_1401 : vector<16xf32>
      %not3A_1403 = arith.constant dense<true> : vector<16xi1>
      %not3A_1404 = arith.xori %gt3A_1402, %not3A_1403 : vector<16xi1>
      %broadcast_in_dim3A_1405 = arith.constant 11 : i32
      %broadcast_in_dim3A_1406 = vector.broadcast %broadcast_in_dim3A_1405 : i32 to vector<16xi32>
      %select_n3A_1407 = arith.select %not3A_1404, %broadcast_in_dim3A_1406, %broadcast_in_dim3A_34 : vector<16xi1>, vector<16xi32>
      %min3A_1408 = arith.minsi %min3A_1366, %select_n3A_1407 : vector<16xi32>
      %add3A_1409 = arith.addi %add3A_1377, %get3A_33 : vector<16xi32>
      %lt3A_1410 = arith.cmpi slt, %add3A_1409, %broadcast_in_dim3A_34 : vector<16xi32>
      %and3A_1411 = arith.andi %not3A_1404, %lt3A_1410 : vector<16xi1>
      %mul3A_1412 = arith.constant 512 : i32
      %mul3A_1413 = vector.broadcast %mul3A_1412 : i32 to vector<16xi32>
      %mul3A_1414 = arith.muli %add3A_1409, %mul3A_1413 : vector<16xi32>
      %add3A_1415 = arith.addi %mul3A_1414, %add3A_243 : vector<16xi32>
      %broadcast_in_dim3A_1416 = arith.constant 28 : i32
      %broadcast_in_dim3A_1417 = vector.broadcast %broadcast_in_dim3A_1416 : i32 to vector<16xi32>
      tpu.vector_store_idx %arg10[%add3A_1415], %broadcast_in_dim3A_1417 masked %and3A_1411 : memref<8192xi32, #tpu.memory_space<vmem>>[vector<16xi32>], vector<16xi32>, vector<16xi1>
      %convert_element_type3A_1418 = arith.extui %not3A_1404 : vector<16xi1> to vector<16xi32>
      %add3A_1419 = arith.addi %add3A_1377, %convert_element_type3A_1418 : vector<16xi32>
      %slice3A_1420 = vector.extract_strided_slice %bitcast_convert_type3A_126 {offsets = [12], sizes = [1], strides = [1]} : vector<16xf32> to vector<1xf32>
      %squeeze3A_1421 = vector.extract %slice3A_1420[0] : f32 from vector<1xf32>
      %mul3A_1422 = vector.broadcast %squeeze3A_1421 : f32 to vector<16xf32>
      %mul3A_1423 = arith.mulf %bitcast_convert_type3A_211, %mul3A_1422 : vector<16xf32>
      %slice3A_1424 = vector.extract_strided_slice %bitcast_convert_type3A_141 {offsets = [12], sizes = [1], strides = [1]} : vector<16xf32> to vector<1xf32>
      %squeeze3A_1425 = vector.extract %slice3A_1424[0] : f32 from vector<1xf32>
      %mul3A_1426 = vector.broadcast %squeeze3A_1425 : f32 to vector<16xf32>
      %mul3A_1427 = arith.mulf %bitcast_convert_type3A_226, %mul3A_1426 : vector<16xf32>
      %add3A_1428 = arith.addf %mul3A_1423, %mul3A_1427 : vector<16xf32>
      %slice3A_1429 = vector.extract_strided_slice %bitcast_convert_type3A_156 {offsets = [12], sizes = [1], strides = [1]} : vector<16xf32> to vector<1xf32>
      %squeeze3A_1430 = vector.extract %slice3A_1429[0] : f32 from vector<1xf32>
      %mul3A_1431 = vector.broadcast %squeeze3A_1430 : f32 to vector<16xf32>
      %mul3A_1432 = arith.mulf %bitcast_convert_type3A_241, %mul3A_1431 : vector<16xf32>
      %add3A_1433 = arith.addf %add3A_1428, %mul3A_1432 : vector<16xf32>
      %mul3A_1434 = arith.constant -2.000000e+00 : f32
      %mul3A_1435 = vector.broadcast %mul3A_1434 : f32 to vector<16xf32>
      %mul3A_1436 = arith.mulf %mul3A_1435, %add3A_1433 : vector<16xf32>
      %add3A_1437 = arith.addf %mul3A_1436, %add3A_196 : vector<16xf32>
      %slice3A_1438 = vector.extract_strided_slice %add3A_68 {offsets = [12], sizes = [1], strides = [1]} : vector<16xf32> to vector<1xf32>
      %squeeze3A_1439 = vector.extract %slice3A_1438[0] : f32 from vector<1xf32>
      %add3A_1440 = vector.broadcast %squeeze3A_1439 : f32 to vector<16xf32>
      %add3A_1441 = arith.addf %add3A_1437, %add3A_1440 : vector<16xf32>
      %gt3A_1442 = arith.constant 4.000000e-02 : f32
      %gt3A_1443 = vector.broadcast %gt3A_1442 : f32 to vector<16xf32>
      %gt3A_1444 = arith.cmpf ogt, %add3A_1441, %gt3A_1443 : vector<16xf32>
      %not3A_1445 = arith.constant dense<true> : vector<16xi1>
      %not3A_1446 = arith.xori %gt3A_1444, %not3A_1445 : vector<16xi1>
      %broadcast_in_dim3A_1447 = arith.constant 12 : i32
      %broadcast_in_dim3A_1448 = vector.broadcast %broadcast_in_dim3A_1447 : i32 to vector<16xi32>
      %select_n3A_1449 = arith.select %not3A_1446, %broadcast_in_dim3A_1448, %broadcast_in_dim3A_34 : vector<16xi1>, vector<16xi32>
      %min3A_1450 = arith.minsi %min3A_1408, %select_n3A_1449 : vector<16xi32>
      %add3A_1451 = arith.addi %add3A_1419, %get3A_33 : vector<16xi32>
      %lt3A_1452 = arith.cmpi slt, %add3A_1451, %broadcast_in_dim3A_34 : vector<16xi32>
      %and3A_1453 = arith.andi %not3A_1446, %lt3A_1452 : vector<16xi1>
      %mul3A_1454 = arith.constant 512 : i32
      %mul3A_1455 = vector.broadcast %mul3A_1454 : i32 to vector<16xi32>
      %mul3A_1456 = arith.muli %add3A_1451, %mul3A_1455 : vector<16xi32>
      %add3A_1457 = arith.addi %mul3A_1456, %add3A_243 : vector<16xi32>
      %broadcast_in_dim3A_1458 = arith.constant 29 : i32
      %broadcast_in_dim3A_1459 = vector.broadcast %broadcast_in_dim3A_1458 : i32 to vector<16xi32>
      tpu.vector_store_idx %arg10[%add3A_1457], %broadcast_in_dim3A_1459 masked %and3A_1453 : memref<8192xi32, #tpu.memory_space<vmem>>[vector<16xi32>], vector<16xi32>, vector<16xi1>
      %convert_element_type3A_1460 = arith.extui %not3A_1446 : vector<16xi1> to vector<16xi32>
      %add3A_1461 = arith.addi %add3A_1419, %convert_element_type3A_1460 : vector<16xi32>
      %slice3A_1462 = vector.extract_strided_slice %bitcast_convert_type3A_126 {offsets = [13], sizes = [1], strides = [1]} : vector<16xf32> to vector<1xf32>
      %squeeze3A_1463 = vector.extract %slice3A_1462[0] : f32 from vector<1xf32>
      %mul3A_1464 = vector.broadcast %squeeze3A_1463 : f32 to vector<16xf32>
      %mul3A_1465 = arith.mulf %bitcast_convert_type3A_211, %mul3A_1464 : vector<16xf32>
      %slice3A_1466 = vector.extract_strided_slice %bitcast_convert_type3A_141 {offsets = [13], sizes = [1], strides = [1]} : vector<16xf32> to vector<1xf32>
      %squeeze3A_1467 = vector.extract %slice3A_1466[0] : f32 from vector<1xf32>
      %mul3A_1468 = vector.broadcast %squeeze3A_1467 : f32 to vector<16xf32>
      %mul3A_1469 = arith.mulf %bitcast_convert_type3A_226, %mul3A_1468 : vector<16xf32>
      %add3A_1470 = arith.addf %mul3A_1465, %mul3A_1469 : vector<16xf32>
      %slice3A_1471 = vector.extract_strided_slice %bitcast_convert_type3A_156 {offsets = [13], sizes = [1], strides = [1]} : vector<16xf32> to vector<1xf32>
      %squeeze3A_1472 = vector.extract %slice3A_1471[0] : f32 from vector<1xf32>
      %mul3A_1473 = vector.broadcast %squeeze3A_1472 : f32 to vector<16xf32>
      %mul3A_1474 = arith.mulf %bitcast_convert_type3A_241, %mul3A_1473 : vector<16xf32>
      %add3A_1475 = arith.addf %add3A_1470, %mul3A_1474 : vector<16xf32>
      %mul3A_1476 = arith.constant -2.000000e+00 : f32
      %mul3A_1477 = vector.broadcast %mul3A_1476 : f32 to vector<16xf32>
      %mul3A_1478 = arith.mulf %mul3A_1477, %add3A_1475 : vector<16xf32>
      %add3A_1479 = arith.addf %mul3A_1478, %add3A_196 : vector<16xf32>
      %slice3A_1480 = vector.extract_strided_slice %add3A_68 {offsets = [13], sizes = [1], strides = [1]} : vector<16xf32> to vector<1xf32>
      %squeeze3A_1481 = vector.extract %slice3A_1480[0] : f32 from vector<1xf32>
      %add3A_1482 = vector.broadcast %squeeze3A_1481 : f32 to vector<16xf32>
      %add3A_1483 = arith.addf %add3A_1479, %add3A_1482 : vector<16xf32>
      %gt3A_1484 = arith.constant 4.000000e-02 : f32
      %gt3A_1485 = vector.broadcast %gt3A_1484 : f32 to vector<16xf32>
      %gt3A_1486 = arith.cmpf ogt, %add3A_1483, %gt3A_1485 : vector<16xf32>
      %not3A_1487 = arith.constant dense<true> : vector<16xi1>
      %not3A_1488 = arith.xori %gt3A_1486, %not3A_1487 : vector<16xi1>
      %broadcast_in_dim3A_1489 = arith.constant 13 : i32
      %broadcast_in_dim3A_1490 = vector.broadcast %broadcast_in_dim3A_1489 : i32 to vector<16xi32>
      %select_n3A_1491 = arith.select %not3A_1488, %broadcast_in_dim3A_1490, %broadcast_in_dim3A_34 : vector<16xi1>, vector<16xi32>
      %min3A_1492 = arith.minsi %min3A_1450, %select_n3A_1491 : vector<16xi32>
      %add3A_1493 = arith.addi %add3A_1461, %get3A_33 : vector<16xi32>
      %lt3A_1494 = arith.cmpi slt, %add3A_1493, %broadcast_in_dim3A_34 : vector<16xi32>
      %and3A_1495 = arith.andi %not3A_1488, %lt3A_1494 : vector<16xi1>
      %mul3A_1496 = arith.constant 512 : i32
      %mul3A_1497 = vector.broadcast %mul3A_1496 : i32 to vector<16xi32>
      %mul3A_1498 = arith.muli %add3A_1493, %mul3A_1497 : vector<16xi32>
      %add3A_1499 = arith.addi %mul3A_1498, %add3A_243 : vector<16xi32>
      %broadcast_in_dim3A_1500 = arith.constant 30 : i32
      %broadcast_in_dim3A_1501 = vector.broadcast %broadcast_in_dim3A_1500 : i32 to vector<16xi32>
      tpu.vector_store_idx %arg10[%add3A_1499], %broadcast_in_dim3A_1501 masked %and3A_1495 : memref<8192xi32, #tpu.memory_space<vmem>>[vector<16xi32>], vector<16xi32>, vector<16xi1>
      %convert_element_type3A_1502 = arith.extui %not3A_1488 : vector<16xi1> to vector<16xi32>
      %add3A_1503 = arith.addi %add3A_1461, %convert_element_type3A_1502 : vector<16xi32>
      %slice3A_1504 = vector.extract_strided_slice %bitcast_convert_type3A_126 {offsets = [14], sizes = [1], strides = [1]} : vector<16xf32> to vector<1xf32>
      %squeeze3A_1505 = vector.extract %slice3A_1504[0] : f32 from vector<1xf32>
      %mul3A_1506 = vector.broadcast %squeeze3A_1505 : f32 to vector<16xf32>
      %mul3A_1507 = arith.mulf %bitcast_convert_type3A_211, %mul3A_1506 : vector<16xf32>
      %slice3A_1508 = vector.extract_strided_slice %bitcast_convert_type3A_141 {offsets = [14], sizes = [1], strides = [1]} : vector<16xf32> to vector<1xf32>
      %squeeze3A_1509 = vector.extract %slice3A_1508[0] : f32 from vector<1xf32>
      %mul3A_1510 = vector.broadcast %squeeze3A_1509 : f32 to vector<16xf32>
      %mul3A_1511 = arith.mulf %bitcast_convert_type3A_226, %mul3A_1510 : vector<16xf32>
      %add3A_1512 = arith.addf %mul3A_1507, %mul3A_1511 : vector<16xf32>
      %slice3A_1513 = vector.extract_strided_slice %bitcast_convert_type3A_156 {offsets = [14], sizes = [1], strides = [1]} : vector<16xf32> to vector<1xf32>
      %squeeze3A_1514 = vector.extract %slice3A_1513[0] : f32 from vector<1xf32>
      %mul3A_1515 = vector.broadcast %squeeze3A_1514 : f32 to vector<16xf32>
      %mul3A_1516 = arith.mulf %bitcast_convert_type3A_241, %mul3A_1515 : vector<16xf32>
      %add3A_1517 = arith.addf %add3A_1512, %mul3A_1516 : vector<16xf32>
      %mul3A_1518 = arith.constant -2.000000e+00 : f32
      %mul3A_1519 = vector.broadcast %mul3A_1518 : f32 to vector<16xf32>
      %mul3A_1520 = arith.mulf %mul3A_1519, %add3A_1517 : vector<16xf32>
      %add3A_1521 = arith.addf %mul3A_1520, %add3A_196 : vector<16xf32>
      %slice3A_1522 = vector.extract_strided_slice %add3A_68 {offsets = [14], sizes = [1], strides = [1]} : vector<16xf32> to vector<1xf32>
      %squeeze3A_1523 = vector.extract %slice3A_1522[0] : f32 from vector<1xf32>
      %add3A_1524 = vector.broadcast %squeeze3A_1523 : f32 to vector<16xf32>
      %add3A_1525 = arith.addf %add3A_1521, %add3A_1524 : vector<16xf32>
      %gt3A_1526 = arith.constant 4.000000e-02 : f32
      %gt3A_1527 = vector.broadcast %gt3A_1526 : f32 to vector<16xf32>
      %gt3A_1528 = arith.cmpf ogt, %add3A_1525, %gt3A_1527 : vector<16xf32>
      %not3A_1529 = arith.constant dense<true> : vector<16xi1>
      %not3A_1530 = arith.xori %gt3A_1528, %not3A_1529 : vector<16xi1>
      %broadcast_in_dim3A_1531 = arith.constant 14 : i32
      %broadcast_in_dim3A_1532 = vector.broadcast %broadcast_in_dim3A_1531 : i32 to vector<16xi32>
      %select_n3A_1533 = arith.select %not3A_1530, %broadcast_in_dim3A_1532, %broadcast_in_dim3A_34 : vector<16xi1>, vector<16xi32>
      %min3A_1534 = arith.minsi %min3A_1492, %select_n3A_1533 : vector<16xi32>
      %add3A_1535 = arith.addi %add3A_1503, %get3A_33 : vector<16xi32>
      %lt3A_1536 = arith.cmpi slt, %add3A_1535, %broadcast_in_dim3A_34 : vector<16xi32>
      %and3A_1537 = arith.andi %not3A_1530, %lt3A_1536 : vector<16xi1>
      %mul3A_1538 = arith.constant 512 : i32
      %mul3A_1539 = vector.broadcast %mul3A_1538 : i32 to vector<16xi32>
      %mul3A_1540 = arith.muli %add3A_1535, %mul3A_1539 : vector<16xi32>
      %add3A_1541 = arith.addi %mul3A_1540, %add3A_243 : vector<16xi32>
      %broadcast_in_dim3A_1542 = arith.constant 31 : i32
      %broadcast_in_dim3A_1543 = vector.broadcast %broadcast_in_dim3A_1542 : i32 to vector<16xi32>
      tpu.vector_store_idx %arg10[%add3A_1541], %broadcast_in_dim3A_1543 masked %and3A_1537 : memref<8192xi32, #tpu.memory_space<vmem>>[vector<16xi32>], vector<16xi32>, vector<16xi1>
      %convert_element_type3A_1544 = arith.extui %not3A_1530 : vector<16xi1> to vector<16xi32>
      %add3A_1545 = arith.addi %add3A_1503, %convert_element_type3A_1544 : vector<16xi32>
      %slice3A_1546 = vector.extract_strided_slice %bitcast_convert_type3A_126 {offsets = [15], sizes = [1], strides = [1]} : vector<16xf32> to vector<1xf32>
      %squeeze3A_1547 = vector.extract %slice3A_1546[0] : f32 from vector<1xf32>
      %mul3A_1548 = vector.broadcast %squeeze3A_1547 : f32 to vector<16xf32>
      %mul3A_1549 = arith.mulf %bitcast_convert_type3A_211, %mul3A_1548 : vector<16xf32>
      %slice3A_1550 = vector.extract_strided_slice %bitcast_convert_type3A_141 {offsets = [15], sizes = [1], strides = [1]} : vector<16xf32> to vector<1xf32>
      %squeeze3A_1551 = vector.extract %slice3A_1550[0] : f32 from vector<1xf32>
      %mul3A_1552 = vector.broadcast %squeeze3A_1551 : f32 to vector<16xf32>
      %mul3A_1553 = arith.mulf %bitcast_convert_type3A_226, %mul3A_1552 : vector<16xf32>
      %add3A_1554 = arith.addf %mul3A_1549, %mul3A_1553 : vector<16xf32>
      %slice3A_1555 = vector.extract_strided_slice %bitcast_convert_type3A_156 {offsets = [15], sizes = [1], strides = [1]} : vector<16xf32> to vector<1xf32>
      %squeeze3A_1556 = vector.extract %slice3A_1555[0] : f32 from vector<1xf32>
      %mul3A_1557 = vector.broadcast %squeeze3A_1556 : f32 to vector<16xf32>
      %mul3A_1558 = arith.mulf %bitcast_convert_type3A_241, %mul3A_1557 : vector<16xf32>
      %add3A_1559 = arith.addf %add3A_1554, %mul3A_1558 : vector<16xf32>
      %mul3A_1560 = arith.constant -2.000000e+00 : f32
      %mul3A_1561 = vector.broadcast %mul3A_1560 : f32 to vector<16xf32>
      %mul3A_1562 = arith.mulf %mul3A_1561, %add3A_1559 : vector<16xf32>
      %add3A_1563 = arith.addf %mul3A_1562, %add3A_196 : vector<16xf32>
      %slice3A_1564 = vector.extract_strided_slice %add3A_68 {offsets = [15], sizes = [1], strides = [1]} : vector<16xf32> to vector<1xf32>
      %squeeze3A_1565 = vector.extract %slice3A_1564[0] : f32 from vector<1xf32>
      %add3A_1566 = vector.broadcast %squeeze3A_1565 : f32 to vector<16xf32>
      %add3A_1567 = arith.addf %add3A_1563, %add3A_1566 : vector<16xf32>
      %gt3A_1568 = arith.constant 4.000000e-02 : f32
      %gt3A_1569 = vector.broadcast %gt3A_1568 : f32 to vector<16xf32>
      %gt3A_1570 = arith.cmpf ogt, %add3A_1567, %gt3A_1569 : vector<16xf32>
      %not3A_1571 = arith.constant dense<true> : vector<16xi1>
      %not3A_1572 = arith.xori %gt3A_1570, %not3A_1571 : vector<16xi1>
      %broadcast_in_dim3A_1573 = arith.constant 15 : i32
      %broadcast_in_dim3A_1574 = vector.broadcast %broadcast_in_dim3A_1573 : i32 to vector<16xi32>
      %select_n3A_1575 = arith.select %not3A_1572, %broadcast_in_dim3A_1574, %broadcast_in_dim3A_34 : vector<16xi1>, vector<16xi32>
      %min3A_1576 = arith.minsi %min3A_1534, %select_n3A_1575 : vector<16xi32>
      %add3A_1577 = arith.addi %add3A_1545, %get3A_33 : vector<16xi32>
      %lt3A_1578 = arith.cmpi slt, %add3A_1577, %broadcast_in_dim3A_34 : vector<16xi32>
      %and3A_1579 = arith.andi %not3A_1572, %lt3A_1578 : vector<16xi1>
      %mul3A_1580 = arith.constant 512 : i32
      %mul3A_1581 = vector.broadcast %mul3A_1580 : i32 to vector<16xi32>
      %mul3A_1582 = arith.muli %add3A_1577, %mul3A_1581 : vector<16xi32>
      %add3A_1583 = arith.addi %mul3A_1582, %add3A_243 : vector<16xi32>
      %broadcast_in_dim3A_1584 = arith.constant 32 : i32
      %broadcast_in_dim3A_1585 = vector.broadcast %broadcast_in_dim3A_1584 : i32 to vector<16xi32>
      tpu.vector_store_idx %arg10[%add3A_1583], %broadcast_in_dim3A_1585 masked %and3A_1579 : memref<8192xi32, #tpu.memory_space<vmem>>[vector<16xi32>], vector<16xi32>, vector<16xi1>
      %convert_element_type3A_1586 = arith.extui %not3A_1572 : vector<16xi1> to vector<16xi32>
      %add3A_1587 = arith.addi %add3A_1545, %convert_element_type3A_1586 : vector<16xi32>
      %add3A_1588 = arith.constant 17 : i32
      %add3A_1589 = vector.broadcast %add3A_1588 : i32 to vector<16xi32>
      %add3A_1590 = arith.addi %min3A_1576, %add3A_1589 : vector<16xi32>
      %broadcast_in_dim3A_1591 = arith.constant 0 : i32
      %broadcast_in_dim3A_1592 = vector.broadcast %broadcast_in_dim3A_1591 : i32 to vector<16xi32>
      %lt3A_1593 = arith.cmpi slt, %broadcast_in_dim3A_1592, %get3A_33 : vector<16xi32>
      %le3A = arith.cmpi sle, %add3A_913, %broadcast_in_dim3A_1592 : vector<16xi32>
      %sub3A_1594 = arith.subi %broadcast_in_dim3A_1592, %get3A_33 : vector<16xi32>
      %le3A_1595 = arith.cmpi sle, %add3A_1587, %sub3A_1594 : vector<16xi32>
      %select_n3A_1596 = arith.select %lt3A_1593, %le3A, %le3A_1595 : vector<16xi1>, vector<16xi1>
      %select_n3A_1597 = arith.select %lt3A_1593, %min3A_902, %add3A_1590 : vector<16xi1>, vector<16xi32>
      %mul3A_1598 = arith.constant 512 : i32
      %mul3A_1599 = vector.broadcast %mul3A_1598 : i32 to vector<16xi32>
      %mul3A_1600 = arith.muli %broadcast_in_dim3A_1592, %mul3A_1599 : vector<16xi32>
      %add3A_1601 = arith.addi %mul3A_1600, %add3A_243 : vector<16xi32>
      tpu.vector_store_idx %arg10[%add3A_1601], %select_n3A_1597 masked %select_n3A_1596 : memref<8192xi32, #tpu.memory_space<vmem>>[vector<16xi32>], vector<16xi32>, vector<16xi1>
      %broadcast_in_dim3A_1602 = arith.constant 1 : i32
      %broadcast_in_dim3A_1603 = vector.broadcast %broadcast_in_dim3A_1602 : i32 to vector<16xi32>
      %lt3A_1604 = arith.cmpi slt, %broadcast_in_dim3A_1603, %get3A_33 : vector<16xi32>
      %le3A_1605 = arith.cmpi sle, %add3A_913, %broadcast_in_dim3A_1603 : vector<16xi32>
      %sub3A_1606 = arith.subi %broadcast_in_dim3A_1603, %get3A_33 : vector<16xi32>
      %le3A_1607 = arith.cmpi sle, %add3A_1587, %sub3A_1606 : vector<16xi32>
      %select_n3A_1608 = arith.select %lt3A_1604, %le3A_1605, %le3A_1607 : vector<16xi1>, vector<16xi1>
      %select_n3A_1609 = arith.select %lt3A_1604, %min3A_902, %add3A_1590 : vector<16xi1>, vector<16xi32>
      %mul3A_1610 = arith.constant 512 : i32
      %mul3A_1611 = vector.broadcast %mul3A_1610 : i32 to vector<16xi32>
      %mul3A_1612 = arith.muli %broadcast_in_dim3A_1603, %mul3A_1611 : vector<16xi32>
      %add3A_1613 = arith.addi %mul3A_1612, %add3A_243 : vector<16xi32>
      tpu.vector_store_idx %arg10[%add3A_1613], %select_n3A_1609 masked %select_n3A_1608 : memref<8192xi32, #tpu.memory_space<vmem>>[vector<16xi32>], vector<16xi32>, vector<16xi1>
      %broadcast_in_dim3A_1614 = arith.constant 2 : i32
      %broadcast_in_dim3A_1615 = vector.broadcast %broadcast_in_dim3A_1614 : i32 to vector<16xi32>
      %lt3A_1616 = arith.cmpi slt, %broadcast_in_dim3A_1615, %get3A_33 : vector<16xi32>
      %le3A_1617 = arith.cmpi sle, %add3A_913, %broadcast_in_dim3A_1615 : vector<16xi32>
      %sub3A_1618 = arith.subi %broadcast_in_dim3A_1615, %get3A_33 : vector<16xi32>
      %le3A_1619 = arith.cmpi sle, %add3A_1587, %sub3A_1618 : vector<16xi32>
      %select_n3A_1620 = arith.select %lt3A_1616, %le3A_1617, %le3A_1619 : vector<16xi1>, vector<16xi1>
      %select_n3A_1621 = arith.select %lt3A_1616, %min3A_902, %add3A_1590 : vector<16xi1>, vector<16xi32>
      %mul3A_1622 = arith.constant 512 : i32
      %mul3A_1623 = vector.broadcast %mul3A_1622 : i32 to vector<16xi32>
      %mul3A_1624 = arith.muli %broadcast_in_dim3A_1615, %mul3A_1623 : vector<16xi32>
      %add3A_1625 = arith.addi %mul3A_1624, %add3A_243 : vector<16xi32>
      tpu.vector_store_idx %arg10[%add3A_1625], %select_n3A_1621 masked %select_n3A_1620 : memref<8192xi32, #tpu.memory_space<vmem>>[vector<16xi32>], vector<16xi32>, vector<16xi1>
      %broadcast_in_dim3A_1626 = arith.constant 3 : i32
      %broadcast_in_dim3A_1627 = vector.broadcast %broadcast_in_dim3A_1626 : i32 to vector<16xi32>
      %lt3A_1628 = arith.cmpi slt, %broadcast_in_dim3A_1627, %get3A_33 : vector<16xi32>
      %le3A_1629 = arith.cmpi sle, %add3A_913, %broadcast_in_dim3A_1627 : vector<16xi32>
      %sub3A_1630 = arith.subi %broadcast_in_dim3A_1627, %get3A_33 : vector<16xi32>
      %le3A_1631 = arith.cmpi sle, %add3A_1587, %sub3A_1630 : vector<16xi32>
      %select_n3A_1632 = arith.select %lt3A_1628, %le3A_1629, %le3A_1631 : vector<16xi1>, vector<16xi1>
      %select_n3A_1633 = arith.select %lt3A_1628, %min3A_902, %add3A_1590 : vector<16xi1>, vector<16xi32>
      %mul3A_1634 = arith.constant 512 : i32
      %mul3A_1635 = vector.broadcast %mul3A_1634 : i32 to vector<16xi32>
      %mul3A_1636 = arith.muli %broadcast_in_dim3A_1627, %mul3A_1635 : vector<16xi32>
      %add3A_1637 = arith.addi %mul3A_1636, %add3A_243 : vector<16xi32>
      tpu.vector_store_idx %arg10[%add3A_1637], %select_n3A_1633 masked %select_n3A_1632 : memref<8192xi32, #tpu.memory_space<vmem>>[vector<16xi32>], vector<16xi32>, vector<16xi1>
      %broadcast_in_dim3A_1638 = arith.constant 4 : i32
      %broadcast_in_dim3A_1639 = vector.broadcast %broadcast_in_dim3A_1638 : i32 to vector<16xi32>
      %lt3A_1640 = arith.cmpi slt, %broadcast_in_dim3A_1639, %get3A_33 : vector<16xi32>
      %le3A_1641 = arith.cmpi sle, %add3A_913, %broadcast_in_dim3A_1639 : vector<16xi32>
      %sub3A_1642 = arith.subi %broadcast_in_dim3A_1639, %get3A_33 : vector<16xi32>
      %le3A_1643 = arith.cmpi sle, %add3A_1587, %sub3A_1642 : vector<16xi32>
      %select_n3A_1644 = arith.select %lt3A_1640, %le3A_1641, %le3A_1643 : vector<16xi1>, vector<16xi1>
      %select_n3A_1645 = arith.select %lt3A_1640, %min3A_902, %add3A_1590 : vector<16xi1>, vector<16xi32>
      %mul3A_1646 = arith.constant 512 : i32
      %mul3A_1647 = vector.broadcast %mul3A_1646 : i32 to vector<16xi32>
      %mul3A_1648 = arith.muli %broadcast_in_dim3A_1639, %mul3A_1647 : vector<16xi32>
      %add3A_1649 = arith.addi %mul3A_1648, %add3A_243 : vector<16xi32>
      tpu.vector_store_idx %arg10[%add3A_1649], %select_n3A_1645 masked %select_n3A_1644 : memref<8192xi32, #tpu.memory_space<vmem>>[vector<16xi32>], vector<16xi32>, vector<16xi1>
      %broadcast_in_dim3A_1650 = arith.constant 5 : i32
      %broadcast_in_dim3A_1651 = vector.broadcast %broadcast_in_dim3A_1650 : i32 to vector<16xi32>
      %lt3A_1652 = arith.cmpi slt, %broadcast_in_dim3A_1651, %get3A_33 : vector<16xi32>
      %le3A_1653 = arith.cmpi sle, %add3A_913, %broadcast_in_dim3A_1651 : vector<16xi32>
      %sub3A_1654 = arith.subi %broadcast_in_dim3A_1651, %get3A_33 : vector<16xi32>
      %le3A_1655 = arith.cmpi sle, %add3A_1587, %sub3A_1654 : vector<16xi32>
      %select_n3A_1656 = arith.select %lt3A_1652, %le3A_1653, %le3A_1655 : vector<16xi1>, vector<16xi1>
      %select_n3A_1657 = arith.select %lt3A_1652, %min3A_902, %add3A_1590 : vector<16xi1>, vector<16xi32>
      %mul3A_1658 = arith.constant 512 : i32
      %mul3A_1659 = vector.broadcast %mul3A_1658 : i32 to vector<16xi32>
      %mul3A_1660 = arith.muli %broadcast_in_dim3A_1651, %mul3A_1659 : vector<16xi32>
      %add3A_1661 = arith.addi %mul3A_1660, %add3A_243 : vector<16xi32>
      tpu.vector_store_idx %arg10[%add3A_1661], %select_n3A_1657 masked %select_n3A_1656 : memref<8192xi32, #tpu.memory_space<vmem>>[vector<16xi32>], vector<16xi32>, vector<16xi1>
      %broadcast_in_dim3A_1662 = arith.constant 6 : i32
      %broadcast_in_dim3A_1663 = vector.broadcast %broadcast_in_dim3A_1662 : i32 to vector<16xi32>
      %lt3A_1664 = arith.cmpi slt, %broadcast_in_dim3A_1663, %get3A_33 : vector<16xi32>
      %le3A_1665 = arith.cmpi sle, %add3A_913, %broadcast_in_dim3A_1663 : vector<16xi32>
      %sub3A_1666 = arith.subi %broadcast_in_dim3A_1663, %get3A_33 : vector<16xi32>
      %le3A_1667 = arith.cmpi sle, %add3A_1587, %sub3A_1666 : vector<16xi32>
      %select_n3A_1668 = arith.select %lt3A_1664, %le3A_1665, %le3A_1667 : vector<16xi1>, vector<16xi1>
      %select_n3A_1669 = arith.select %lt3A_1664, %min3A_902, %add3A_1590 : vector<16xi1>, vector<16xi32>
      %mul3A_1670 = arith.constant 512 : i32
      %mul3A_1671 = vector.broadcast %mul3A_1670 : i32 to vector<16xi32>
      %mul3A_1672 = arith.muli %broadcast_in_dim3A_1663, %mul3A_1671 : vector<16xi32>
      %add3A_1673 = arith.addi %mul3A_1672, %add3A_243 : vector<16xi32>
      tpu.vector_store_idx %arg10[%add3A_1673], %select_n3A_1669 masked %select_n3A_1668 : memref<8192xi32, #tpu.memory_space<vmem>>[vector<16xi32>], vector<16xi32>, vector<16xi1>
      %broadcast_in_dim3A_1674 = arith.constant 7 : i32
      %broadcast_in_dim3A_1675 = vector.broadcast %broadcast_in_dim3A_1674 : i32 to vector<16xi32>
      %lt3A_1676 = arith.cmpi slt, %broadcast_in_dim3A_1675, %get3A_33 : vector<16xi32>
      %le3A_1677 = arith.cmpi sle, %add3A_913, %broadcast_in_dim3A_1675 : vector<16xi32>
      %sub3A_1678 = arith.subi %broadcast_in_dim3A_1675, %get3A_33 : vector<16xi32>
      %le3A_1679 = arith.cmpi sle, %add3A_1587, %sub3A_1678 : vector<16xi32>
      %select_n3A_1680 = arith.select %lt3A_1676, %le3A_1677, %le3A_1679 : vector<16xi1>, vector<16xi1>
      %select_n3A_1681 = arith.select %lt3A_1676, %min3A_902, %add3A_1590 : vector<16xi1>, vector<16xi32>
      %mul3A_1682 = arith.constant 512 : i32
      %mul3A_1683 = vector.broadcast %mul3A_1682 : i32 to vector<16xi32>
      %mul3A_1684 = arith.muli %broadcast_in_dim3A_1675, %mul3A_1683 : vector<16xi32>
      %add3A_1685 = arith.addi %mul3A_1684, %add3A_243 : vector<16xi32>
      tpu.vector_store_idx %arg10[%add3A_1685], %select_n3A_1681 masked %select_n3A_1680 : memref<8192xi32, #tpu.memory_space<vmem>>[vector<16xi32>], vector<16xi32>, vector<16xi1>
      %broadcast_in_dim3A_1686 = arith.constant 8 : i32
      %broadcast_in_dim3A_1687 = vector.broadcast %broadcast_in_dim3A_1686 : i32 to vector<16xi32>
      %lt3A_1688 = arith.cmpi slt, %broadcast_in_dim3A_1687, %get3A_33 : vector<16xi32>
      %le3A_1689 = arith.cmpi sle, %add3A_913, %broadcast_in_dim3A_1687 : vector<16xi32>
      %sub3A_1690 = arith.subi %broadcast_in_dim3A_1687, %get3A_33 : vector<16xi32>
      %le3A_1691 = arith.cmpi sle, %add3A_1587, %sub3A_1690 : vector<16xi32>
      %select_n3A_1692 = arith.select %lt3A_1688, %le3A_1689, %le3A_1691 : vector<16xi1>, vector<16xi1>
      %select_n3A_1693 = arith.select %lt3A_1688, %min3A_902, %add3A_1590 : vector<16xi1>, vector<16xi32>
      %mul3A_1694 = arith.constant 512 : i32
      %mul3A_1695 = vector.broadcast %mul3A_1694 : i32 to vector<16xi32>
      %mul3A_1696 = arith.muli %broadcast_in_dim3A_1687, %mul3A_1695 : vector<16xi32>
      %add3A_1697 = arith.addi %mul3A_1696, %add3A_243 : vector<16xi32>
      tpu.vector_store_idx %arg10[%add3A_1697], %select_n3A_1693 masked %select_n3A_1692 : memref<8192xi32, #tpu.memory_space<vmem>>[vector<16xi32>], vector<16xi32>, vector<16xi1>
      %broadcast_in_dim3A_1698 = arith.constant 9 : i32
      %broadcast_in_dim3A_1699 = vector.broadcast %broadcast_in_dim3A_1698 : i32 to vector<16xi32>
      %lt3A_1700 = arith.cmpi slt, %broadcast_in_dim3A_1699, %get3A_33 : vector<16xi32>
      %le3A_1701 = arith.cmpi sle, %add3A_913, %broadcast_in_dim3A_1699 : vector<16xi32>
      %sub3A_1702 = arith.subi %broadcast_in_dim3A_1699, %get3A_33 : vector<16xi32>
      %le3A_1703 = arith.cmpi sle, %add3A_1587, %sub3A_1702 : vector<16xi32>
      %select_n3A_1704 = arith.select %lt3A_1700, %le3A_1701, %le3A_1703 : vector<16xi1>, vector<16xi1>
      %select_n3A_1705 = arith.select %lt3A_1700, %min3A_902, %add3A_1590 : vector<16xi1>, vector<16xi32>
      %mul3A_1706 = arith.constant 512 : i32
      %mul3A_1707 = vector.broadcast %mul3A_1706 : i32 to vector<16xi32>
      %mul3A_1708 = arith.muli %broadcast_in_dim3A_1699, %mul3A_1707 : vector<16xi32>
      %add3A_1709 = arith.addi %mul3A_1708, %add3A_243 : vector<16xi32>
      tpu.vector_store_idx %arg10[%add3A_1709], %select_n3A_1705 masked %select_n3A_1704 : memref<8192xi32, #tpu.memory_space<vmem>>[vector<16xi32>], vector<16xi32>, vector<16xi1>
      %broadcast_in_dim3A_1710 = arith.constant 10 : i32
      %broadcast_in_dim3A_1711 = vector.broadcast %broadcast_in_dim3A_1710 : i32 to vector<16xi32>
      %lt3A_1712 = arith.cmpi slt, %broadcast_in_dim3A_1711, %get3A_33 : vector<16xi32>
      %le3A_1713 = arith.cmpi sle, %add3A_913, %broadcast_in_dim3A_1711 : vector<16xi32>
      %sub3A_1714 = arith.subi %broadcast_in_dim3A_1711, %get3A_33 : vector<16xi32>
      %le3A_1715 = arith.cmpi sle, %add3A_1587, %sub3A_1714 : vector<16xi32>
      %select_n3A_1716 = arith.select %lt3A_1712, %le3A_1713, %le3A_1715 : vector<16xi1>, vector<16xi1>
      %select_n3A_1717 = arith.select %lt3A_1712, %min3A_902, %add3A_1590 : vector<16xi1>, vector<16xi32>
      %mul3A_1718 = arith.constant 512 : i32
      %mul3A_1719 = vector.broadcast %mul3A_1718 : i32 to vector<16xi32>
      %mul3A_1720 = arith.muli %broadcast_in_dim3A_1711, %mul3A_1719 : vector<16xi32>
      %add3A_1721 = arith.addi %mul3A_1720, %add3A_243 : vector<16xi32>
      tpu.vector_store_idx %arg10[%add3A_1721], %select_n3A_1717 masked %select_n3A_1716 : memref<8192xi32, #tpu.memory_space<vmem>>[vector<16xi32>], vector<16xi32>, vector<16xi1>
      %broadcast_in_dim3A_1722 = arith.constant 11 : i32
      %broadcast_in_dim3A_1723 = vector.broadcast %broadcast_in_dim3A_1722 : i32 to vector<16xi32>
      %lt3A_1724 = arith.cmpi slt, %broadcast_in_dim3A_1723, %get3A_33 : vector<16xi32>
      %le3A_1725 = arith.cmpi sle, %add3A_913, %broadcast_in_dim3A_1723 : vector<16xi32>
      %sub3A_1726 = arith.subi %broadcast_in_dim3A_1723, %get3A_33 : vector<16xi32>
      %le3A_1727 = arith.cmpi sle, %add3A_1587, %sub3A_1726 : vector<16xi32>
      %select_n3A_1728 = arith.select %lt3A_1724, %le3A_1725, %le3A_1727 : vector<16xi1>, vector<16xi1>
      %select_n3A_1729 = arith.select %lt3A_1724, %min3A_902, %add3A_1590 : vector<16xi1>, vector<16xi32>
      %mul3A_1730 = arith.constant 512 : i32
      %mul3A_1731 = vector.broadcast %mul3A_1730 : i32 to vector<16xi32>
      %mul3A_1732 = arith.muli %broadcast_in_dim3A_1723, %mul3A_1731 : vector<16xi32>
      %add3A_1733 = arith.addi %mul3A_1732, %add3A_243 : vector<16xi32>
      tpu.vector_store_idx %arg10[%add3A_1733], %select_n3A_1729 masked %select_n3A_1728 : memref<8192xi32, #tpu.memory_space<vmem>>[vector<16xi32>], vector<16xi32>, vector<16xi1>
      %broadcast_in_dim3A_1734 = arith.constant 12 : i32
      %broadcast_in_dim3A_1735 = vector.broadcast %broadcast_in_dim3A_1734 : i32 to vector<16xi32>
      %lt3A_1736 = arith.cmpi slt, %broadcast_in_dim3A_1735, %get3A_33 : vector<16xi32>
      %le3A_1737 = arith.cmpi sle, %add3A_913, %broadcast_in_dim3A_1735 : vector<16xi32>
      %sub3A_1738 = arith.subi %broadcast_in_dim3A_1735, %get3A_33 : vector<16xi32>
      %le3A_1739 = arith.cmpi sle, %add3A_1587, %sub3A_1738 : vector<16xi32>
      %select_n3A_1740 = arith.select %lt3A_1736, %le3A_1737, %le3A_1739 : vector<16xi1>, vector<16xi1>
      %select_n3A_1741 = arith.select %lt3A_1736, %min3A_902, %add3A_1590 : vector<16xi1>, vector<16xi32>
      %mul3A_1742 = arith.constant 512 : i32
      %mul3A_1743 = vector.broadcast %mul3A_1742 : i32 to vector<16xi32>
      %mul3A_1744 = arith.muli %broadcast_in_dim3A_1735, %mul3A_1743 : vector<16xi32>
      %add3A_1745 = arith.addi %mul3A_1744, %add3A_243 : vector<16xi32>
      tpu.vector_store_idx %arg10[%add3A_1745], %select_n3A_1741 masked %select_n3A_1740 : memref<8192xi32, #tpu.memory_space<vmem>>[vector<16xi32>], vector<16xi32>, vector<16xi1>
      %broadcast_in_dim3A_1746 = arith.constant 13 : i32
      %broadcast_in_dim3A_1747 = vector.broadcast %broadcast_in_dim3A_1746 : i32 to vector<16xi32>
      %lt3A_1748 = arith.cmpi slt, %broadcast_in_dim3A_1747, %get3A_33 : vector<16xi32>
      %le3A_1749 = arith.cmpi sle, %add3A_913, %broadcast_in_dim3A_1747 : vector<16xi32>
      %sub3A_1750 = arith.subi %broadcast_in_dim3A_1747, %get3A_33 : vector<16xi32>
      %le3A_1751 = arith.cmpi sle, %add3A_1587, %sub3A_1750 : vector<16xi32>
      %select_n3A_1752 = arith.select %lt3A_1748, %le3A_1749, %le3A_1751 : vector<16xi1>, vector<16xi1>
      %select_n3A_1753 = arith.select %lt3A_1748, %min3A_902, %add3A_1590 : vector<16xi1>, vector<16xi32>
      %mul3A_1754 = arith.constant 512 : i32
      %mul3A_1755 = vector.broadcast %mul3A_1754 : i32 to vector<16xi32>
      %mul3A_1756 = arith.muli %broadcast_in_dim3A_1747, %mul3A_1755 : vector<16xi32>
      %add3A_1757 = arith.addi %mul3A_1756, %add3A_243 : vector<16xi32>
      tpu.vector_store_idx %arg10[%add3A_1757], %select_n3A_1753 masked %select_n3A_1752 : memref<8192xi32, #tpu.memory_space<vmem>>[vector<16xi32>], vector<16xi32>, vector<16xi1>
      %broadcast_in_dim3A_1758 = arith.constant 14 : i32
      %broadcast_in_dim3A_1759 = vector.broadcast %broadcast_in_dim3A_1758 : i32 to vector<16xi32>
      %lt3A_1760 = arith.cmpi slt, %broadcast_in_dim3A_1759, %get3A_33 : vector<16xi32>
      %le3A_1761 = arith.cmpi sle, %add3A_913, %broadcast_in_dim3A_1759 : vector<16xi32>
      %sub3A_1762 = arith.subi %broadcast_in_dim3A_1759, %get3A_33 : vector<16xi32>
      %le3A_1763 = arith.cmpi sle, %add3A_1587, %sub3A_1762 : vector<16xi32>
      %select_n3A_1764 = arith.select %lt3A_1760, %le3A_1761, %le3A_1763 : vector<16xi1>, vector<16xi1>
      %select_n3A_1765 = arith.select %lt3A_1760, %min3A_902, %add3A_1590 : vector<16xi1>, vector<16xi32>
      %mul3A_1766 = arith.constant 512 : i32
      %mul3A_1767 = vector.broadcast %mul3A_1766 : i32 to vector<16xi32>
      %mul3A_1768 = arith.muli %broadcast_in_dim3A_1759, %mul3A_1767 : vector<16xi32>
      %add3A_1769 = arith.addi %mul3A_1768, %add3A_243 : vector<16xi32>
      tpu.vector_store_idx %arg10[%add3A_1769], %select_n3A_1765 masked %select_n3A_1764 : memref<8192xi32, #tpu.memory_space<vmem>>[vector<16xi32>], vector<16xi32>, vector<16xi1>
      %broadcast_in_dim3A_1770 = arith.constant 15 : i32
      %broadcast_in_dim3A_1771 = vector.broadcast %broadcast_in_dim3A_1770 : i32 to vector<16xi32>
      %lt3A_1772 = arith.cmpi slt, %broadcast_in_dim3A_1771, %get3A_33 : vector<16xi32>
      %le3A_1773 = arith.cmpi sle, %add3A_913, %broadcast_in_dim3A_1771 : vector<16xi32>
      %sub3A_1774 = arith.subi %broadcast_in_dim3A_1771, %get3A_33 : vector<16xi32>
      %le3A_1775 = arith.cmpi sle, %add3A_1587, %sub3A_1774 : vector<16xi32>
      %select_n3A_1776 = arith.select %lt3A_1772, %le3A_1773, %le3A_1775 : vector<16xi1>, vector<16xi1>
      %select_n3A_1777 = arith.select %lt3A_1772, %min3A_902, %add3A_1590 : vector<16xi1>, vector<16xi32>
      %mul3A_1778 = arith.constant 512 : i32
      %mul3A_1779 = vector.broadcast %mul3A_1778 : i32 to vector<16xi32>
      %mul3A_1780 = arith.muli %broadcast_in_dim3A_1771, %mul3A_1779 : vector<16xi32>
      %add3A_1781 = arith.addi %mul3A_1780, %add3A_243 : vector<16xi32>
      tpu.vector_store_idx %arg10[%add3A_1781], %select_n3A_1777 masked %select_n3A_1776 : memref<8192xi32, #tpu.memory_space<vmem>>[vector<16xi32>], vector<16xi32>, vector<16xi1>
    }
    %scan3A_161 = arith.constant 32 : i32
    %run_scoped3A = arith.constant 0 : i32
    "tpu.region"() ({
      %run_scoped3A_177 = tpu.sem_alloc : memref<!tpu.dma_semaphore, #tpu.memory_space<semaphore_mem>>
      %dma_start3A = arith.constant 0 : i32
      %dma_start3A_178 = tpu.memref_slice %arg10[%dma_start3A] : memref<8192xi32, #tpu.memory_space<vmem>> -> memref<512xi32, #tpu.memory_space<vmem>>
      %dma_start3A_179 = tpu.memref_slice %arg5[%select_n3A, %run_scoped3A, %mul3A_32] : memref<4x16x4096xi32, #tpu.memory_space<hbm>> -> memref<1x1x512xi32, #tpu.memory_space<hbm>>
      %dma_start3A_180 = tpu.memref_squeeze %dma_start3A_179 : memref<1x1x512xi32, #tpu.memory_space<hbm>> -> memref<512xi32, #tpu.memory_space<hbm>>
      %dma_start3A_181 = tpu.memref_slice %arg5[%select_n3A, %run_scoped3A, %mul3A_32] : memref<4x16x4096xi32, #tpu.memory_space<hbm>> -> memref<1x1x512xi32, #tpu.memory_space<hbm>>
      %dma_start3A_182 = tpu.memref_squeeze %dma_start3A_181 : memref<1x1x512xi32, #tpu.memory_space<hbm>> -> memref<512xi32, #tpu.memory_space<hbm>>
      %dma_start3A_183 = arith.constant 0 : i32
      %dma_start3A_184 = tpu.memref_slice %arg10[%dma_start3A_183] : memref<8192xi32, #tpu.memory_space<vmem>> -> memref<512xi32, #tpu.memory_space<vmem>>
      tpu.enqueue_dma source(%dma_start3A_184 : memref<512xi32, #tpu.memory_space<vmem>>) target(%dma_start3A_182 : memref<512xi32, #tpu.memory_space<hbm>>) target_semaphore(%run_scoped3A_177 : memref<!tpu.dma_semaphore, #tpu.memory_space<semaphore_mem>>)
      %dma_wait3A = arith.constant 0 : i32
      %dma_wait3A_185 = tpu.memref_slice %arg10[%dma_wait3A] : memref<8192xi32, #tpu.memory_space<vmem>> -> memref<512xi32, #tpu.memory_space<vmem>>
      %dma_wait3A_186 = tpu.memref_slice %arg5[%select_n3A, %run_scoped3A, %mul3A_32] : memref<4x16x4096xi32, #tpu.memory_space<hbm>> -> memref<1x1x512xi32, #tpu.memory_space<hbm>>
      %dma_wait3A_187 = tpu.memref_squeeze %dma_wait3A_186 : memref<1x1x512xi32, #tpu.memory_space<hbm>> -> memref<512xi32, #tpu.memory_space<hbm>>
      %dma_wait3A_188 = tpu.memref_slice %arg5[%select_n3A, %run_scoped3A, %mul3A_32] : memref<4x16x4096xi32, #tpu.memory_space<hbm>> -> memref<1x1x512xi32, #tpu.memory_space<hbm>>
      %dma_wait3A_189 = tpu.memref_squeeze %dma_wait3A_188 : memref<1x1x512xi32, #tpu.memory_space<hbm>> -> memref<512xi32, #tpu.memory_space<hbm>>
      %dma_wait3A_190 = arith.constant 0 : i32
      %dma_wait3A_191 = tpu.memref_slice %arg10[%dma_wait3A_190] : memref<8192xi32, #tpu.memory_space<vmem>> -> memref<512xi32, #tpu.memory_space<vmem>>
      tpu.wait_dma2 semaphore(%run_scoped3A_177 : memref<!tpu.dma_semaphore, #tpu.memory_space<semaphore_mem>>) src(%dma_wait3A_191 : memref<512xi32, #tpu.memory_space<vmem>>) dst(%dma_wait3A_189 : memref<512xi32, #tpu.memory_space<hbm>>)
      tpu.yield
    }) : () -> ()
    %run_scoped3A_162 = arith.constant 1 : i32
    "tpu.region"() ({
      %run_scoped3A_177 = tpu.sem_alloc : memref<!tpu.dma_semaphore, #tpu.memory_space<semaphore_mem>>
      %dma_start3A = arith.constant 512 : i32
      %dma_start3A_178 = tpu.memref_slice %arg10[%dma_start3A] : memref<8192xi32, #tpu.memory_space<vmem>> -> memref<512xi32, #tpu.memory_space<vmem>>
      %dma_start3A_179 = tpu.memref_slice %arg5[%select_n3A, %run_scoped3A_162, %mul3A_32] : memref<4x16x4096xi32, #tpu.memory_space<hbm>> -> memref<1x1x512xi32, #tpu.memory_space<hbm>>
      %dma_start3A_180 = tpu.memref_squeeze %dma_start3A_179 : memref<1x1x512xi32, #tpu.memory_space<hbm>> -> memref<512xi32, #tpu.memory_space<hbm>>
      %dma_start3A_181 = tpu.memref_slice %arg5[%select_n3A, %run_scoped3A_162, %mul3A_32] : memref<4x16x4096xi32, #tpu.memory_space<hbm>> -> memref<1x1x512xi32, #tpu.memory_space<hbm>>
      %dma_start3A_182 = tpu.memref_squeeze %dma_start3A_181 : memref<1x1x512xi32, #tpu.memory_space<hbm>> -> memref<512xi32, #tpu.memory_space<hbm>>
      %dma_start3A_183 = arith.constant 512 : i32
      %dma_start3A_184 = tpu.memref_slice %arg10[%dma_start3A_183] : memref<8192xi32, #tpu.memory_space<vmem>> -> memref<512xi32, #tpu.memory_space<vmem>>
      tpu.enqueue_dma source(%dma_start3A_184 : memref<512xi32, #tpu.memory_space<vmem>>) target(%dma_start3A_182 : memref<512xi32, #tpu.memory_space<hbm>>) target_semaphore(%run_scoped3A_177 : memref<!tpu.dma_semaphore, #tpu.memory_space<semaphore_mem>>)
      %dma_wait3A = arith.constant 512 : i32
      %dma_wait3A_185 = tpu.memref_slice %arg10[%dma_wait3A] : memref<8192xi32, #tpu.memory_space<vmem>> -> memref<512xi32, #tpu.memory_space<vmem>>
      %dma_wait3A_186 = tpu.memref_slice %arg5[%select_n3A, %run_scoped3A_162, %mul3A_32] : memref<4x16x4096xi32, #tpu.memory_space<hbm>> -> memref<1x1x512xi32, #tpu.memory_space<hbm>>
      %dma_wait3A_187 = tpu.memref_squeeze %dma_wait3A_186 : memref<1x1x512xi32, #tpu.memory_space<hbm>> -> memref<512xi32, #tpu.memory_space<hbm>>
      %dma_wait3A_188 = tpu.memref_slice %arg5[%select_n3A, %run_scoped3A_162, %mul3A_32] : memref<4x16x4096xi32, #tpu.memory_space<hbm>> -> memref<1x1x512xi32, #tpu.memory_space<hbm>>
      %dma_wait3A_189 = tpu.memref_squeeze %dma_wait3A_188 : memref<1x1x512xi32, #tpu.memory_space<hbm>> -> memref<512xi32, #tpu.memory_space<hbm>>
      %dma_wait3A_190 = arith.constant 512 : i32
      %dma_wait3A_191 = tpu.memref_slice %arg10[%dma_wait3A_190] : memref<8192xi32, #tpu.memory_space<vmem>> -> memref<512xi32, #tpu.memory_space<vmem>>
      tpu.wait_dma2 semaphore(%run_scoped3A_177 : memref<!tpu.dma_semaphore, #tpu.memory_space<semaphore_mem>>) src(%dma_wait3A_191 : memref<512xi32, #tpu.memory_space<vmem>>) dst(%dma_wait3A_189 : memref<512xi32, #tpu.memory_space<hbm>>)
      tpu.yield
    }) : () -> ()
    %run_scoped3A_163 = arith.constant 2 : i32
    "tpu.region"() ({
      %run_scoped3A_177 = tpu.sem_alloc : memref<!tpu.dma_semaphore, #tpu.memory_space<semaphore_mem>>
      %dma_start3A = arith.constant 1024 : i32
      %dma_start3A_178 = tpu.memref_slice %arg10[%dma_start3A] : memref<8192xi32, #tpu.memory_space<vmem>> -> memref<512xi32, #tpu.memory_space<vmem>>
      %dma_start3A_179 = tpu.memref_slice %arg5[%select_n3A, %run_scoped3A_163, %mul3A_32] : memref<4x16x4096xi32, #tpu.memory_space<hbm>> -> memref<1x1x512xi32, #tpu.memory_space<hbm>>
      %dma_start3A_180 = tpu.memref_squeeze %dma_start3A_179 : memref<1x1x512xi32, #tpu.memory_space<hbm>> -> memref<512xi32, #tpu.memory_space<hbm>>
      %dma_start3A_181 = tpu.memref_slice %arg5[%select_n3A, %run_scoped3A_163, %mul3A_32] : memref<4x16x4096xi32, #tpu.memory_space<hbm>> -> memref<1x1x512xi32, #tpu.memory_space<hbm>>
      %dma_start3A_182 = tpu.memref_squeeze %dma_start3A_181 : memref<1x1x512xi32, #tpu.memory_space<hbm>> -> memref<512xi32, #tpu.memory_space<hbm>>
      %dma_start3A_183 = arith.constant 1024 : i32
      %dma_start3A_184 = tpu.memref_slice %arg10[%dma_start3A_183] : memref<8192xi32, #tpu.memory_space<vmem>> -> memref<512xi32, #tpu.memory_space<vmem>>
      tpu.enqueue_dma source(%dma_start3A_184 : memref<512xi32, #tpu.memory_space<vmem>>) target(%dma_start3A_182 : memref<512xi32, #tpu.memory_space<hbm>>) target_semaphore(%run_scoped3A_177 : memref<!tpu.dma_semaphore, #tpu.memory_space<semaphore_mem>>)
      %dma_wait3A = arith.constant 1024 : i32
      %dma_wait3A_185 = tpu.memref_slice %arg10[%dma_wait3A] : memref<8192xi32, #tpu.memory_space<vmem>> -> memref<512xi32, #tpu.memory_space<vmem>>
      %dma_wait3A_186 = tpu.memref_slice %arg5[%select_n3A, %run_scoped3A_163, %mul3A_32] : memref<4x16x4096xi32, #tpu.memory_space<hbm>> -> memref<1x1x512xi32, #tpu.memory_space<hbm>>
      %dma_wait3A_187 = tpu.memref_squeeze %dma_wait3A_186 : memref<1x1x512xi32, #tpu.memory_space<hbm>> -> memref<512xi32, #tpu.memory_space<hbm>>
      %dma_wait3A_188 = tpu.memref_slice %arg5[%select_n3A, %run_scoped3A_163, %mul3A_32] : memref<4x16x4096xi32, #tpu.memory_space<hbm>> -> memref<1x1x512xi32, #tpu.memory_space<hbm>>
      %dma_wait3A_189 = tpu.memref_squeeze %dma_wait3A_188 : memref<1x1x512xi32, #tpu.memory_space<hbm>> -> memref<512xi32, #tpu.memory_space<hbm>>
      %dma_wait3A_190 = arith.constant 1024 : i32
      %dma_wait3A_191 = tpu.memref_slice %arg10[%dma_wait3A_190] : memref<8192xi32, #tpu.memory_space<vmem>> -> memref<512xi32, #tpu.memory_space<vmem>>
      tpu.wait_dma2 semaphore(%run_scoped3A_177 : memref<!tpu.dma_semaphore, #tpu.memory_space<semaphore_mem>>) src(%dma_wait3A_191 : memref<512xi32, #tpu.memory_space<vmem>>) dst(%dma_wait3A_189 : memref<512xi32, #tpu.memory_space<hbm>>)
      tpu.yield
    }) : () -> ()
    %run_scoped3A_164 = arith.constant 3 : i32
    "tpu.region"() ({
      %run_scoped3A_177 = tpu.sem_alloc : memref<!tpu.dma_semaphore, #tpu.memory_space<semaphore_mem>>
      %dma_start3A = arith.constant 1536 : i32
      %dma_start3A_178 = tpu.memref_slice %arg10[%dma_start3A] : memref<8192xi32, #tpu.memory_space<vmem>> -> memref<512xi32, #tpu.memory_space<vmem>>
      %dma_start3A_179 = tpu.memref_slice %arg5[%select_n3A, %run_scoped3A_164, %mul3A_32] : memref<4x16x4096xi32, #tpu.memory_space<hbm>> -> memref<1x1x512xi32, #tpu.memory_space<hbm>>
      %dma_start3A_180 = tpu.memref_squeeze %dma_start3A_179 : memref<1x1x512xi32, #tpu.memory_space<hbm>> -> memref<512xi32, #tpu.memory_space<hbm>>
      %dma_start3A_181 = tpu.memref_slice %arg5[%select_n3A, %run_scoped3A_164, %mul3A_32] : memref<4x16x4096xi32, #tpu.memory_space<hbm>> -> memref<1x1x512xi32, #tpu.memory_space<hbm>>
      %dma_start3A_182 = tpu.memref_squeeze %dma_start3A_181 : memref<1x1x512xi32, #tpu.memory_space<hbm>> -> memref<512xi32, #tpu.memory_space<hbm>>
      %dma_start3A_183 = arith.constant 1536 : i32
      %dma_start3A_184 = tpu.memref_slice %arg10[%dma_start3A_183] : memref<8192xi32, #tpu.memory_space<vmem>> -> memref<512xi32, #tpu.memory_space<vmem>>
      tpu.enqueue_dma source(%dma_start3A_184 : memref<512xi32, #tpu.memory_space<vmem>>) target(%dma_start3A_182 : memref<512xi32, #tpu.memory_space<hbm>>) target_semaphore(%run_scoped3A_177 : memref<!tpu.dma_semaphore, #tpu.memory_space<semaphore_mem>>)
      %dma_wait3A = arith.constant 1536 : i32
      %dma_wait3A_185 = tpu.memref_slice %arg10[%dma_wait3A] : memref<8192xi32, #tpu.memory_space<vmem>> -> memref<512xi32, #tpu.memory_space<vmem>>
      %dma_wait3A_186 = tpu.memref_slice %arg5[%select_n3A, %run_scoped3A_164, %mul3A_32] : memref<4x16x4096xi32, #tpu.memory_space<hbm>> -> memref<1x1x512xi32, #tpu.memory_space<hbm>>
      %dma_wait3A_187 = tpu.memref_squeeze %dma_wait3A_186 : memref<1x1x512xi32, #tpu.memory_space<hbm>> -> memref<512xi32, #tpu.memory_space<hbm>>
      %dma_wait3A_188 = tpu.memref_slice %arg5[%select_n3A, %run_scoped3A_164, %mul3A_32] : memref<4x16x4096xi32, #tpu.memory_space<hbm>> -> memref<1x1x512xi32, #tpu.memory_space<hbm>>
      %dma_wait3A_189 = tpu.memref_squeeze %dma_wait3A_188 : memref<1x1x512xi32, #tpu.memory_space<hbm>> -> memref<512xi32, #tpu.memory_space<hbm>>
      %dma_wait3A_190 = arith.constant 1536 : i32
      %dma_wait3A_191 = tpu.memref_slice %arg10[%dma_wait3A_190] : memref<8192xi32, #tpu.memory_space<vmem>> -> memref<512xi32, #tpu.memory_space<vmem>>
      tpu.wait_dma2 semaphore(%run_scoped3A_177 : memref<!tpu.dma_semaphore, #tpu.memory_space<semaphore_mem>>) src(%dma_wait3A_191 : memref<512xi32, #tpu.memory_space<vmem>>) dst(%dma_wait3A_189 : memref<512xi32, #tpu.memory_space<hbm>>)
      tpu.yield
    }) : () -> ()
    %run_scoped3A_165 = arith.constant 4 : i32
    "tpu.region"() ({
      %run_scoped3A_177 = tpu.sem_alloc : memref<!tpu.dma_semaphore, #tpu.memory_space<semaphore_mem>>
      %dma_start3A = arith.constant 2048 : i32
      %dma_start3A_178 = tpu.memref_slice %arg10[%dma_start3A] : memref<8192xi32, #tpu.memory_space<vmem>> -> memref<512xi32, #tpu.memory_space<vmem>>
      %dma_start3A_179 = tpu.memref_slice %arg5[%select_n3A, %run_scoped3A_165, %mul3A_32] : memref<4x16x4096xi32, #tpu.memory_space<hbm>> -> memref<1x1x512xi32, #tpu.memory_space<hbm>>
      %dma_start3A_180 = tpu.memref_squeeze %dma_start3A_179 : memref<1x1x512xi32, #tpu.memory_space<hbm>> -> memref<512xi32, #tpu.memory_space<hbm>>
      %dma_start3A_181 = tpu.memref_slice %arg5[%select_n3A, %run_scoped3A_165, %mul3A_32] : memref<4x16x4096xi32, #tpu.memory_space<hbm>> -> memref<1x1x512xi32, #tpu.memory_space<hbm>>
      %dma_start3A_182 = tpu.memref_squeeze %dma_start3A_181 : memref<1x1x512xi32, #tpu.memory_space<hbm>> -> memref<512xi32, #tpu.memory_space<hbm>>
      %dma_start3A_183 = arith.constant 2048 : i32
      %dma_start3A_184 = tpu.memref_slice %arg10[%dma_start3A_183] : memref<8192xi32, #tpu.memory_space<vmem>> -> memref<512xi32, #tpu.memory_space<vmem>>
      tpu.enqueue_dma source(%dma_start3A_184 : memref<512xi32, #tpu.memory_space<vmem>>) target(%dma_start3A_182 : memref<512xi32, #tpu.memory_space<hbm>>) target_semaphore(%run_scoped3A_177 : memref<!tpu.dma_semaphore, #tpu.memory_space<semaphore_mem>>)
      %dma_wait3A = arith.constant 2048 : i32
      %dma_wait3A_185 = tpu.memref_slice %arg10[%dma_wait3A] : memref<8192xi32, #tpu.memory_space<vmem>> -> memref<512xi32, #tpu.memory_space<vmem>>
      %dma_wait3A_186 = tpu.memref_slice %arg5[%select_n3A, %run_scoped3A_165, %mul3A_32] : memref<4x16x4096xi32, #tpu.memory_space<hbm>> -> memref<1x1x512xi32, #tpu.memory_space<hbm>>
      %dma_wait3A_187 = tpu.memref_squeeze %dma_wait3A_186 : memref<1x1x512xi32, #tpu.memory_space<hbm>> -> memref<512xi32, #tpu.memory_space<hbm>>
      %dma_wait3A_188 = tpu.memref_slice %arg5[%select_n3A, %run_scoped3A_165, %mul3A_32] : memref<4x16x4096xi32, #tpu.memory_space<hbm>> -> memref<1x1x512xi32, #tpu.memory_space<hbm>>
      %dma_wait3A_189 = tpu.memref_squeeze %dma_wait3A_188 : memref<1x1x512xi32, #tpu.memory_space<hbm>> -> memref<512xi32, #tpu.memory_space<hbm>>
      %dma_wait3A_190 = arith.constant 2048 : i32
      %dma_wait3A_191 = tpu.memref_slice %arg10[%dma_wait3A_190] : memref<8192xi32, #tpu.memory_space<vmem>> -> memref<512xi32, #tpu.memory_space<vmem>>
      tpu.wait_dma2 semaphore(%run_scoped3A_177 : memref<!tpu.dma_semaphore, #tpu.memory_space<semaphore_mem>>) src(%dma_wait3A_191 : memref<512xi32, #tpu.memory_space<vmem>>) dst(%dma_wait3A_189 : memref<512xi32, #tpu.memory_space<hbm>>)
      tpu.yield
    }) : () -> ()
    %run_scoped3A_166 = arith.constant 5 : i32
    "tpu.region"() ({
      %run_scoped3A_177 = tpu.sem_alloc : memref<!tpu.dma_semaphore, #tpu.memory_space<semaphore_mem>>
      %dma_start3A = arith.constant 2560 : i32
      %dma_start3A_178 = tpu.memref_slice %arg10[%dma_start3A] : memref<8192xi32, #tpu.memory_space<vmem>> -> memref<512xi32, #tpu.memory_space<vmem>>
      %dma_start3A_179 = tpu.memref_slice %arg5[%select_n3A, %run_scoped3A_166, %mul3A_32] : memref<4x16x4096xi32, #tpu.memory_space<hbm>> -> memref<1x1x512xi32, #tpu.memory_space<hbm>>
      %dma_start3A_180 = tpu.memref_squeeze %dma_start3A_179 : memref<1x1x512xi32, #tpu.memory_space<hbm>> -> memref<512xi32, #tpu.memory_space<hbm>>
      %dma_start3A_181 = tpu.memref_slice %arg5[%select_n3A, %run_scoped3A_166, %mul3A_32] : memref<4x16x4096xi32, #tpu.memory_space<hbm>> -> memref<1x1x512xi32, #tpu.memory_space<hbm>>
      %dma_start3A_182 = tpu.memref_squeeze %dma_start3A_181 : memref<1x1x512xi32, #tpu.memory_space<hbm>> -> memref<512xi32, #tpu.memory_space<hbm>>
      %dma_start3A_183 = arith.constant 2560 : i32
      %dma_start3A_184 = tpu.memref_slice %arg10[%dma_start3A_183] : memref<8192xi32, #tpu.memory_space<vmem>> -> memref<512xi32, #tpu.memory_space<vmem>>
      tpu.enqueue_dma source(%dma_start3A_184 : memref<512xi32, #tpu.memory_space<vmem>>) target(%dma_start3A_182 : memref<512xi32, #tpu.memory_space<hbm>>) target_semaphore(%run_scoped3A_177 : memref<!tpu.dma_semaphore, #tpu.memory_space<semaphore_mem>>)
      %dma_wait3A = arith.constant 2560 : i32
      %dma_wait3A_185 = tpu.memref_slice %arg10[%dma_wait3A] : memref<8192xi32, #tpu.memory_space<vmem>> -> memref<512xi32, #tpu.memory_space<vmem>>
      %dma_wait3A_186 = tpu.memref_slice %arg5[%select_n3A, %run_scoped3A_166, %mul3A_32] : memref<4x16x4096xi32, #tpu.memory_space<hbm>> -> memref<1x1x512xi32, #tpu.memory_space<hbm>>
      %dma_wait3A_187 = tpu.memref_squeeze %dma_wait3A_186 : memref<1x1x512xi32, #tpu.memory_space<hbm>> -> memref<512xi32, #tpu.memory_space<hbm>>
      %dma_wait3A_188 = tpu.memref_slice %arg5[%select_n3A, %run_scoped3A_166, %mul3A_32] : memref<4x16x4096xi32, #tpu.memory_space<hbm>> -> memref<1x1x512xi32, #tpu.memory_space<hbm>>
      %dma_wait3A_189 = tpu.memref_squeeze %dma_wait3A_188 : memref<1x1x512xi32, #tpu.memory_space<hbm>> -> memref<512xi32, #tpu.memory_space<hbm>>
      %dma_wait3A_190 = arith.constant 2560 : i32
      %dma_wait3A_191 = tpu.memref_slice %arg10[%dma_wait3A_190] : memref<8192xi32, #tpu.memory_space<vmem>> -> memref<512xi32, #tpu.memory_space<vmem>>
      tpu.wait_dma2 semaphore(%run_scoped3A_177 : memref<!tpu.dma_semaphore, #tpu.memory_space<semaphore_mem>>) src(%dma_wait3A_191 : memref<512xi32, #tpu.memory_space<vmem>>) dst(%dma_wait3A_189 : memref<512xi32, #tpu.memory_space<hbm>>)
      tpu.yield
    }) : () -> ()
    %run_scoped3A_167 = arith.constant 6 : i32
    "tpu.region"() ({
      %run_scoped3A_177 = tpu.sem_alloc : memref<!tpu.dma_semaphore, #tpu.memory_space<semaphore_mem>>
      %dma_start3A = arith.constant 3072 : i32
      %dma_start3A_178 = tpu.memref_slice %arg10[%dma_start3A] : memref<8192xi32, #tpu.memory_space<vmem>> -> memref<512xi32, #tpu.memory_space<vmem>>
      %dma_start3A_179 = tpu.memref_slice %arg5[%select_n3A, %run_scoped3A_167, %mul3A_32] : memref<4x16x4096xi32, #tpu.memory_space<hbm>> -> memref<1x1x512xi32, #tpu.memory_space<hbm>>
      %dma_start3A_180 = tpu.memref_squeeze %dma_start3A_179 : memref<1x1x512xi32, #tpu.memory_space<hbm>> -> memref<512xi32, #tpu.memory_space<hbm>>
      %dma_start3A_181 = tpu.memref_slice %arg5[%select_n3A, %run_scoped3A_167, %mul3A_32] : memref<4x16x4096xi32, #tpu.memory_space<hbm>> -> memref<1x1x512xi32, #tpu.memory_space<hbm>>
      %dma_start3A_182 = tpu.memref_squeeze %dma_start3A_181 : memref<1x1x512xi32, #tpu.memory_space<hbm>> -> memref<512xi32, #tpu.memory_space<hbm>>
      %dma_start3A_183 = arith.constant 3072 : i32
      %dma_start3A_184 = tpu.memref_slice %arg10[%dma_start3A_183] : memref<8192xi32, #tpu.memory_space<vmem>> -> memref<512xi32, #tpu.memory_space<vmem>>
      tpu.enqueue_dma source(%dma_start3A_184 : memref<512xi32, #tpu.memory_space<vmem>>) target(%dma_start3A_182 : memref<512xi32, #tpu.memory_space<hbm>>) target_semaphore(%run_scoped3A_177 : memref<!tpu.dma_semaphore, #tpu.memory_space<semaphore_mem>>)
      %dma_wait3A = arith.constant 3072 : i32
      %dma_wait3A_185 = tpu.memref_slice %arg10[%dma_wait3A] : memref<8192xi32, #tpu.memory_space<vmem>> -> memref<512xi32, #tpu.memory_space<vmem>>
      %dma_wait3A_186 = tpu.memref_slice %arg5[%select_n3A, %run_scoped3A_167, %mul3A_32] : memref<4x16x4096xi32, #tpu.memory_space<hbm>> -> memref<1x1x512xi32, #tpu.memory_space<hbm>>
      %dma_wait3A_187 = tpu.memref_squeeze %dma_wait3A_186 : memref<1x1x512xi32, #tpu.memory_space<hbm>> -> memref<512xi32, #tpu.memory_space<hbm>>
      %dma_wait3A_188 = tpu.memref_slice %arg5[%select_n3A, %run_scoped3A_167, %mul3A_32] : memref<4x16x4096xi32, #tpu.memory_space<hbm>> -> memref<1x1x512xi32, #tpu.memory_space<hbm>>
      %dma_wait3A_189 = tpu.memref_squeeze %dma_wait3A_188 : memref<1x1x512xi32, #tpu.memory_space<hbm>> -> memref<512xi32, #tpu.memory_space<hbm>>
      %dma_wait3A_190 = arith.constant 3072 : i32
      %dma_wait3A_191 = tpu.memref_slice %arg10[%dma_wait3A_190] : memref<8192xi32, #tpu.memory_space<vmem>> -> memref<512xi32, #tpu.memory_space<vmem>>
      tpu.wait_dma2 semaphore(%run_scoped3A_177 : memref<!tpu.dma_semaphore, #tpu.memory_space<semaphore_mem>>) src(%dma_wait3A_191 : memref<512xi32, #tpu.memory_space<vmem>>) dst(%dma_wait3A_189 : memref<512xi32, #tpu.memory_space<hbm>>)
      tpu.yield
    }) : () -> ()
    %run_scoped3A_168 = arith.constant 7 : i32
    "tpu.region"() ({
      %run_scoped3A_177 = tpu.sem_alloc : memref<!tpu.dma_semaphore, #tpu.memory_space<semaphore_mem>>
      %dma_start3A = arith.constant 3584 : i32
      %dma_start3A_178 = tpu.memref_slice %arg10[%dma_start3A] : memref<8192xi32, #tpu.memory_space<vmem>> -> memref<512xi32, #tpu.memory_space<vmem>>
      %dma_start3A_179 = tpu.memref_slice %arg5[%select_n3A, %run_scoped3A_168, %mul3A_32] : memref<4x16x4096xi32, #tpu.memory_space<hbm>> -> memref<1x1x512xi32, #tpu.memory_space<hbm>>
      %dma_start3A_180 = tpu.memref_squeeze %dma_start3A_179 : memref<1x1x512xi32, #tpu.memory_space<hbm>> -> memref<512xi32, #tpu.memory_space<hbm>>
      %dma_start3A_181 = tpu.memref_slice %arg5[%select_n3A, %run_scoped3A_168, %mul3A_32] : memref<4x16x4096xi32, #tpu.memory_space<hbm>> -> memref<1x1x512xi32, #tpu.memory_space<hbm>>
      %dma_start3A_182 = tpu.memref_squeeze %dma_start3A_181 : memref<1x1x512xi32, #tpu.memory_space<hbm>> -> memref<512xi32, #tpu.memory_space<hbm>>
      %dma_start3A_183 = arith.constant 3584 : i32
      %dma_start3A_184 = tpu.memref_slice %arg10[%dma_start3A_183] : memref<8192xi32, #tpu.memory_space<vmem>> -> memref<512xi32, #tpu.memory_space<vmem>>
      tpu.enqueue_dma source(%dma_start3A_184 : memref<512xi32, #tpu.memory_space<vmem>>) target(%dma_start3A_182 : memref<512xi32, #tpu.memory_space<hbm>>) target_semaphore(%run_scoped3A_177 : memref<!tpu.dma_semaphore, #tpu.memory_space<semaphore_mem>>)
      %dma_wait3A = arith.constant 3584 : i32
      %dma_wait3A_185 = tpu.memref_slice %arg10[%dma_wait3A] : memref<8192xi32, #tpu.memory_space<vmem>> -> memref<512xi32, #tpu.memory_space<vmem>>
      %dma_wait3A_186 = tpu.memref_slice %arg5[%select_n3A, %run_scoped3A_168, %mul3A_32] : memref<4x16x4096xi32, #tpu.memory_space<hbm>> -> memref<1x1x512xi32, #tpu.memory_space<hbm>>
      %dma_wait3A_187 = tpu.memref_squeeze %dma_wait3A_186 : memref<1x1x512xi32, #tpu.memory_space<hbm>> -> memref<512xi32, #tpu.memory_space<hbm>>
      %dma_wait3A_188 = tpu.memref_slice %arg5[%select_n3A, %run_scoped3A_168, %mul3A_32] : memref<4x16x4096xi32, #tpu.memory_space<hbm>> -> memref<1x1x512xi32, #tpu.memory_space<hbm>>
      %dma_wait3A_189 = tpu.memref_squeeze %dma_wait3A_188 : memref<1x1x512xi32, #tpu.memory_space<hbm>> -> memref<512xi32, #tpu.memory_space<hbm>>
      %dma_wait3A_190 = arith.constant 3584 : i32
      %dma_wait3A_191 = tpu.memref_slice %arg10[%dma_wait3A_190] : memref<8192xi32, #tpu.memory_space<vmem>> -> memref<512xi32, #tpu.memory_space<vmem>>
      tpu.wait_dma2 semaphore(%run_scoped3A_177 : memref<!tpu.dma_semaphore, #tpu.memory_space<semaphore_mem>>) src(%dma_wait3A_191 : memref<512xi32, #tpu.memory_space<vmem>>) dst(%dma_wait3A_189 : memref<512xi32, #tpu.memory_space<hbm>>)
      tpu.yield
    }) : () -> ()
    %run_scoped3A_169 = arith.constant 8 : i32
    "tpu.region"() ({
      %run_scoped3A_177 = tpu.sem_alloc : memref<!tpu.dma_semaphore, #tpu.memory_space<semaphore_mem>>
      %dma_start3A = arith.constant 4096 : i32
      %dma_start3A_178 = tpu.memref_slice %arg10[%dma_start3A] : memref<8192xi32, #tpu.memory_space<vmem>> -> memref<512xi32, #tpu.memory_space<vmem>>
      %dma_start3A_179 = tpu.memref_slice %arg5[%select_n3A, %run_scoped3A_169, %mul3A_32] : memref<4x16x4096xi32, #tpu.memory_space<hbm>> -> memref<1x1x512xi32, #tpu.memory_space<hbm>>
      %dma_start3A_180 = tpu.memref_squeeze %dma_start3A_179 : memref<1x1x512xi32, #tpu.memory_space<hbm>> -> memref<512xi32, #tpu.memory_space<hbm>>
      %dma_start3A_181 = tpu.memref_slice %arg5[%select_n3A, %run_scoped3A_169, %mul3A_32] : memref<4x16x4096xi32, #tpu.memory_space<hbm>> -> memref<1x1x512xi32, #tpu.memory_space<hbm>>
      %dma_start3A_182 = tpu.memref_squeeze %dma_start3A_181 : memref<1x1x512xi32, #tpu.memory_space<hbm>> -> memref<512xi32, #tpu.memory_space<hbm>>
      %dma_start3A_183 = arith.constant 4096 : i32
      %dma_start3A_184 = tpu.memref_slice %arg10[%dma_start3A_183] : memref<8192xi32, #tpu.memory_space<vmem>> -> memref<512xi32, #tpu.memory_space<vmem>>
      tpu.enqueue_dma source(%dma_start3A_184 : memref<512xi32, #tpu.memory_space<vmem>>) target(%dma_start3A_182 : memref<512xi32, #tpu.memory_space<hbm>>) target_semaphore(%run_scoped3A_177 : memref<!tpu.dma_semaphore, #tpu.memory_space<semaphore_mem>>)
      %dma_wait3A = arith.constant 4096 : i32
      %dma_wait3A_185 = tpu.memref_slice %arg10[%dma_wait3A] : memref<8192xi32, #tpu.memory_space<vmem>> -> memref<512xi32, #tpu.memory_space<vmem>>
      %dma_wait3A_186 = tpu.memref_slice %arg5[%select_n3A, %run_scoped3A_169, %mul3A_32] : memref<4x16x4096xi32, #tpu.memory_space<hbm>> -> memref<1x1x512xi32, #tpu.memory_space<hbm>>
      %dma_wait3A_187 = tpu.memref_squeeze %dma_wait3A_186 : memref<1x1x512xi32, #tpu.memory_space<hbm>> -> memref<512xi32, #tpu.memory_space<hbm>>
      %dma_wait3A_188 = tpu.memref_slice %arg5[%select_n3A, %run_scoped3A_169, %mul3A_32] : memref<4x16x4096xi32, #tpu.memory_space<hbm>> -> memref<1x1x512xi32, #tpu.memory_space<hbm>>
      %dma_wait3A_189 = tpu.memref_squeeze %dma_wait3A_188 : memref<1x1x512xi32, #tpu.memory_space<hbm>> -> memref<512xi32, #tpu.memory_space<hbm>>
      %dma_wait3A_190 = arith.constant 4096 : i32
      %dma_wait3A_191 = tpu.memref_slice %arg10[%dma_wait3A_190] : memref<8192xi32, #tpu.memory_space<vmem>> -> memref<512xi32, #tpu.memory_space<vmem>>
      tpu.wait_dma2 semaphore(%run_scoped3A_177 : memref<!tpu.dma_semaphore, #tpu.memory_space<semaphore_mem>>) src(%dma_wait3A_191 : memref<512xi32, #tpu.memory_space<vmem>>) dst(%dma_wait3A_189 : memref<512xi32, #tpu.memory_space<hbm>>)
      tpu.yield
    }) : () -> ()
    %run_scoped3A_170 = arith.constant 9 : i32
    "tpu.region"() ({
      %run_scoped3A_177 = tpu.sem_alloc : memref<!tpu.dma_semaphore, #tpu.memory_space<semaphore_mem>>
      %dma_start3A = arith.constant 4608 : i32
      %dma_start3A_178 = tpu.memref_slice %arg10[%dma_start3A] : memref<8192xi32, #tpu.memory_space<vmem>> -> memref<512xi32, #tpu.memory_space<vmem>>
      %dma_start3A_179 = tpu.memref_slice %arg5[%select_n3A, %run_scoped3A_170, %mul3A_32] : memref<4x16x4096xi32, #tpu.memory_space<hbm>> -> memref<1x1x512xi32, #tpu.memory_space<hbm>>
      %dma_start3A_180 = tpu.memref_squeeze %dma_start3A_179 : memref<1x1x512xi32, #tpu.memory_space<hbm>> -> memref<512xi32, #tpu.memory_space<hbm>>
      %dma_start3A_181 = tpu.memref_slice %arg5[%select_n3A, %run_scoped3A_170, %mul3A_32] : memref<4x16x4096xi32, #tpu.memory_space<hbm>> -> memref<1x1x512xi32, #tpu.memory_space<hbm>>
      %dma_start3A_182 = tpu.memref_squeeze %dma_start3A_181 : memref<1x1x512xi32, #tpu.memory_space<hbm>> -> memref<512xi32, #tpu.memory_space<hbm>>
      %dma_start3A_183 = arith.constant 4608 : i32
      %dma_start3A_184 = tpu.memref_slice %arg10[%dma_start3A_183] : memref<8192xi32, #tpu.memory_space<vmem>> -> memref<512xi32, #tpu.memory_space<vmem>>
      tpu.enqueue_dma source(%dma_start3A_184 : memref<512xi32, #tpu.memory_space<vmem>>) target(%dma_start3A_182 : memref<512xi32, #tpu.memory_space<hbm>>) target_semaphore(%run_scoped3A_177 : memref<!tpu.dma_semaphore, #tpu.memory_space<semaphore_mem>>)
      %dma_wait3A = arith.constant 4608 : i32
      %dma_wait3A_185 = tpu.memref_slice %arg10[%dma_wait3A] : memref<8192xi32, #tpu.memory_space<vmem>> -> memref<512xi32, #tpu.memory_space<vmem>>
      %dma_wait3A_186 = tpu.memref_slice %arg5[%select_n3A, %run_scoped3A_170, %mul3A_32] : memref<4x16x4096xi32, #tpu.memory_space<hbm>> -> memref<1x1x512xi32, #tpu.memory_space<hbm>>
      %dma_wait3A_187 = tpu.memref_squeeze %dma_wait3A_186 : memref<1x1x512xi32, #tpu.memory_space<hbm>> -> memref<512xi32, #tpu.memory_space<hbm>>
      %dma_wait3A_188 = tpu.memref_slice %arg5[%select_n3A, %run_scoped3A_170, %mul3A_32] : memref<4x16x4096xi32, #tpu.memory_space<hbm>> -> memref<1x1x512xi32, #tpu.memory_space<hbm>>
      %dma_wait3A_189 = tpu.memref_squeeze %dma_wait3A_188 : memref<1x1x512xi32, #tpu.memory_space<hbm>> -> memref<512xi32, #tpu.memory_space<hbm>>
      %dma_wait3A_190 = arith.constant 4608 : i32
      %dma_wait3A_191 = tpu.memref_slice %arg10[%dma_wait3A_190] : memref<8192xi32, #tpu.memory_space<vmem>> -> memref<512xi32, #tpu.memory_space<vmem>>
      tpu.wait_dma2 semaphore(%run_scoped3A_177 : memref<!tpu.dma_semaphore, #tpu.memory_space<semaphore_mem>>) src(%dma_wait3A_191 : memref<512xi32, #tpu.memory_space<vmem>>) dst(%dma_wait3A_189 : memref<512xi32, #tpu.memory_space<hbm>>)
      tpu.yield
    }) : () -> ()
    %run_scoped3A_171 = arith.constant 10 : i32
    "tpu.region"() ({
      %run_scoped3A_177 = tpu.sem_alloc : memref<!tpu.dma_semaphore, #tpu.memory_space<semaphore_mem>>
      %dma_start3A = arith.constant 5120 : i32
      %dma_start3A_178 = tpu.memref_slice %arg10[%dma_start3A] : memref<8192xi32, #tpu.memory_space<vmem>> -> memref<512xi32, #tpu.memory_space<vmem>>
      %dma_start3A_179 = tpu.memref_slice %arg5[%select_n3A, %run_scoped3A_171, %mul3A_32] : memref<4x16x4096xi32, #tpu.memory_space<hbm>> -> memref<1x1x512xi32, #tpu.memory_space<hbm>>
      %dma_start3A_180 = tpu.memref_squeeze %dma_start3A_179 : memref<1x1x512xi32, #tpu.memory_space<hbm>> -> memref<512xi32, #tpu.memory_space<hbm>>
      %dma_start3A_181 = tpu.memref_slice %arg5[%select_n3A, %run_scoped3A_171, %mul3A_32] : memref<4x16x4096xi32, #tpu.memory_space<hbm>> -> memref<1x1x512xi32, #tpu.memory_space<hbm>>
      %dma_start3A_182 = tpu.memref_squeeze %dma_start3A_181 : memref<1x1x512xi32, #tpu.memory_space<hbm>> -> memref<512xi32, #tpu.memory_space<hbm>>
      %dma_start3A_183 = arith.constant 5120 : i32
      %dma_start3A_184 = tpu.memref_slice %arg10[%dma_start3A_183] : memref<8192xi32, #tpu.memory_space<vmem>> -> memref<512xi32, #tpu.memory_space<vmem>>
      tpu.enqueue_dma source(%dma_start3A_184 : memref<512xi32, #tpu.memory_space<vmem>>) target(%dma_start3A_182 : memref<512xi32, #tpu.memory_space<hbm>>) target_semaphore(%run_scoped3A_177 : memref<!tpu.dma_semaphore, #tpu.memory_space<semaphore_mem>>)
      %dma_wait3A = arith.constant 5120 : i32
      %dma_wait3A_185 = tpu.memref_slice %arg10[%dma_wait3A] : memref<8192xi32, #tpu.memory_space<vmem>> -> memref<512xi32, #tpu.memory_space<vmem>>
      %dma_wait3A_186 = tpu.memref_slice %arg5[%select_n3A, %run_scoped3A_171, %mul3A_32] : memref<4x16x4096xi32, #tpu.memory_space<hbm>> -> memref<1x1x512xi32, #tpu.memory_space<hbm>>
      %dma_wait3A_187 = tpu.memref_squeeze %dma_wait3A_186 : memref<1x1x512xi32, #tpu.memory_space<hbm>> -> memref<512xi32, #tpu.memory_space<hbm>>
      %dma_wait3A_188 = tpu.memref_slice %arg5[%select_n3A, %run_scoped3A_171, %mul3A_32] : memref<4x16x4096xi32, #tpu.memory_space<hbm>> -> memref<1x1x512xi32, #tpu.memory_space<hbm>>
      %dma_wait3A_189 = tpu.memref_squeeze %dma_wait3A_188 : memref<1x1x512xi32, #tpu.memory_space<hbm>> -> memref<512xi32, #tpu.memory_space<hbm>>
      %dma_wait3A_190 = arith.constant 5120 : i32
      %dma_wait3A_191 = tpu.memref_slice %arg10[%dma_wait3A_190] : memref<8192xi32, #tpu.memory_space<vmem>> -> memref<512xi32, #tpu.memory_space<vmem>>
      tpu.wait_dma2 semaphore(%run_scoped3A_177 : memref<!tpu.dma_semaphore, #tpu.memory_space<semaphore_mem>>) src(%dma_wait3A_191 : memref<512xi32, #tpu.memory_space<vmem>>) dst(%dma_wait3A_189 : memref<512xi32, #tpu.memory_space<hbm>>)
      tpu.yield
    }) : () -> ()
    %run_scoped3A_172 = arith.constant 11 : i32
    "tpu.region"() ({
      %run_scoped3A_177 = tpu.sem_alloc : memref<!tpu.dma_semaphore, #tpu.memory_space<semaphore_mem>>
      %dma_start3A = arith.constant 5632 : i32
      %dma_start3A_178 = tpu.memref_slice %arg10[%dma_start3A] : memref<8192xi32, #tpu.memory_space<vmem>> -> memref<512xi32, #tpu.memory_space<vmem>>
      %dma_start3A_179 = tpu.memref_slice %arg5[%select_n3A, %run_scoped3A_172, %mul3A_32] : memref<4x16x4096xi32, #tpu.memory_space<hbm>> -> memref<1x1x512xi32, #tpu.memory_space<hbm>>
      %dma_start3A_180 = tpu.memref_squeeze %dma_start3A_179 : memref<1x1x512xi32, #tpu.memory_space<hbm>> -> memref<512xi32, #tpu.memory_space<hbm>>
      %dma_start3A_181 = tpu.memref_slice %arg5[%select_n3A, %run_scoped3A_172, %mul3A_32] : memref<4x16x4096xi32, #tpu.memory_space<hbm>> -> memref<1x1x512xi32, #tpu.memory_space<hbm>>
      %dma_start3A_182 = tpu.memref_squeeze %dma_start3A_181 : memref<1x1x512xi32, #tpu.memory_space<hbm>> -> memref<512xi32, #tpu.memory_space<hbm>>
      %dma_start3A_183 = arith.constant 5632 : i32
      %dma_start3A_184 = tpu.memref_slice %arg10[%dma_start3A_183] : memref<8192xi32, #tpu.memory_space<vmem>> -> memref<512xi32, #tpu.memory_space<vmem>>
      tpu.enqueue_dma source(%dma_start3A_184 : memref<512xi32, #tpu.memory_space<vmem>>) target(%dma_start3A_182 : memref<512xi32, #tpu.memory_space<hbm>>) target_semaphore(%run_scoped3A_177 : memref<!tpu.dma_semaphore, #tpu.memory_space<semaphore_mem>>)
      %dma_wait3A = arith.constant 5632 : i32
      %dma_wait3A_185 = tpu.memref_slice %arg10[%dma_wait3A] : memref<8192xi32, #tpu.memory_space<vmem>> -> memref<512xi32, #tpu.memory_space<vmem>>
      %dma_wait3A_186 = tpu.memref_slice %arg5[%select_n3A, %run_scoped3A_172, %mul3A_32] : memref<4x16x4096xi32, #tpu.memory_space<hbm>> -> memref<1x1x512xi32, #tpu.memory_space<hbm>>
      %dma_wait3A_187 = tpu.memref_squeeze %dma_wait3A_186 : memref<1x1x512xi32, #tpu.memory_space<hbm>> -> memref<512xi32, #tpu.memory_space<hbm>>
      %dma_wait3A_188 = tpu.memref_slice %arg5[%select_n3A, %run_scoped3A_172, %mul3A_32] : memref<4x16x4096xi32, #tpu.memory_space<hbm>> -> memref<1x1x512xi32, #tpu.memory_space<hbm>>
      %dma_wait3A_189 = tpu.memref_squeeze %dma_wait3A_188 : memref<1x1x512xi32, #tpu.memory_space<hbm>> -> memref<512xi32, #tpu.memory_space<hbm>>
      %dma_wait3A_190 = arith.constant 5632 : i32
      %dma_wait3A_191 = tpu.memref_slice %arg10[%dma_wait3A_190] : memref<8192xi32, #tpu.memory_space<vmem>> -> memref<512xi32, #tpu.memory_space<vmem>>
      tpu.wait_dma2 semaphore(%run_scoped3A_177 : memref<!tpu.dma_semaphore, #tpu.memory_space<semaphore_mem>>) src(%dma_wait3A_191 : memref<512xi32, #tpu.memory_space<vmem>>) dst(%dma_wait3A_189 : memref<512xi32, #tpu.memory_space<hbm>>)
      tpu.yield
    }) : () -> ()
    %run_scoped3A_173 = arith.constant 12 : i32
    "tpu.region"() ({
      %run_scoped3A_177 = tpu.sem_alloc : memref<!tpu.dma_semaphore, #tpu.memory_space<semaphore_mem>>
      %dma_start3A = arith.constant 6144 : i32
      %dma_start3A_178 = tpu.memref_slice %arg10[%dma_start3A] : memref<8192xi32, #tpu.memory_space<vmem>> -> memref<512xi32, #tpu.memory_space<vmem>>
      %dma_start3A_179 = tpu.memref_slice %arg5[%select_n3A, %run_scoped3A_173, %mul3A_32] : memref<4x16x4096xi32, #tpu.memory_space<hbm>> -> memref<1x1x512xi32, #tpu.memory_space<hbm>>
      %dma_start3A_180 = tpu.memref_squeeze %dma_start3A_179 : memref<1x1x512xi32, #tpu.memory_space<hbm>> -> memref<512xi32, #tpu.memory_space<hbm>>
      %dma_start3A_181 = tpu.memref_slice %arg5[%select_n3A, %run_scoped3A_173, %mul3A_32] : memref<4x16x4096xi32, #tpu.memory_space<hbm>> -> memref<1x1x512xi32, #tpu.memory_space<hbm>>
      %dma_start3A_182 = tpu.memref_squeeze %dma_start3A_181 : memref<1x1x512xi32, #tpu.memory_space<hbm>> -> memref<512xi32, #tpu.memory_space<hbm>>
      %dma_start3A_183 = arith.constant 6144 : i32
      %dma_start3A_184 = tpu.memref_slice %arg10[%dma_start3A_183] : memref<8192xi32, #tpu.memory_space<vmem>> -> memref<512xi32, #tpu.memory_space<vmem>>
      tpu.enqueue_dma source(%dma_start3A_184 : memref<512xi32, #tpu.memory_space<vmem>>) target(%dma_start3A_182 : memref<512xi32, #tpu.memory_space<hbm>>) target_semaphore(%run_scoped3A_177 : memref<!tpu.dma_semaphore, #tpu.memory_space<semaphore_mem>>)
      %dma_wait3A = arith.constant 6144 : i32
      %dma_wait3A_185 = tpu.memref_slice %arg10[%dma_wait3A] : memref<8192xi32, #tpu.memory_space<vmem>> -> memref<512xi32, #tpu.memory_space<vmem>>
      %dma_wait3A_186 = tpu.memref_slice %arg5[%select_n3A, %run_scoped3A_173, %mul3A_32] : memref<4x16x4096xi32, #tpu.memory_space<hbm>> -> memref<1x1x512xi32, #tpu.memory_space<hbm>>
      %dma_wait3A_187 = tpu.memref_squeeze %dma_wait3A_186 : memref<1x1x512xi32, #tpu.memory_space<hbm>> -> memref<512xi32, #tpu.memory_space<hbm>>
      %dma_wait3A_188 = tpu.memref_slice %arg5[%select_n3A, %run_scoped3A_173, %mul3A_32] : memref<4x16x4096xi32, #tpu.memory_space<hbm>> -> memref<1x1x512xi32, #tpu.memory_space<hbm>>
      %dma_wait3A_189 = tpu.memref_squeeze %dma_wait3A_188 : memref<1x1x512xi32, #tpu.memory_space<hbm>> -> memref<512xi32, #tpu.memory_space<hbm>>
      %dma_wait3A_190 = arith.constant 6144 : i32
      %dma_wait3A_191 = tpu.memref_slice %arg10[%dma_wait3A_190] : memref<8192xi32, #tpu.memory_space<vmem>> -> memref<512xi32, #tpu.memory_space<vmem>>
      tpu.wait_dma2 semaphore(%run_scoped3A_177 : memref<!tpu.dma_semaphore, #tpu.memory_space<semaphore_mem>>) src(%dma_wait3A_191 : memref<512xi32, #tpu.memory_space<vmem>>) dst(%dma_wait3A_189 : memref<512xi32, #tpu.memory_space<hbm>>)
      tpu.yield
    }) : () -> ()
    %run_scoped3A_174 = arith.constant 13 : i32
    "tpu.region"() ({
      %run_scoped3A_177 = tpu.sem_alloc : memref<!tpu.dma_semaphore, #tpu.memory_space<semaphore_mem>>
      %dma_start3A = arith.constant 6656 : i32
      %dma_start3A_178 = tpu.memref_slice %arg10[%dma_start3A] : memref<8192xi32, #tpu.memory_space<vmem>> -> memref<512xi32, #tpu.memory_space<vmem>>
      %dma_start3A_179 = tpu.memref_slice %arg5[%select_n3A, %run_scoped3A_174, %mul3A_32] : memref<4x16x4096xi32, #tpu.memory_space<hbm>> -> memref<1x1x512xi32, #tpu.memory_space<hbm>>
      %dma_start3A_180 = tpu.memref_squeeze %dma_start3A_179 : memref<1x1x512xi32, #tpu.memory_space<hbm>> -> memref<512xi32, #tpu.memory_space<hbm>>
      %dma_start3A_181 = tpu.memref_slice %arg5[%select_n3A, %run_scoped3A_174, %mul3A_32] : memref<4x16x4096xi32, #tpu.memory_space<hbm>> -> memref<1x1x512xi32, #tpu.memory_space<hbm>>
      %dma_start3A_182 = tpu.memref_squeeze %dma_start3A_181 : memref<1x1x512xi32, #tpu.memory_space<hbm>> -> memref<512xi32, #tpu.memory_space<hbm>>
      %dma_start3A_183 = arith.constant 6656 : i32
      %dma_start3A_184 = tpu.memref_slice %arg10[%dma_start3A_183] : memref<8192xi32, #tpu.memory_space<vmem>> -> memref<512xi32, #tpu.memory_space<vmem>>
      tpu.enqueue_dma source(%dma_start3A_184 : memref<512xi32, #tpu.memory_space<vmem>>) target(%dma_start3A_182 : memref<512xi32, #tpu.memory_space<hbm>>) target_semaphore(%run_scoped3A_177 : memref<!tpu.dma_semaphore, #tpu.memory_space<semaphore_mem>>)
      %dma_wait3A = arith.constant 6656 : i32
      %dma_wait3A_185 = tpu.memref_slice %arg10[%dma_wait3A] : memref<8192xi32, #tpu.memory_space<vmem>> -> memref<512xi32, #tpu.memory_space<vmem>>
      %dma_wait3A_186 = tpu.memref_slice %arg5[%select_n3A, %run_scoped3A_174, %mul3A_32] : memref<4x16x4096xi32, #tpu.memory_space<hbm>> -> memref<1x1x512xi32, #tpu.memory_space<hbm>>
      %dma_wait3A_187 = tpu.memref_squeeze %dma_wait3A_186 : memref<1x1x512xi32, #tpu.memory_space<hbm>> -> memref<512xi32, #tpu.memory_space<hbm>>
      %dma_wait3A_188 = tpu.memref_slice %arg5[%select_n3A, %run_scoped3A_174, %mul3A_32] : memref<4x16x4096xi32, #tpu.memory_space<hbm>> -> memref<1x1x512xi32, #tpu.memory_space<hbm>>
      %dma_wait3A_189 = tpu.memref_squeeze %dma_wait3A_188 : memref<1x1x512xi32, #tpu.memory_space<hbm>> -> memref<512xi32, #tpu.memory_space<hbm>>
      %dma_wait3A_190 = arith.constant 6656 : i32
      %dma_wait3A_191 = tpu.memref_slice %arg10[%dma_wait3A_190] : memref<8192xi32, #tpu.memory_space<vmem>> -> memref<512xi32, #tpu.memory_space<vmem>>
      tpu.wait_dma2 semaphore(%run_scoped3A_177 : memref<!tpu.dma_semaphore, #tpu.memory_space<semaphore_mem>>) src(%dma_wait3A_191 : memref<512xi32, #tpu.memory_space<vmem>>) dst(%dma_wait3A_189 : memref<512xi32, #tpu.memory_space<hbm>>)
      tpu.yield
    }) : () -> ()
    %run_scoped3A_175 = arith.constant 14 : i32
    "tpu.region"() ({
      %run_scoped3A_177 = tpu.sem_alloc : memref<!tpu.dma_semaphore, #tpu.memory_space<semaphore_mem>>
      %dma_start3A = arith.constant 7168 : i32
      %dma_start3A_178 = tpu.memref_slice %arg10[%dma_start3A] : memref<8192xi32, #tpu.memory_space<vmem>> -> memref<512xi32, #tpu.memory_space<vmem>>
      %dma_start3A_179 = tpu.memref_slice %arg5[%select_n3A, %run_scoped3A_175, %mul3A_32] : memref<4x16x4096xi32, #tpu.memory_space<hbm>> -> memref<1x1x512xi32, #tpu.memory_space<hbm>>
      %dma_start3A_180 = tpu.memref_squeeze %dma_start3A_179 : memref<1x1x512xi32, #tpu.memory_space<hbm>> -> memref<512xi32, #tpu.memory_space<hbm>>
      %dma_start3A_181 = tpu.memref_slice %arg5[%select_n3A, %run_scoped3A_175, %mul3A_32] : memref<4x16x4096xi32, #tpu.memory_space<hbm>> -> memref<1x1x512xi32, #tpu.memory_space<hbm>>
      %dma_start3A_182 = tpu.memref_squeeze %dma_start3A_181 : memref<1x1x512xi32, #tpu.memory_space<hbm>> -> memref<512xi32, #tpu.memory_space<hbm>>
      %dma_start3A_183 = arith.constant 7168 : i32
      %dma_start3A_184 = tpu.memref_slice %arg10[%dma_start3A_183] : memref<8192xi32, #tpu.memory_space<vmem>> -> memref<512xi32, #tpu.memory_space<vmem>>
      tpu.enqueue_dma source(%dma_start3A_184 : memref<512xi32, #tpu.memory_space<vmem>>) target(%dma_start3A_182 : memref<512xi32, #tpu.memory_space<hbm>>) target_semaphore(%run_scoped3A_177 : memref<!tpu.dma_semaphore, #tpu.memory_space<semaphore_mem>>)
      %dma_wait3A = arith.constant 7168 : i32
      %dma_wait3A_185 = tpu.memref_slice %arg10[%dma_wait3A] : memref<8192xi32, #tpu.memory_space<vmem>> -> memref<512xi32, #tpu.memory_space<vmem>>
      %dma_wait3A_186 = tpu.memref_slice %arg5[%select_n3A, %run_scoped3A_175, %mul3A_32] : memref<4x16x4096xi32, #tpu.memory_space<hbm>> -> memref<1x1x512xi32, #tpu.memory_space<hbm>>
      %dma_wait3A_187 = tpu.memref_squeeze %dma_wait3A_186 : memref<1x1x512xi32, #tpu.memory_space<hbm>> -> memref<512xi32, #tpu.memory_space<hbm>>
      %dma_wait3A_188 = tpu.memref_slice %arg5[%select_n3A, %run_scoped3A_175, %mul3A_32] : memref<4x16x4096xi32, #tpu.memory_space<hbm>> -> memref<1x1x512xi32, #tpu.memory_space<hbm>>
      %dma_wait3A_189 = tpu.memref_squeeze %dma_wait3A_188 : memref<1x1x512xi32, #tpu.memory_space<hbm>> -> memref<512xi32, #tpu.memory_space<hbm>>
      %dma_wait3A_190 = arith.constant 7168 : i32
      %dma_wait3A_191 = tpu.memref_slice %arg10[%dma_wait3A_190] : memref<8192xi32, #tpu.memory_space<vmem>> -> memref<512xi32, #tpu.memory_space<vmem>>
      tpu.wait_dma2 semaphore(%run_scoped3A_177 : memref<!tpu.dma_semaphore, #tpu.memory_space<semaphore_mem>>) src(%dma_wait3A_191 : memref<512xi32, #tpu.memory_space<vmem>>) dst(%dma_wait3A_189 : memref<512xi32, #tpu.memory_space<hbm>>)
      tpu.yield
    }) : () -> ()
    %run_scoped3A_176 = arith.constant 15 : i32
    "tpu.region"() ({
      %run_scoped3A_177 = tpu.sem_alloc : memref<!tpu.dma_semaphore, #tpu.memory_space<semaphore_mem>>
      %dma_start3A = arith.constant 7680 : i32
      %dma_start3A_178 = tpu.memref_slice %arg10[%dma_start3A] : memref<8192xi32, #tpu.memory_space<vmem>> -> memref<512xi32, #tpu.memory_space<vmem>>
      %dma_start3A_179 = tpu.memref_slice %arg5[%select_n3A, %run_scoped3A_176, %mul3A_32] : memref<4x16x4096xi32, #tpu.memory_space<hbm>> -> memref<1x1x512xi32, #tpu.memory_space<hbm>>
      %dma_start3A_180 = tpu.memref_squeeze %dma_start3A_179 : memref<1x1x512xi32, #tpu.memory_space<hbm>> -> memref<512xi32, #tpu.memory_space<hbm>>
      %dma_start3A_181 = tpu.memref_slice %arg5[%select_n3A, %run_scoped3A_176, %mul3A_32] : memref<4x16x4096xi32, #tpu.memory_space<hbm>> -> memref<1x1x512xi32, #tpu.memory_space<hbm>>
      %dma_start3A_182 = tpu.memref_squeeze %dma_start3A_181 : memref<1x1x512xi32, #tpu.memory_space<hbm>> -> memref<512xi32, #tpu.memory_space<hbm>>
      %dma_start3A_183 = arith.constant 7680 : i32
      %dma_start3A_184 = tpu.memref_slice %arg10[%dma_start3A_183] : memref<8192xi32, #tpu.memory_space<vmem>> -> memref<512xi32, #tpu.memory_space<vmem>>
      tpu.enqueue_dma source(%dma_start3A_184 : memref<512xi32, #tpu.memory_space<vmem>>) target(%dma_start3A_182 : memref<512xi32, #tpu.memory_space<hbm>>) target_semaphore(%run_scoped3A_177 : memref<!tpu.dma_semaphore, #tpu.memory_space<semaphore_mem>>)
      %dma_wait3A = arith.constant 7680 : i32
      %dma_wait3A_185 = tpu.memref_slice %arg10[%dma_wait3A] : memref<8192xi32, #tpu.memory_space<vmem>> -> memref<512xi32, #tpu.memory_space<vmem>>
      %dma_wait3A_186 = tpu.memref_slice %arg5[%select_n3A, %run_scoped3A_176, %mul3A_32] : memref<4x16x4096xi32, #tpu.memory_space<hbm>> -> memref<1x1x512xi32, #tpu.memory_space<hbm>>
      %dma_wait3A_187 = tpu.memref_squeeze %dma_wait3A_186 : memref<1x1x512xi32, #tpu.memory_space<hbm>> -> memref<512xi32, #tpu.memory_space<hbm>>
      %dma_wait3A_188 = tpu.memref_slice %arg5[%select_n3A, %run_scoped3A_176, %mul3A_32] : memref<4x16x4096xi32, #tpu.memory_space<hbm>> -> memref<1x1x512xi32, #tpu.memory_space<hbm>>
      %dma_wait3A_189 = tpu.memref_squeeze %dma_wait3A_188 : memref<1x1x512xi32, #tpu.memory_space<hbm>> -> memref<512xi32, #tpu.memory_space<hbm>>
      %dma_wait3A_190 = arith.constant 7680 : i32
      %dma_wait3A_191 = tpu.memref_slice %arg10[%dma_wait3A_190] : memref<8192xi32, #tpu.memory_space<vmem>> -> memref<512xi32, #tpu.memory_space<vmem>>
      tpu.wait_dma2 semaphore(%run_scoped3A_177 : memref<!tpu.dma_semaphore, #tpu.memory_space<semaphore_mem>>) src(%dma_wait3A_191 : memref<512xi32, #tpu.memory_space<vmem>>) dst(%dma_wait3A_189 : memref<512xi32, #tpu.memory_space<hbm>>)
      tpu.yield
    }) : () -> ()
    return
  }
}

module attributes {stable_mosaic.version = 14 : i64} {
  func.func @_tc_group_body(%arg0: i32, %arg1: i32, %arg2: memref<1x16x512xi32, #tpu.memory_space<vmem>>, %arg3: memref<1x67x40xf32, #tpu.memory_space<vmem>>, %arg4: memref<1x64x16x512xf32, #tpu.memory_space<vmem>>, %arg5: memref<1x3x16x512xf32, #tpu.memory_space<vmem>>) attributes {dimension_semantics = [#tpu.dimension_semantics<arbitrary>, #tpu.dimension_semantics<arbitrary>], iteration_bounds = array<i64: 4, 8>, scalar_prefetch = 0 : i64, scratch_operands = 0 : i64, tpu.core_type = #tpu.core_type<tc>, window_params = [{transform_indices = @transform_0, window_bounds = array<i64: 1, 16, 512>}, {transform_indices = @transform_1, window_bounds = array<i64: 1, 67, 40>}, {transform_indices = @transform_2, window_bounds = array<i64: 1, 64, 16, 512>}, {transform_indices = @transform_3, window_bounds = array<i64: 1, 3, 16, 512>}]} {
    %get3A = arith.constant 0 : index
    %get3A_0 = arith.constant 0 : index
    %get3A_1 = arith.constant 0 : index
    %get3A_2 = vector.load %arg2[%get3A, %get3A_0, %get3A_1] : memref<1x16x512xi32, #tpu.memory_space<vmem>>, vector<1x16x512xi32>
    %get3A_3 = vector.shape_cast %get3A_2 : vector<1x16x512xi32> to vector<16x512xi32>
    %reshape3A = vector.shape_cast %get3A_3 : vector<16x512xi32> to vector<1x8192xi32>
    %iota3A = tpu.iota {dimensions = array<i32: 0>} : vector<40x8192xi32>
    %eq3A = vector.broadcast %reshape3A : vector<1x8192xi32> to vector<40x8192xi32>
    %eq3A_4 = arith.cmpi eq, %iota3A, %eq3A : vector<40x8192xi32>
    %convert_element_type3A = arith.extui %eq3A_4 : vector<40x8192xi1> to vector<40x8192xi32>
    %convert_element_type3A_5 = arith.sitofp %convert_element_type3A : vector<40x8192xi32> to vector<40x8192xf32>
    %get3A_6 = arith.constant 0 : index
    %get3A_7 = arith.constant 0 : index
    %get3A_8 = arith.constant 0 : index
    %get3A_9 = vector.load %arg3[%get3A_6, %get3A_7, %get3A_8] : memref<1x67x40xf32, #tpu.memory_space<vmem>>, vector<1x67x40xf32>
    %get3A_10 = vector.shape_cast %get3A_9 : vector<1x67x40xf32> to vector<67x40xf32>
    %dot_general3A = arith.constant dense<0.000000e+00> : vector<67x8192xf32>
    %dot_general3A_11 = tpu.matmul %get3A_10, %convert_element_type3A_5, %dot_general3A {dimension_numbers = #tpu.dot_dimension_numbers<[1], [0], [0], [1], [0, 0, 1, 1], [], []>, precision = #tpu.contract_precision<fp32>, transpose_lhs_hint = false} : vector<67x40xf32>, vector<40x8192xf32>, vector<67x8192xf32> -> vector<67x8192xf32>
    %slice3A = vector.extract_strided_slice %dot_general3A_11 {offsets = [0, 0], sizes = [64, 8192], strides = [1, 1]} : vector<67x8192xf32> to vector<64x8192xf32>
    %reshape3A_12 = vector.shape_cast %slice3A : vector<64x8192xf32> to vector<64x16x512xf32>
    %swap3A = arith.constant 0 : index
    %swap3A_13 = arith.constant 0 : index
    %swap3A_14 = arith.constant 0 : index
    %swap3A_15 = arith.constant 0 : index
    %swap3A_16 = vector.load %arg4[%swap3A, %swap3A_13, %swap3A_14, %swap3A_15] : memref<1x64x16x512xf32, #tpu.memory_space<vmem>>, vector<1x64x16x512xf32>
    %swap3A_17 = vector.shape_cast %swap3A_16 : vector<1x64x16x512xf32> to vector<64x16x512xf32>
    %swap3A_18 = vector.shape_cast %reshape3A_12 : vector<64x16x512xf32> to vector<1x64x16x512xf32>
    tpu.vector_store %arg4[%swap3A, %swap3A_13, %swap3A_14, %swap3A_15], %swap3A_18 {strides = array<i32>} : memref<1x64x16x512xf32, #tpu.memory_space<vmem>>, vector<1x64x16x512xf32>,
    %slice3A_19 = vector.extract_strided_slice %dot_general3A_11 {offsets = [64, 0], sizes = [3, 8192], strides = [1, 1]} : vector<67x8192xf32> to vector<3x8192xf32>
    %reshape3A_20 = vector.shape_cast %slice3A_19 : vector<3x8192xf32> to vector<3x16x512xf32>
    %swap3A_21 = arith.constant 0 : index
    %swap3A_22 = arith.constant 0 : index
    %swap3A_23 = arith.constant 0 : index
    %swap3A_24 = arith.constant 0 : index
    %swap3A_25 = vector.load %arg5[%swap3A_21, %swap3A_22, %swap3A_23, %swap3A_24] : memref<1x3x16x512xf32, #tpu.memory_space<vmem>>, vector<1x3x16x512xf32>
    %swap3A_26 = vector.shape_cast %swap3A_25 : vector<1x3x16x512xf32> to vector<3x16x512xf32>
    %swap3A_27 = vector.shape_cast %reshape3A_20 : vector<3x16x512xf32> to vector<1x3x16x512xf32>
    tpu.vector_store %arg5[%swap3A_21, %swap3A_22, %swap3A_23, %swap3A_24], %swap3A_27 {strides = array<i32>} : memref<1x3x16x512xf32, #tpu.memory_space<vmem>>, vector<1x3x16x512xf32>,
    return
  }
  func.func @transform_0(%arg0: i32, %arg1: i32) -> (i32, i32, i32) {
    %c0_i32 = arith.constant 0 : i32
    %c0_i32_0 = arith.constant 0 : i32
    return %arg0, %c0_i32, %arg1 : i32, i32, i32
  }
  func.func @transform_1(%arg0: i32, %arg1: i32) -> (i32, i32, i32) {
    %c0_i32 = arith.constant 0 : i32
    %c0_i32_0 = arith.constant 0 : i32
    %c0_i32_1 = arith.constant 0 : i32
    return %arg0, %c0_i32, %c0_i32_0 : i32, i32, i32
  }
  func.func @transform_2(%arg0: i32, %arg1: i32) -> (i32, i32, i32, i32) {
    %c0_i32 = arith.constant 0 : i32
    %c0_i32_0 = arith.constant 0 : i32
    %c0_i32_1 = arith.constant 0 : i32
    return %arg0, %c0_i32, %c0_i32_0, %arg1 : i32, i32, i32, i32
  }
  func.func @transform_3(%arg0: i32, %arg1: i32) -> (i32, i32, i32, i32) {
    %c0_i32 = arith.constant 0 : i32
    %c0_i32_0 = arith.constant 0 : i32
    %c0_i32_1 = arith.constant 0 : i32
    return %arg0, %c0_i32, %c0_i32_0, %arg1 : i32, i32, i32, i32
  }
}

</mosaic_0001>

<sc_bundles>
// kernel: kernel.4.cloned.1.call-start
scs
__scs_entry_jumppad:
0x0: {  	(pc) =	sbr.rel $0x88, $3  }
0x1: {  	(tag) =	ssettag $0x0;
	lr =	simm.s32 $0x1  }
0x2: {  	[smem:$0x3F9C] =	sst lr;
	_ =	strace $0xD0000000  }
0x3: {  	_ = 	snop  }
0x4: {  	_ = 	snop  }
0x5: {  	_ = 	snop  }
0x6: {  	_ = 	snop  }
0x7: {  	_ = 	snop  }
__scs_overlays_trampoline_lowered:
0x8: {  	[smem:$0x3FAB] =	sst s0  }
0x9: {  	[smem:$0x3FAC] =	sst s1  }
0xa: {  	[smem:$0x3FAD] =	sst s2  }
0xb: {  	[smem:$0x3FAE] =	sst s3  }
0xc: {  	[smem:$0x3FAF] =	sst s4  }
0xd: {  	[smem:$0x3FB0] =	sst s5  }
0xe: {  	[smem:$0x3FB1] =	sst s6  }
0xf: {  	[smem:$0x3FB2] =	sst s7  }
0x10: {  	[smem:$0x3FB3] =	sst s8  }
0x11: {  	[smem:$0x3FB4] =	sst s9;
	s0 =	simm.s32 @!p0 $0x0  }
0x12: {  	s1 =	sld [smem:$0x3F9A];
	s0 =	simm.s32 @p0 $0x1  }
0x13: {  	[smem:$0x3FB5] =	sst s0;
	s0 =	simm.s32 @!p1 $0x0  }
0x14: {  	s2 =	sld [smem:$0x3F99];
	s0 =	simm.s32 @p1 $0x1  }
0x15: {  	[smem:$0x3FB6] =	sst s0;
	s0 =	simm.s32 @!p2 $0x0  }
0x16: {  	s3 =	sld [smem:$0x3FDB];
	s0 =	simm.s32 @p2 $0x1  }
0x17: {  	s4 =	simm.s32 $0x1BF5;
	[smem:$0x3FB8] =	sst s0  }
0x18: {  	s0 =	sld [smem:$0x3F9B];
	_ =	swait.ge [sflag:s4], $0x0  }
0x19: {  	s7 =	sld [smem:$0x3F9C]  }
0x1a: {  	s8 =	sadd.s32 $0xFFFFE003, lr  }
0x1b: {  	s9 =	sadd.s32 $0xFFFFFEF7, lr;
	s5 =	simm.s32 $0xFFFFFFFF;
	p2 =	slt.u32 s8, $0xFFFFF086  }
0x1c: {  	p1 =	slt.u32 s9, $0xF7A;
	s5 =	simm.s32 @!p2 $0x0  }
0x1d: {  	s5 =	simm.s32 @p1 $0x1;
	p0 =	seq.s32 s7, s2  }
0x1e: {  	s7 =	smul.u32 @!p0 $0xF7A, s2;
	p2 =	seq.s32 @!p0 s5, $0x0  }
0x1f: {  	s9 =	smul.u32 $0xF7A, s1;
	s8 =	simm.s32 @!p0 $0x1BF5;
	p2 =	por !p2, p0  }
0x20: {  	[sflag:s8] =	ssyncset.s32 @!p0 $0xFFFFF086;
	s6 =	sadd.s32 @!p0 s3, s7;
	s7 =	simm.s32 @!p0 $0x108  }
0x21: {  	s3 =	sadd.s32 s3, s9;
	s6 =	sadd.s32 @!p0 $0x88, s6;
	s7 =	simm.s32 @p2 $0x1082  }
0x22: {  	[simem:s7], [sflag:s8] =	dma.local @!p0 [hbm:s6], $0xF7A  }
0x23: {  	s9 =	sor.u32 $0xD0000000, s2;
	s6 =	simm.s32 $0x108;
	_ =	swait.ge @!p0 [sflag:s8], $0x0  }
0x24: {  	s3 =	sadd.s32 $0x88, s3;
	s6 =	simm.s32 @!p1 $0x1082;
	[sflag:s4] =	ssyncset.s32 $0xFFFFF086  }
0x25: {  	[simem:s6], [sflag:s4] =	dma.local [hbm:s3], $0xF7A  }
0x26: {  	[smem:$0x3F9C] =	sst s1;
	(tag) =	ssettag s2;
	_ =	strace s9  }
0x27: {  	s1 =	sld [smem:$0x3FAC]  }
0x28: {  	s2 =	sld [smem:$0x3FAD]  }
0x29: {  	s4 =	sld [smem:$0x3FAF]  }
0x2a: {  	p0 =	seq.s32 s5, $0x0;
	s5 =	sld [smem:$0x3FB0]  }
0x2b: {  	s6 =	sld [smem:$0x3FB1]  }
0x2c: {  	s7 =	sld [smem:$0x3FB2]  }
0x2d: {  	s3 =	simm.s32 $0x108;
	s8 =	sld [smem:$0x3FB3]  }
0x2e: {  	s3 =	simm.s32 @!p0 $0x1082;
	s9 =	sld [smem:$0x3FB4]  }
0x2f: {  	lr =	sadd.s32 s0, s3;
	s0 =	sld [smem:$0x3FAB]  }
0x30: {  	s3 =	sld [smem:$0x3FAE]  }
0x31: {  	[smem:$0x3FB7] =	sst s10  }
0x32: {  	s10 =	sld [smem:$0x3FB5];
	_ =	sdelay $0x3  }
0x33: {  	p0 =	seq.s32 s10, $0x1;
	s10 =	sld [smem:$0x3FB7];
	_ =	sdelay $0x3  }
0x34: {  	[smem:$0x3FB7] =	sst s10  }
0x35: {  	s10 =	sld [smem:$0x3FB6];
	_ =	sdelay $0x3  }
0x36: {  	p1 =	seq.s32 s10, $0x1;
	s10 =	sld [smem:$0x3FB7];
	_ =	sdelay $0x3  }
0x37: {  	[smem:$0x3FB7] =	sst s10  }
0x38: {  	s10 =	sld [smem:$0x3FB8]  }
0x39: {  	_ = 	snop;
	(pc) =	sbr.ind lr, $3  }
0x3a: {  	_ = 	snop  }
0x3b: {  	_ = 	snop  }
0x3c: {  	p2 =	seq.s32 s10, $0x1;
	s10 =	sld [smem:$0x3FB7]  }
0x3d: {  	_ =	shalt  }
0x3e: {  	_ =	shalt  }
0x3f: {  	_ =	shalt  }
0x40: {  	_ =	shalt  }
0x41: {  	_ =	shalt  }
0x42: {  	_ =	shalt  }
0x43: {  	_ =	shalt  }
0x44: {  	_ =	shalt  }
0x45: {  	_ =	shalt  }
0x46: {  	_ =	shalt  }
0x47: {  	_ =	shalt  }
0x48: {  	_ =	shalt  }
0x49: {  	_ =	shalt  }
0x4a: {  	_ =	shalt  }
0x4b: {  	_ =	shalt  }
0x4c: {  	_ =	shalt  }
0x4d: {  	_ =	shalt  }
0x4e: {  	_ =	shalt  }
0x4f: {  	_ =	shalt  }
0x50: {  	_ =	shalt  }
0x51: {  	_ =	shalt  }
0x52: {  	_ =	shalt  }
0x53: {  	_ =	shalt  }
0x54: {  	_ =	shalt  }
0x55: {  	_ =	shalt  }
0x56: {  	_ =	shalt  }
0x57: {  	_ =	shalt  }
0x58: {  	_ =	shalt  }
0x59: {  	_ =	shalt  }
0x5a: {  	_ =	shalt  }
0x5b: {  	_ =	shalt  }
0x5c: {  	_ =	shalt  }
0x5d: {  	_ =	shalt  }
0x5e: {  	_ =	shalt  }
0x5f: {  	_ =	shalt  }
0x60: {  	_ =	shalt  }
0x61: {  	_ =	shalt  }
0x62: {  	_ =	shalt  }
0x63: {  	_ =	shalt  }
0x64: {  	_ =	shalt  }
0x65: {  	_ =	shalt  }
0x66: {  	_ =	shalt  }
0x67: {  	_ =	shalt  }
0x68: {  	_ =	shalt  }
0x69: {  	_ =	shalt  }
0x6a: {  	_ =	shalt  }
0x6b: {  	_ =	shalt  }
0x6c: {  	_ =	shalt  }
0x6d: {  	_ =	shalt  }
0x6e: {  	_ =	shalt  }
0x6f: {  	_ =	shalt  }
0x70: {  	_ =	shalt  }
0x71: {  	_ =	shalt  }
0x72: {  	_ =	shalt  }
0x73: {  	_ =	shalt  }
0x74: {  	_ =	shalt  }
0x75: {  	_ =	shalt  }
0x76: {  	_ =	shalt  }
0x77: {  	_ =	shalt  }
0x78: {  	_ =	shalt  }
0x79: {  	_ =	shalt  }
0x7a: {  	_ =	shalt  }
0x7b: {  	_ =	shalt  }
0x7c: {  	_ =	shalt  }
0x7d: {  	_ =	shalt  }
0x7e: {  	_ =	shalt  }
0x7f: {  	_ =	shalt  }
0x80: {  	_ =	shalt  }
0x81: {  	_ =	shalt  }
0x82: {  	_ =	shalt  }
0x83: {  	_ =	shalt  }
0x84: {  	_ =	shalt  }
0x85: {  	_ =	shalt  }
0x86: {  	_ =	shalt  }
0x87: {  	_ =	shalt  }
.Lfunc_end0:
.L_simem_size_0:
called_computation_lowered:
.L_overlay_start_0:
0x88: {  	s2 =	sld [smem:$0x3FD9]  }
0x89: {  	s3 =	sld [smem:$0x3FFE];
	_ =	sdelay $0x1  }
0x8a: {  	s1 =	srdreg.scid  }
0x8b: {  	s0 =	sand.u32 $0x1, s1  }
0x8c: {  	s14 =	sshll.u32 s0, $0xA;
	s2 =	sadd.s32 s3, s2  }
0x8d: {  	s2 =	sadd.s32 s2, s14  }
0x8e: {  	[smem:$0x3FC3] =	sst s2  }
0x8f: {  	_ = 	snop  }
0x90: {  	s2 =	sld [smem:$0x3FD0];
	_ =	sdelay $0x2  }
0x91: {  	s15 =	simm.s32 $0xA;
	s4 =	simm.s32 $0x10  }
0x92: {  	[smem:s4], [sflag:s15] =	dma.local [hbm:s2], $0x1  }
0x93: {  	_ =	swait.eq [sflag:s15], $0x1  }
0x94: {  	[sflag:s15] =	ssyncset.done $0x0  }
0x95: {  	s16 =	sld [smem:$0x10];
	[sflag:s15] =	ssyncadd.s32 $0xFFFFFFFF  }
0x96: {  	s17 =	sld [smem:$0x11];
	(tm) =	ssettm $0x1  }
0x97: {  	s18 =	sld [smem:$0x3FFB];
	_ =	sdelay $0x3  }
0x98: {  	_ =	strace s18  }
0x99: {  	s4 =	sld [smem:$0x3FFC];
	_ =	sdelay $0x3  }
0x9a: {  	_ =	strace s4  }
0x9b: {  	s4 =	sld [smem:$0x3FFD];
	_ =	sdelay $0x3  }
0x9c: {  	_ =	strace s4  }
0x9d: {  	_ =	strace $0x8FFFFFFF  }
0x9e: {  	s19 =	sld [smem:$0x3FDB];
	_ =	sdelay $0x1  }
0x9f: {  	s5 =	simm.s32 $_scs_section_size  }
0xa0: {  	s6 =	simm.s32 $_size__tile_overlayer_lowered;
	s7 =	simm.s32 $_tile_overlayer_lowered  }
0xa1: {  	s22 =	simm.s32 $0x1BFF;
	s21 =	sshll.u32 s7, $0x1;
	s4 =	sadd.s32 s5, s19  }
0xa2: {  	s8 =	simm.s32 $0x0;
	s20 =	sshll.u32 s6, $0x1;
	s6 =	sadd.s32 s21, s4  }
0xa3: {  	[timem:s8], [sflag:s22] =	dma.local [hbm:s6], s20  }
0xa4: {  	_ =	swait.ge [sflag:s22], s20  }
0xa5: {  	s5 =	ssub.s32 $0x0, s20;
	[sflag:s22] =	ssyncset.done $0x0  }
0xa6: {  	[sflag:s22] =	ssyncadd.s32 s5;
	_ =	sdelay $0x1  }
0xa7: {  	s23 =	simm.s32 $0x1B8B  }
0xa8: {  	_ =	swait.ge [sflag:s23], $0x1  }
0xa9: {  	[sflag:s23] =	ssyncset.done $0x0  }
0xaa: {  	s25 =	simm.s32 $0x1B8E;
	s24 =	sld [smem:$0x3FFE];
	[sflag:s23] =	ssyncadd.s32 $0xFFFFFFFF  }
0xab: {  	s26 =	simm.s32 $execute0_lowered;
	[smem:$0x3FD2] =	sst s25  }
0xac: {  	s6 =	sshll.u32 s26, $0x1;
	_ =	strace $0x80000046;
	[dreg:$0x1] =	wrdreg $0xFFFFFFFF  }
0xad: {  	s28 =	simm.s32 $_size_execute0_lowered;
	s4 =	sadd.s32 s4, s6;
	[dreg:$0x0] =	wrdreg $0x0  }
0xae: {  	s6 =	sshll.u32 s28, $0x1;
	[dreg:$0x2] =	wrdreg s4  }
0xaf: {  	[dreg:$0x3] =	wrdreg s6  }
0xb0: {  	[dreg:$0x4] =	wrdreg $0xC0  }
0xb1: {  	_ =	task [dreg:s8], $0x5FFFF  }
0xb2: {  	[dreg:$0x1] =	wrdreg $0xFFFFFFFF  }
0xb3: {  	[dreg:$0x0] =	wrdreg $0x60  }
0xb4: {  	[dreg:$0x2] =	wrdreg s17  }
0xb5: {  	[dreg:$0x3] =	wrdreg s24  }
0xb6: {  	[dreg:$0x4] =	wrdreg s16  }
0xb7: {  	[dreg:$0x5] =	wrdreg $0x9  }
0xb8: {  	_ =	task.clear_ibuf [dreg:s8], $0x6FFFF;
	_ =	strace $0x90000046  }
0xb9: {  	s29 =	simm.s32 $0x9;
	_ =	strace $0x80000048  }
0xba: {  	_ =	swait.ge [sflag:s29], $0x1  }
0xbb: {  	[sflag:s29] =	ssyncadd.s32 $0xFFFFFFFF  }
0xbc: {  	_ =	strace $0x90000048  }
0xbd: {  	_ =	sfence  }
0xbe: {  	s30 =	sld [smem:$0x0];
	_ =	sdelay $0x2  }
0xbf: {  	s31 =	sshll.u32 s1, $0xD;
	s1 =	sshrl.u32 s1, $0x2  }
0xc0: {  	s3 =	sand.u32 $0x4000, s31;
	s1 =	sadd.s32 s1, s30  }
0xc1: {  	s0 =	sor.u32 s3, s0;
	s1 =	sshll.u32 s1, $0x11  }
0xc2: {  	s0 =	sor.u32 s1, s0  }
0xc3: {  	s0 =	sadd.s32 $0x8F2B, s0  }
0xc4: {  	[sflag:s0] =	ssyncadd.remote.s32 $0x1  }
0xc5: {  	_ =	sfence.sel $0xFFFF  }
0xc6: {  	[dreg:$0x0] =	wrdreg $0xFFFFFFFF;
	(pc) =	sbr.abs _section_cstart, $3  }
0xc7: {  	[dreg:$0x1] =	wrdreg $0xFFFFFFFF  }
0xc8: {  	_ =	task.clear_ibuf [dreg:s8], $0x2FFFF;
	_ =	strace $0x9FFFFFFF  }
0xc9: {  	(tm) =	ssettm $0x7FFFFFFF  }
tec
execute0_lowered:
.L_overlay_start_1:
0x0: {  	(tag) =	ssettag $0x1  }
0x1: {  	s0 =	rddreg [dreg:$0x0]  }
0x2: {  	s1 =	rddreg [dreg:$0x1]  }
0x3: {  	s3 =	rddreg [dreg:$0x2];
	s2 =	simm.s32 $0x0;
	s7 =	stileid.u32  }
0x4: {  	s6 =	srdreg.scid;
	s28 =	simm.s32 $0x800;
	s29 =	simm.s32 $0xA00  }
0x5: {  	s31 =	simm.s32 $0xC80;
	s30 =	simm.s32 $0x0;
	[smem:$0x7FF] =	sst s2  }
0x6: {  	s4 =	sshrl.u32 s7, $0x2;
	s7 =	sshll.u32 s7, $0x1;
	s6 =	sand.u32 $0x1, s6  }
0x7: {  	_ =	strace $0x80000047;
	s5 =	sshll.u32 s4, $0xB;
	s7 =	sand.u32 $0x6, s7  }
0x8: {  	s23 =	ssub.s32 $0x2, s6;
	s10 =	sshll.u32 s4, $0xD;
	s8 =	sadd.s32 s5, s1  }
0x9: {  	s1 =	sadd.s32 $0x3000, s1;
	s6 =	sor.u32 s6, s7;
	s24 =	sshrl.u32 s23, $0x1  }
0xa: {  	s4 =	sadd.s32 s0, s5;
	[dreg:$0x4] =	wrdreg s1;
	s9 =	sshll.u32 s6, $0x9  }
0xb: {  	s6 =	sshll.u32 s6, $0x8;
	s1 =	ssub.s32 s23, s24;
	s7 =	sadd.s32 $0x1000, s8  }
0xc: {  	s24 =	simm.s32 $0x1;
	s25 =	sor.u32 s10, s9;
	s5 =	sadd.s32 s6, s4  }
0xd: {  	s23 =	smax.u32 s1, $0x1;
	s1 =	simm.s32 $0x400;
	s6 =	sadd.s32 s3, s25  }
0xe: {  	[dreg:$0x5] =	wrdreg s5;
	s25 =	simm.s32 $0x200;
	s0 =	sadd.s32 $0x10, s6  }
0xf: {  	s26 =	sadd.s32 $0x20, s6;
	s10 =	sadd.s32 $0x30, s6;
	s11 =	sadd.s32 $0x40, s6  }
0x10: {  	s12 =	sadd.s32 $0x50, s6;
	s13 =	sadd.s32 $0x60, s6;
	s14 =	sadd.s32 $0x70, s6  }
0x11: {  	s15 =	sadd.s32 $0x1000, s6;
	s16 =	sadd.s32 $0x1010, s6;
	s17 =	sadd.s32 $0x1020, s6  }
0x12: {  	s18 =	sadd.s32 $0x1030, s6;
	s19 =	sadd.s32 $0x1040, s6;
	s20 =	sadd.s32 $0x1050, s6  }
0x13: {  	v15 =	vimm.s32 $0x10;
	s21 =	sadd.s32 $0x1060, s6;
	s22 =	sadd.s32 $0x1070, s6;
	[dreg:$0x6] =	wrdreg s0  }
0x14: {  	v16 =	vimm.s32 $0x0;
	v17 =	vlaneseq.u32;
	v33 =	vimm.s32 $0x21;
	[dreg:$0x7] =	wrdreg s26;
	s26 =	simm.s32 $0x4000;
	s0 =	simm.s32 $0x80  }
.LBB2_1:
0x15: {  	s3 =	rddreg [dreg:$0x5]  }
0x16: {  	[tilespmem:s2], [sflag:$0x1] =	stream.linear.gather [hbm4b:s3+s2], $0x800, $0x38;
	[tilespmem:$0x2C80] =	vst v63  }
0x17: {  	_ =	swait.ge [sflag:s24], $0x800  }
0x18: {  	[sflag:s24] =	ssyncset.done $0x0  }
0x19: {  	[sflag:s24] =	ssyncadd.s32 $0xFFFFF800  }
0x1a: {  	[tilespmem:s28], [sflag:$0x1] =	stream.strided.gather [hbm4b:s4+s25], $0x0, s26, s25, $0x38;
	[tilespmem:$0x2C80] =	vst v63  }
0x1b: {  	_ = 	snop  }
0x1c: {  	[tilespmem:s28], [sflag:$0x1] =	stream.linear.gather [hbm4b:s4+s2], $0x180, $0x38;
	[tilespmem:$0x2C80] =	vst v63  }
0x1d: {  	_ =	swait.ge [sflag:s24], $0x180  }
0x1e: {  	[sflag:s24] =	ssyncset.done $0x0  }
0x1f: {  	[sflag:s24] =	ssyncadd.s32 $0xFFFFFE80  }
0x20: {  	[tilespmem:s29], [sflag:$0x1] =	stream.strided.gather [hbm4b:s7+s25], $0x0, s26, s25, $0x38;
	[tilespmem:$0x2C80] =	vst v63  }
0x21: {  	_ = 	snop  }
0x22: {  	[tilespmem:s29], [sflag:$0x1] =	stream.linear.gather [hbm4b:s7+s2], $0x180, $0x38;
	[tilespmem:$0x2C80] =	vst v63  }
0x23: {  	_ =	swait.ge [sflag:s24], $0x180  }
0x24: {  	[sflag:s24] =	ssyncset.done $0x0  }
0x25: {  	s5 =	simm.s32 $0xC00;
	s9 =	rddreg [dreg:$0x4];
	[sflag:s24] =	ssyncadd.s32 $0xFFFFFE80  }
0x26: {  	[tilespmem:s5], [sflag:$0x1] =	stream.linear.gather [hbm4b:s9+s2], $0x80, $0x38;
	[tilespmem:$0x2C80] =	vst v63  }
0x27: {  	_ =	swait.ge [sflag:s24], $0x80  }
0x28: {  	[sflag:s24] =	ssyncset.done $0x0  }
0x29: {  	[sflag:s24] =	ssyncadd.s32 $0xFFFFFF80  }
0x2a: {  	v1 =	vld [tilespmem:$0x800]  }
0x2b: {  	v2 =	vld [tilespmem:$0x880]  }
0x2c: {  	v3 =	vld [tilespmem:$0x900];
	_ =	sdelay $0x3  }
0x2d: {  	v0 =	vmul.f32 v1, v1;
	v5 =	vmul.f32 v2, v2;
	v6 =	vshrl.u32 v1, $0x10  }
0x2e: {  	v55 =	vmul.f32 v3, v3;
	v7 =	vshrl.u32 v2, $0x10;
	v6 =	vand.u32 $0x1, v6  }
0x2f: {  	v8 =	vshrl.u32 v3, $0x10;
	v56 =	vand.u32 $0x1, v7;
	v1 =	vadd.s32 v6, v1  }
0x30: {  	v57 =	vand.u32 $0x1, v8;
	v2 =	vadd.s32 v56, v2;
	v1 =	vadd.s32 $0x7FFF, v1  }
0x31: {  	v3 =	vadd.s32 v57, v3;
	v2 =	vadd.s32 $0x7FFF, v2;
	v1 =	vand.u32 $0xFFFF0000, v1  }
0x32: {  	v3 =	vadd.s32 $0x7FFF, v3;
	v2 =	vand.u32 $0xFFFF0000, v2;
	v58 =	vbroadcast v1, $0x0  }
0x33: {  	v3 =	vand.u32 $0xFFFF0000, v3;
	v59 =	vbroadcast v2, $0x0  }
0x34: {  	v60 =	vbroadcast v3, $0x0;
	[tilespmem:$0x1F820] =	vst v58  }
0x35: {  	v62 =	vbroadcast v1, $0x1;
	[tilespmem:$0x1F830] =	vst v59  }
0x36: {  	v63 =	vbroadcast v2, $0x1;
	[tilespmem:$0x1F840] =	vst v60  }
0x37: {  	v9 =	vbroadcast v3, $0x1;
	[tilespmem:$0x1F860] =	vst v62  }
0x38: {  	v11 =	vbroadcast v1, $0x2;
	[tilespmem:$0x1F870] =	vst v63  }
0x39: {  	v20 =	vbroadcast v2, $0x2;
	[tilespmem:$0x1F880] =	vst v9  }
0x3a: {  	v21 =	vbroadcast v3, $0x2;
	[tilespmem:$0x1F8A0] =	vst v11  }
0x3b: {  	v23 =	vbroadcast v1, $0x3;
	[tilespmem:$0x1F8B0] =	vst v20  }
0x3c: {  	v24 =	vbroadcast v2, $0x3;
	[tilespmem:$0x1F8C0] =	vst v21  }
0x3d: {  	v25 =	vbroadcast v3, $0x3;
	[tilespmem:$0x1F8E0] =	vst v23  }
0x3e: {  	v32 =	vbroadcast v1, $0x4;
	[tilespmem:$0x1F8F0] =	vst v24  }
0x3f: {  	v34 =	vbroadcast v2, $0x4;
	[tilespmem:$0x1F900] =	vst v25  }
0x40: {  	v35 =	vbroadcast v3, $0x4;
	[tilespmem:$0x1F920] =	vst v32  }
0x41: {  	v37 =	vbroadcast v1, $0x5;
	[tilespmem:$0x1F930] =	vst v34  }
0x42: {  	v38 =	vbroadcast v2, $0x5;
	[tilespmem:$0x1F940] =	vst v35  }
0x43: {  	v39 =	vbroadcast v3, $0x5;
	[tilespmem:$0x1F960] =	vst v37  }
0x44: {  	v41 =	vbroadcast v1, $0x6;
	[tilespmem:$0x1F970] =	vst v38  }
0x45: {  	v42 =	vbroadcast v2, $0x6;
	[tilespmem:$0x1F980] =	vst v39  }
0x46: {  	v43 =	vbroadcast v3, $0x6;
	[tilespmem:$0x1F9A0] =	vst v41  }
0x47: {  	v45 =	vbroadcast v1, $0x7;
	[tilespmem:$0x1F9B0] =	vst v42  }
0x48: {  	v46 =	vbroadcast v2, $0x7;
	[tilespmem:$0x1F9C0] =	vst v43  }
0x49: {  	v47 =	vbroadcast v3, $0x7;
	[tilespmem:$0x1F9E0] =	vst v45  }
0x4a: {  	v49 =	vbroadcast v1, $0x8;
	[tilespmem:$0x1F9F0] =	vst v46  }
0x4b: {  	v50 =	vbroadcast v2, $0x8;
	[tilespmem:$0x1FA00] =	vst v47  }
0x4c: {  	v51 =	vbroadcast v3, $0x8;
	[tilespmem:$0x1FA20] =	vst v49  }
0x4d: {  	v0 =	vadd.f32 v5, v0;
	v53 =	vbroadcast v1, $0x9;
	[tilespmem:$0x1FA30] =	vst v50  }
0x4e: {  	v54 =	vbroadcast v2, $0x9;
	[tilespmem:$0x1FA40] =	vst v51  }
0x4f: {  	v5 =	vadd.f32 v55, v0;
	v55 =	vbroadcast v3, $0x9;
	[tilespmem:$0x1FA60] =	vst v53  }
0x50: {  	v57 =	vbroadcast v1, $0xA;
	[tilespmem:$0x1FA70] =	vst v54  }
0x51: {  	v61 =	vbroadcast v5, $0x0;
	[tilespmem:$0x1FA80] =	vst v55  }
0x52: {  	v10 =	vbroadcast v5, $0x1;
	[tilespmem:$0x1FAA0] =	vst v57  }
0x53: {  	v22 =	vbroadcast v5, $0x2;
	[tilespmem:$0x1F850] =	vst v61  }
0x54: {  	v26 =	vbroadcast v5, $0x3;
	[tilespmem:$0x1F890] =	vst v10  }
0x55: {  	v36 =	vbroadcast v5, $0x4;
	[tilespmem:$0x1F8D0] =	vst v22  }
0x56: {  	v40 =	vbroadcast v5, $0x5;
	[tilespmem:$0x1F910] =	vst v26  }
0x57: {  	v44 =	vbroadcast v5, $0x6;
	[tilespmem:$0x1F950] =	vst v36  }
0x58: {  	v48 =	vbroadcast v5, $0x7;
	[tilespmem:$0x1F990] =	vst v40  }
0x59: {  	v52 =	vbroadcast v5, $0x8;
	[tilespmem:$0x1F9D0] =	vst v44  }
0x5a: {  	v56 =	vbroadcast v5, $0x9;
	[tilespmem:$0x1FA10] =	vst v48  }
0x5b: {  	v58 =	vbroadcast v2, $0xA;
	[tilespmem:$0x1FA50] =	vst v52  }
0x5c: {  	v59 =	vbroadcast v3, $0xA;
	[tilespmem:$0x1FA90] =	vst v56  }
0x5d: {  	v60 =	vbroadcast v5, $0xA;
	[tilespmem:$0x1FAB0] =	vst v58  }
0x5e: {  	v62 =	vbroadcast v2, $0xB;
	[tilespmem:$0x1FAC0] =	vst v59  }
0x5f: {  	v63 =	vbroadcast v3, $0xB;
	[tilespmem:$0x1FAD0] =	vst v60  }
0x60: {  	v9 =	vbroadcast v5, $0xB;
	[tilespmem:$0x1FAF0] =	vst v62  }
0x61: {  	v11 =	vbroadcast v2, $0xC;
	[tilespmem:$0x1FB00] =	vst v63  }
0x62: {  	v20 =	vbroadcast v3, $0xC;
	[tilespmem:$0x1FB10] =	vst v9  }
0x63: {  	v21 =	vbroadcast v1, $0xD;
	[tilespmem:$0x1FB30] =	vst v11  }
0x64: {  	v24 =	vbroadcast v3, $0xD;
	[tilespmem:$0x1FB40] =	vst v20  }
0x65: {  	v25 =	vbroadcast v1, $0xE;
	[tilespmem:$0x1FB50] =	vst v21  }
0x66: {  	v32 =	vbroadcast v2, $0xE;
	[tilespmem:$0x1FB70] =	vst v24  }
0x67: {  	v35 =	vbroadcast v3, $0xE;
	[tilespmem:$0x1FB80] =	vst v25  }
0x68: {  	v4 =	vld [tilespmem:$0xA00];
	v37 =	vbroadcast v5, $0xC;
	[tilespmem:$0x1FB90] =	vst v32  }
0x69: {  	v38 =	vbroadcast v5, $0xD;
	[tilespmem:$0x1FBC0] =	vst v35  }
0x6a: {  	v39 =	vbroadcast v5, $0xE;
	[tilespmem:$0x1FBE0] =	vst v37  }
0x6b: {  	v61 =	vbroadcast v1, $0xB;
	[tilespmem:$0x1FBF0] =	vst v38  }
0x6c: {  	v10 =	vbroadcast v1, $0xC;
	[tilespmem:$0x1FC00] =	vst v39  }
0x6d: {  	v26 =	vshrl.u32 v4, $0x10;
	v1 =	vbroadcast v1, $0xF;
	[tilespmem:$0x1FAE0] =	vst v61  }
0x6e: {  	v22 =	vbroadcast v2, $0xD;
	v34 =	vand.u32 $0x1, v26;
	[tilespmem:$0x1FB20] =	vst v10  }
0x6f: {  	v2 =	vbroadcast v2, $0xF;
	[tilespmem:$0x1FBA0] =	vst v1;
	v1 =	vadd.s32 v34, v4  }
0x70: {  	v36 =	vbroadcast v3, $0xF;
	[tilespmem:$0x1FB60] =	vst v22;
	v1 =	vadd.s32 $0x7FFF, v1  }
0x71: {  	v40 =	vbroadcast v5, $0xF;
	[tilespmem:$0x1FBB0] =	vst v2;
	v1 =	vand.u32 $0xFFFF0000, v1  }
0x72: {  	[tilespmem:$0x1FBD0] =	vst v36;
	v42 =	vbroadcast v1, $0x0  }
0x73: {  	[tilespmem:$0x1FC10] =	vst v40;
	v43 =	vbroadcast v1, $0x1  }
0x74: {  	v44 =	vbroadcast v1, $0x2;
	[tilespmem:$0x1FC20] =	vst v42  }
0x75: {  	v45 =	vbroadcast v1, $0x3;
	[tilespmem:$0x1FC30] =	vst v43  }
0x76: {  	v46 =	vbroadcast v1, $0x4;
	[tilespmem:$0x1FC40] =	vst v44  }
0x77: {  	v47 =	vbroadcast v1, $0x5;
	[tilespmem:$0x1FC50] =	vst v45  }
0x78: {  	v23 =	vld [tilespmem:$0xA80];
	v50 =	vbroadcast v1, $0x6;
	[tilespmem:$0x1FC60] =	vst v46  }
0x79: {  	v51 =	vbroadcast v1, $0x7;
	[tilespmem:$0x1FC70] =	vst v47  }
0x7a: {  	v52 =	vbroadcast v1, $0x8;
	[tilespmem:$0x1FC80] =	vst v50  }
0x7b: {  	v53 =	vbroadcast v1, $0x9;
	[tilespmem:$0x1FC90] =	vst v51  }
0x7c: {  	v54 =	vbroadcast v1, $0xA;
	[tilespmem:$0x1FCA0] =	vst v52  }
0x7d: {  	v49 =	vshrl.u32 v23, $0x10;
	v55 =	vbroadcast v1, $0xB;
	[tilespmem:$0x1FCB0] =	vst v53  }
0x7e: {  	v0 =	vmul.f32 v4, v4;
	v4 =	vand.u32 $0x1, v49;
	v56 =	vbroadcast v1, $0xC;
	[tilespmem:$0x1FCC0] =	vst v54  }
0x7f: {  	v57 =	vbroadcast v1, $0xD;
	v4 =	vadd.s32 v4, v23;
	[tilespmem:$0x1FCD0] =	vst v55  }
0x80: {  	v58 =	vbroadcast v1, $0xE;
	v4 =	vadd.s32 $0x7FFF, v4;
	[tilespmem:$0x1FCE0] =	vst v56  }
0x81: {  	v1 =	vbroadcast v1, $0xF;
	[tilespmem:$0x1FCF0] =	vst v57;
	v4 =	vand.u32 $0xFFFF0000, v4  }
0x82: {  	[tilespmem:$0x1FD00] =	vst v58;
	v60 =	vbroadcast v4, $0x0  }
0x83: {  	[tilespmem:$0x1FD10] =	vst v1;
	v61 =	vbroadcast v4, $0x1  }
0x84: {  	v62 =	vbroadcast v4, $0x2;
	[tilespmem:$0x1FD20] =	vst v60  }
0x85: {  	v63 =	vbroadcast v4, $0x3;
	[tilespmem:$0x1FD30] =	vst v61  }
0x86: {  	v8 =	vbroadcast v4, $0x4;
	[tilespmem:$0x1FD40] =	vst v62  }
0x87: {  	v10 =	vbroadcast v4, $0x5;
	[tilespmem:$0x1FD50] =	vst v63  }
0x88: {  	v48 =	vld [tilespmem:$0xB00];
	v11 =	vbroadcast v4, $0x6;
	[tilespmem:$0x1FD60] =	vst v8  }
0x89: {  	v20 =	vbroadcast v4, $0x7;
	[tilespmem:$0x1FD70] =	vst v10  }
0x8a: {  	v21 =	vbroadcast v4, $0x8;
	[tilespmem:$0x1FD80] =	vst v11  }
0x8b: {  	v22 =	vbroadcast v4, $0x9;
	[tilespmem:$0x1FD90] =	vst v20  }
0x8c: {  	v41 =	vmul.f32 v23, v23;
	v23 =	vbroadcast v4, $0xA;
	[tilespmem:$0x1FDA0] =	vst v21  }
0x8d: {  	v9 =	vshrl.u32 v48, $0x10;
	v24 =	vbroadcast v4, $0xB;
	[tilespmem:$0x1FDB0] =	vst v22  }
0x8e: {  	v5 =	vand.u32 $0x1, v9;
	v25 =	vbroadcast v4, $0xC;
	[tilespmem:$0x1FDC0] =	vst v23  }
0x8f: {  	v3 =	vadd.s32 v5, v48;
	v26 =	vbroadcast v4, $0xD;
	[tilespmem:$0x1FDD0] =	vst v24  }
0x90: {  	v3 =	vadd.s32 $0x7FFF, v3;
	v32 =	vbroadcast v4, $0xE;
	[tilespmem:$0x1FDE0] =	vst v25  }
0x91: {  	v3 =	vand.u32 $0xFFFF0000, v3;
	v4 =	vbroadcast v4, $0xF;
	[tilespmem:$0x1FDF0] =	vst v26  }
0x92: {  	v34 =	vbroadcast v3, $0x0;
	[tilespmem:$0x1FE00] =	vst v32  }
0x93: {  	v35 =	vbroadcast v3, $0x1;
	[tilespmem:$0x1FE10] =	vst v4  }
0x94: {  	v36 =	vbroadcast v3, $0x2;
	[tilespmem:$0x1FE20] =	vst v34  }
0x95: {  	v37 =	vbroadcast v3, $0x3;
	[tilespmem:$0x1FE30] =	vst v35  }
0x96: {  	v38 =	vbroadcast v3, $0x4;
	[tilespmem:$0x1FE40] =	vst v36  }
0x97: {  	v39 =	vbroadcast v3, $0x5;
	[tilespmem:$0x1FE50] =	vst v37  }
0x98: {  	v40 =	vbroadcast v3, $0x6;
	[tilespmem:$0x1FE60] =	vst v38  }
0x99: {  	v0 =	vadd.f32 v41, v0;
	v41 =	vbroadcast v3, $0x7;
	[tilespmem:$0x1FE70] =	vst v39  }
0x9a: {  	v42 =	vbroadcast v3, $0x8;
	[tilespmem:$0x1FE80] =	vst v40  }
0x9b: {  	v43 =	vbroadcast v3, $0x9;
	[tilespmem:$0x1FE90] =	vst v41  }
0x9c: {  	v44 =	vbroadcast v3, $0xA;
	[tilespmem:$0x1FEA0] =	vst v42  }
0x9d: {  	v45 =	vbroadcast v3, $0xB;
	[tilespmem:$0x1FEB0] =	vst v43  }
0x9e: {  	v59 =	vmul.f32 v48, v48;
	v46 =	vbroadcast v3, $0xC;
	[tilespmem:$0x1FEC0] =	vst v44  }
0x9f: {  	v47 =	vbroadcast v3, $0xD;
	[tilespmem:$0x1FED0] =	vst v45  }
0xa0: {  	v0 =	vadd.f32 v59, v0;
	v48 =	vbroadcast v3, $0xE;
	[tilespmem:$0x1FEE0] =	vst v46  }
0xa1: {  	v49 =	vbroadcast v3, $0xF;
	[tilespmem:$0x1FEF0] =	vst v47  }
0xa2: {  	v50 =	vbroadcast v0, $0x0;
	[tilespmem:$0x1FF00] =	vst v48  }
0xa3: {  	v51 =	vbroadcast v0, $0x1;
	[tilespmem:$0x1FF10] =	vst v49  }
0xa4: {  	v52 =	vbroadcast v0, $0x2;
	[tilespmem:$0x1FF20] =	vst v50  }
0xa5: {  	v53 =	vbroadcast v0, $0x3;
	[tilespmem:$0x1FF30] =	vst v51  }
0xa6: {  	v54 =	vbroadcast v0, $0x4;
	[tilespmem:$0x1FF40] =	vst v52  }
0xa7: {  	v28 =	vld [tilespmem:$0xC00];
	v55 =	vbroadcast v0, $0x5;
	v56 =	vbroadcast v0, $0x6;
	[tilespmem:$0x1FF50] =	vst v53  }
0xa8: {  	v57 =	vbroadcast v0, $0x7;
	v58 =	vbroadcast v0, $0x8;
	[tilespmem:$0x1FF60] =	vst v54  }
0xa9: {  	v59 =	vbroadcast v0, $0x9;
	v60 =	vbroadcast v0, $0xA;
	[tilespmem:$0x1FF70] =	vst v55  }
0xaa: {  	v61 =	vbroadcast v0, $0xB;
	v62 =	vbroadcast v0, $0xC;
	[tilespmem:$0x1FF80] =	vst v56  }
0xab: {  	v63 =	vbroadcast v0, $0xD;
	[tilespmem:$0x1FF90] =	vst v57;
	v38 =	vbroadcast v0, $0xE  }
0xac: {  	[tilespmem:$0x1FFA0] =	vst v58;
	v39 =	vbroadcast v0, $0xF;
	v40 =	vshll.u32 v28, $0x9;
	v41 =	vsub.s32 $0x0, v28  }
0xad: {  	[tilespmem:$0x1FFB0] =	vst v59;
	v42 =	vsub.s32 $0x1, v28;
	v43 =	vsub.s32 $0x2, v28;
	v44 =	vsub.s32 $0x3, v28  }
0xae: {  	v45 =	vsub.s32 $0x4, v28;
	v46 =	vsub.s32 $0x5, v28;
	v47 =	vsub.s32 $0x6, v28;
	[tilespmem:$0x1FFC0] =	vst v60  }
0xaf: {  	v48 =	vsub.s32 $0x7, v28;
	v49 =	vsub.s32 $0x8, v28;
	v50 =	vsub.s32 $0x9, v28;
	[tilespmem:$0x1FFD0] =	vst v61  }
0xb0: {  	v51 =	vsub.s32 $0xA, v28;
	v52 =	vsub.s32 $0xB, v28;
	v53 =	vsub.s32 $0xC, v28;
	[tilespmem:$0x1FFE0] =	vst v62  }
0xb1: {  	s3 =	simm.s32 $0x0;
	s5 =	simm.s32 $0x0;
	v54 =	vsub.s32 $0xD, v28;
	v55 =	vsub.s32 $0xE, v28;
	v56 =	vsub.s32 $0xF, v28;
	[tilespmem:$0x1FFF0] =	vst v63  }
.LBB2_2:
0xb2: {  	s8 =	sand.u32 $0x70, s5;
	s9 =	sand.u32 $0x600, s3  }
0xb3: {  	v7 =	vld [tilespmem:$0x1F820];
	s8 =	sor.u32 s8, s9  }
0xb4: {  	v0 =	vld [tilespmem:s8+$0x0]  }
0xb5: {  	v1 =	vld [tilespmem:s8+$0x80]  }
0xb6: {  	v10 =	vld [tilespmem:$0x1F830]  }
0xb7: {  	v2 =	vld [tilespmem:s8+$0x100]  }
0xb8: {  	v11 =	vld [tilespmem:$0x1F860]  }
0xb9: {  	v20 =	vld [tilespmem:$0x1F870]  }
0xba: {  	v21 =	vld [tilespmem:$0x1F840];
	v3 =	vmul.f32 v0, v0;
	v4 =	vshrl.u32 v0, $0x10;
	v5 =	vshrl.u32 v1, $0x10  }
0xbb: {  	v22 =	vld [tilespmem:$0x1F880];
	v6 =	vmul.f32 v1, v1;
	v4 =	vand.u32 $0x1, v4;
	v5 =	vand.u32 $0x1, v5  }
0xbc: {  	v23 =	vld [tilespmem:$0x1F8A0];
	v63 =	vshrl.u32 v2, $0x10;
	v0 =	vadd.s32 v4, v0;
	v1 =	vadd.s32 v5, v1  }
0xbd: {  	v24 =	vld [tilespmem:$0x1F8B0];
	v4 =	vand.u32 $0x1, v63;
	v3 =	vadd.f32 v6, v3;
	v0 =	vadd.s32 $0x7FFF, v0  }
0xbe: {  	v25 =	vld [tilespmem:$0x1F8C0];
	v1 =	vadd.s32 $0x7FFF, v1;
	v5 =	vadd.s32 v4, v2;
	v2 =	vmul.f32 v2, v2  }
0xbf: {  	v26 =	vld [tilespmem:$0x1F8E0];
	v8 =	vand.u32 $0xFFFF0000, v0;
	v9 =	vand.u32 $0xFFFF0000, v1;
	v0 =	vadd.s32 $0x7FFF, v5  }
0xc0: {  	v32 =	vld [tilespmem:$0x1F8F0];
	v1 =	vmul.f32 v8, v7;
	v4 =	vmul.f32 v9, v10;
	v7 =	vand.u32 $0xFFFF0000, v0  }
0xc1: {  	v34 =	vld [tilespmem:$0x1F890];
	v0 =	vmul.f32 v8, v11;
	v5 =	vmul.f32 v9, v20;
	v6 =	vadd.f32 v2, v3  }
0xc2: {  	v36 =	vld [tilespmem:$0x1F900];
	v2 =	vmul.f32 v8, v23;
	v3 =	vmul.f32 v9, v24;
	v1 =	vadd.f32 v4, v1  }
0xc3: {  	v11 =	vld [tilespmem:$0x1F960];
	v4 =	vmul.f32 v7, v21;
	v0 =	vadd.f32 v5, v0;
	v5 =	vmul.f32 v7, v22  }
0xc4: {  	v62 =	vld [tilespmem:$0x1F920];
	v2 =	vadd.f32 v3, v2;
	v3 =	vmul.f32 v7, v25  }
0xc5: {  	v63 =	vld [tilespmem:$0x1F930];
	v1 =	vadd.f32 v4, v1;
	v0 =	vadd.f32 v5, v0  }
0xc6: {  	v10 =	vld [tilespmem:$0x1F850];
	v4 =	vmul.f32 v8, v26;
	v5 =	vmul.f32 v9, v32;
	v2 =	vadd.f32 v3, v2  }
0xc7: {  	v21 =	vld [tilespmem:$0x1F940];
	v1 =	vadd.f32 v1, v1;
	v0 =	vadd.f32 v0, v0  }
0xc8: {  	v35 =	vadd.f32 v5, v4;
	v4 =	vmul.f32 v7, v36;
	v5 =	vmul.f32 v8, v11;
	v11 =	vld [tilespmem:$0x1F970]  }
0xc9: {  	v3 =	vmul.f32 v8, v62;
	v2 =	vadd.f32 v2, v2;
	v1 =	vsub.f32 v6, v1  }
0xca: {  	v61 =	vld [tilespmem:$0x1F8D0];
	v0 =	vsub.f32 v6, v0;
	v37 =	vadd.f32 v4, v35;
	v4 =	vmul.f32 v9, v63  }
0xcb: {  	v57 =	vimm.s32 $0x0;
	v24 =	vld [tilespmem:$0x1F980];
	v59 =	vsub.f32 v6, v2;
	v1 =	vadd.f32 v1, v10  }
0xcc: {  	v58 =	vimm.s32 $0x0;
	v12 =	vld [tilespmem:$0x1F950];
	v0 =	vadd.f32 v0, v34;
	v20 =	vadd.f32 v4, v3  }
0xcd: {  	v22 =	vld [tilespmem:$0x1F910];
	v3 =	vmul.f32 v7, v21;
	v11 =	vmul.f32 v9, v11;
	vm0 =	vgt.f32 v1, $3.999999910e-02  }
0xce: {  	v34 =	vld [tilespmem:$0x1F9B0];
	vm1 =	vgt.f32 v0, $3.999999910e-02;
	v0 =	vadd.f32 v37, v37;
	vm0 =	vmneg vm0  }
0xcf: {  	v32 =	vld [tilespmem:$0x1F9A0];
	vm1 =	vmneg vm1;
	v23 =	vadd.f32 v11, v5;
	v1 =	vsel vm0, $0xFFFFFFFF, v57  }
0xd0: {  	v36 =	vld [tilespmem:$0x1F9C0];
	v5 =	vmul.f32 v7, v24;
	v0 =	vsub.f32 v6, v0;
	[tilespmem:$0x1F5B0] =	vst v1;
	v1 =	vsel vm1, $0xFFFFFFFF, v58  }
0xd1: {  	v63 =	vld [tilespmem:$0x1FA00];
	v10 =	vsel vm0, $0x1, v16;
	v60 =	vsel vm1, $0x1, v16;
	[tilespmem:$0x1F580] =	vst v1;
	v1 =	vadd.f32 v59, v61  }
0xd2: {  	v37 =	vld [tilespmem:$0x1F9E0];
	v57 =	vadd.s32 v60, v10;
	v26 =	vadd.f32 v5, v23;
	v0 =	vadd.f32 v0, v22  }
0xd3: {  	v4 =	vmul.f32 v9, v34;
	v59 =	vld [tilespmem:$0x1F9F0];
	vm8 =	vgt.f32 v1, $3.999999910e-02;
	v1 =	vadd.f32 v3, v20  }
0xd4: {  	v61 =	vld [tilespmem:$0x1F990];
	vm9 =	vgt.f32 v0, $3.999999910e-02;
	v3 =	vmul.f32 v8, v32;
	vm15 =	vmneg vm8  }
0xd5: {  	v24 =	vld [tilespmem:$0x1FA20];
	v0 =	vadd.f32 v26, v26;
	vm8 =	vmneg vm9;
	v25 =	vsel vm15, $0x1, v16  }
0xd6: {  	v26 =	vld [tilespmem:$0x1FA60];
	v1 =	vadd.f32 v1, v1;
	v35 =	vadd.f32 v4, v3;
	v3 =	vmul.f32 v7, v36  }
0xd7: {  	v13 =	vld [tilespmem:$0x1FB90];
	v0 =	vsub.f32 v6, v0;
	v4 =	vmul.f32 v8, v37;
	v60 =	vsel vm8, $0x1, v16  }
0xd8: {  	v23 =	vld [tilespmem:$0x1F9D0];
	v58 =	vadd.s32 v25, v57;
	v5 =	vmul.f32 v9, v59;
	v1 =	vsub.f32 v6, v1  }
0xd9: {  	v25 =	vld [tilespmem:$0x1FA30];
	v2 =	vadd.f32 v3, v35;
	v0 =	vadd.f32 v0, v61;
	v59 =	vadd.s32 v60, v58  }
0xda: {  	v32 =	vld [tilespmem:$0x1FA70];
	v62 =	vadd.f32 v5, v4;
	v4 =	vmul.f32 v7, v63;
	v1 =	vadd.f32 v1, v12  }
0xdb: {  	v3 =	vmul.f32 v8, v24;
	v35 =	vld [tilespmem:$0x1FA40];
	v5 =	vmul.f32 v8, v26;
	v11 =	vadd.f32 v2, v2  }
0xdc: {  	vm2 =	vgt.f32 v0, $3.999999910e-02;
	v20 =	vadd.f32 v4, v62;
	v62 =	vld [tilespmem:$0x1FA80];
	vm10 =	vgt.f32 v1, $3.999999910e-02  }
0xdd: {  	v36 =	vld [tilespmem:$0x1FA10];
	vm2 =	vmneg vm2;
	v1 =	vsub.f32 v6, v11;
	vm1 =	vmneg vm10  }
0xde: {  	v4 =	vmul.f32 v9, v25;
	v0 =	vadd.f32 v20, v20;
	v20 =	vld [tilespmem:$0x1FAA0];
	v21 =	vsel vm1, $0x1, v16  }
0xdf: {  	v22 =	vsel vm2, $0x1, v16;
	v11 =	vmul.f32 v9, v32;
	v60 =	vadd.s32 v21, v59;
	v21 =	vld [tilespmem:$0x1FAB0]  }
0xe0: {  	v24 =	vld [tilespmem:$0x1FAE0];
	v1 =	vadd.f32 v1, v23;
	v34 =	vadd.f32 v4, v3;
	v3 =	vmul.f32 v7, v35  }
0xe1: {  	v25 =	vld [tilespmem:$0x1FAF0];
	v37 =	vadd.f32 v11, v5;
	v0 =	vsub.f32 v6, v0;
	v5 =	vmul.f32 v7, v62  }
0xe2: {  	v23 =	vld [tilespmem:$0x1FAC0];
	vm3 =	vgt.f32 v1, $3.999999910e-02;
	v61 =	vadd.s32 v22, v60;
	v1 =	vadd.f32 v3, v34  }
0xe3: {  	v12 =	vld [tilespmem:$0x1FA50];
	v0 =	vadd.f32 v0, v36;
	vm3 =	vmneg vm3;
	v11 =	vadd.f32 v5, v37  }
0xe4: {  	v32 =	vld [tilespmem:$0x1FA90];
	v1 =	vadd.f32 v1, v1;
	v3 =	vmul.f32 v8, v20;
	v4 =	vmul.f32 v9, v21  }
0xe5: {  	v35 =	vld [tilespmem:$0x1FB00];
	v63 =	vsel vm3, $0x1, v16;
	vm4 =	vgt.f32 v0, $3.999999910e-02;
	v0 =	vadd.f32 v11, v11  }
0xe6: {  	v5 =	vmul.f32 v9, v25;
	v1 =	vsub.f32 v6, v1;
	v21 =	vld [tilespmem:$0x1FAD0];
	v22 =	vadd.f32 v4, v3  }
0xe7: {  	v3 =	vmul.f32 v7, v23;
	v0 =	vsub.f32 v6, v0;
	v4 =	vmul.f32 v8, v24;
	v24 =	vld [tilespmem:$0x1FB30]  }
0xe8: {  	v62 =	vadd.s32 v63, v61;
	vm4 =	vmneg vm4;
	v1 =	vadd.f32 v1, v12;
	v12 =	vld [tilespmem:$0x1FBB0]  }
0xe9: {  	v26 =	vsel vm4, $0x1, v16;
	v2 =	vadd.f32 v3, v22;
	v0 =	vadd.f32 v0, v32;
	v22 =	vld [tilespmem:$0x1FB20]  }
0xea: {  	v34 =	vadd.f32 v5, v4;
	v4 =	vmul.f32 v7, v35;
	vm5 =	vgt.f32 v1, $3.999999910e-02;
	v32 =	vld [tilespmem:$0x1FB40]  }
0xeb: {  	v63 =	vadd.s32 v26, v62;
	v35 =	vld [tilespmem:$0x1FB50];
	vm6 =	vmneg vm5;
	v36 =	vadd.f32 v2, v2  }
0xec: {  	vm11 =	vgt.f32 v0, $3.999999910e-02;
	v37 =	vadd.f32 v4, v34;
	v11 =	vsel vm6, $0x1, v16;
	v34 =	vld [tilespmem:$0x1FB10]  }
0xed: {  	vm7 =	vmneg vm11;
	v0 =	vadd.s32 v11, v63;
	v1 =	vsub.f32 v6, v36;
	v36 =	vld [tilespmem:$0x1FB60]  }
0xee: {  	v25 =	vmul.f32 v9, v24;
	v20 =	vsel vm7, $0x1, v16;
	v2 =	vadd.f32 v37, v37;
	v37 =	vld [tilespmem:$0x1FBA0]  }
0xef: {  	v23 =	vmul.f32 v8, v22;
	v4 =	vadd.f32 v1, v21;
	v1 =	vadd.s32 v20, v0;
	v20 =	vld [tilespmem:$0x1FB80]  }
0xf0: {  	v2 =	vsub.f32 v6, v2  }
0xf1: {  	v26 =	vadd.f32 v25, v23;
	vm12 =	vgt.f32 v4, $3.999999910e-02;
	v4 =	vmul.f32 v7, v32  }
0xf2: {  	v5 =	vadd.f32 v2, v34;
	v2 =	vmul.f32 v8, v35;
	v11 =	vmul.f32 v9, v36  }
0xf3: {  	v14 =	vld [tilespmem:$0x1FB70];
	v12 =	vmul.f32 v9, v12;
	v3 =	vadd.f32 v4, v26;
	v4 =	vmul.f32 v8, v37  }
0xf4: {  	v13 =	vmul.f32 v9, v13;
	v2 =	vadd.f32 v11, v2;
	v11 =	vmul.f32 v8, v20  }
0xf5: {  	v4 =	vadd.f32 v12, v4;
	v12 =	vld [tilespmem:$0x1FBD0]  }
0xf6: {  	v11 =	vadd.f32 v13, v11;
	v13 =	vld [tilespmem:$0x1FBC0];
	_ =	sdelay $0x1  }
0xf7: {  	v14 =	vmul.f32 v7, v14;
	v22 =	vld [tilespmem:$0x1FBE0]  }
0xf8: {  	vm9 =	vmneg vm12;
	v3 =	vadd.f32 v3, v3  }
0xf9: {  	v21 =	vsel vm9, $0x1, v16;
	v14 =	vadd.f32 v14, v2;
	v12 =	vmul.f32 v7, v12  }
0xfa: {  	v25 =	vld [tilespmem:$0x1FBF0];
	vm13 =	vgt.f32 v5, $3.999999910e-02;
	v3 =	vsub.f32 v6, v3;
	v13 =	vmul.f32 v7, v13  }
0xfb: {  	v26 =	vld [tilespmem:$0x1FC10];
	vm10 =	vmneg vm13;
	v4 =	vadd.f32 v12, v4;
	v12 =	vadd.f32 v14, v14  }
0xfc: {  	v2 =	vadd.s32 v21, v1;
	v21 =	vld [tilespmem:$0x1FC20];
	v3 =	vadd.f32 v3, v22;
	v11 =	vadd.f32 v13, v11  }
0xfd: {  	v22 =	vld [tilespmem:$0x1FD20];
	v4 =	vadd.f32 v4, v4;
	v24 =	vsub.f32 v6, v12;
	v12 =	vsel vm10, $0x1, v16  }
0xfe: {  	vm14 =	vgt.f32 v3, $3.999999910e-02;
	v23 =	vadd.f32 v11, v11;
	v3 =	vadd.s32 v12, v2;
	v12 =	vld [tilespmem:$0x1FC00]  }
0xff: {  	v4 =	vsub.f32 v6, v4;
	v11 =	vadd.f32 v24, v25;
	v24 =	vld [tilespmem:$0x1FD30]  }
0x100: {  	v19 =	vimm.s32 $0x0;
	v5 =	vsub.f32 v6, v23;
	v23 =	vld [tilespmem:$0x1FC30]  }
0x101: {  	v35 =	vimm.s32 $0x0;
	vm11 =	vmneg vm14;
	v13 =	vadd.f32 v4, v26  }
0x102: {  	v37 =	vimm.s32 $0x0;
	v20 =	vimm.s32 $0x0;
	v32 =	vsel vm11, $0x1, v16  }
0x103: {  	v14 =	vmul.f32 v9, v22;
	vm0 =	vgt.f32 v11, $3.999999910e-02;
	vm12 =	vgt.f32 v13, $3.999999910e-02  }
0x104: {  	v5 =	vadd.f32 v5, v12;
	v13 =	vmul.f32 v8, v21;
	vm14 =	vmneg vm12  }
0x105: {  	v18 =	vmul.f32 v9, v24;
	v34 =	vsel vm14, $0xF, v15;
	v15 =	vmul.f32 v8, v23  }
0x106: {  	v4 =	vadd.s32 v32, v3;
	vm13 =	vmneg vm0;
	v13 =	vadd.f32 v14, v13;
	v14 =	vld [tilespmem:$0x1FE20]  }
0x107: {  	v36 =	vsel vm13, $0x1, v16;
	vm5 =	vgt.f32 v5, $3.999999910e-02;
	v15 =	vadd.f32 v18, v15;
	v18 =	vld [tilespmem:$0x1FE30]  }
0x108: {  	v12 =	vimm.s32 $0x0;
	vm0 =	vmneg vm5;
	vm5 =	vlt.s32 v4, v28  }
0x109: {  	vm12 =	vlt.s32 v0, v28;
	vm5 =	vmand vm13, vm5;
	v5 =	vsel vm0, $0xE, v34  }
0x10a: {  	v11 =	vsel vm5, $0xFFFFFFFF, v35;
	vm5 =	vlt.s32 v3, v28;
	v5 =	vsel vm13, $0xD, v5  }
0x10b: {  	vm13 =	vmand vm11, vm5;
	v5 =	vsel vm11, $0xC, v5;
	vm5 =	vlt.s32 v2, v28  }
0x10c: {  	v12 =	vsel vm13, $0xFFFFFFFF, v12;
	v14 =	vmul.f32 v7, v14;
	v18 =	vmul.f32 v7, v18  }
0x10d: {  	vm11 =	vlt.s32 v1, v28;
	vm13 =	vmand vm10, vm5;
	[tilespmem:$0x1F680] =	vst v12;
	v12 =	vimm.s32 $0x0  }
0x10e: {  	v12 =	vsel vm13, $0xFFFFFFFF, v12;
	v13 =	vadd.f32 v14, v13;
	v14 =	vadd.f32 v18, v15;
	v15 =	vld [tilespmem:$0x1FC40]  }
0x10f: {  	vm11 =	vmand vm9, vm11;
	vm13 =	vmand vm7, vm12;
	[tilespmem:$0x1F670] =	vst v12;
	v12 =	vimm.s32 $0x0;
	v18 =	vld [tilespmem:$0x1FD40]  }
0x110: {  	[tilespmem:$0x1F690] =	vst v11;
	v5 =	vsel vm10, $0xB, v5;
	v11 =	vsel vm13, $0xFFFFFFFF, v37;
	v12 =	vsel vm11, $0xFFFFFFFF, v12  }
0x111: {  	vm11 =	vlt.s32 v63, v28;
	[tilespmem:$0x1F660] =	vst v12;
	v12 =	vsel vm9, $0xA, v5;
	v5 =	vadd.s32 v36, v4  }
0x112: {  	vm13 =	vlt.s32 v61, v28;
	vm12 =	vmand vm6, vm11;
	vm9 =	vlt.s32 v5, v28  }
0x113: {  	vm11 =	vlt.s32 v60, v28;
	v19 =	vsel vm12, $0xFFFFFFFF, v19;
	vm10 =	vmand vm0, vm9  }
0x114: {  	[tilespmem:$0x1F650] =	vst v11;
	vm9 =	vlt.s32 v62, v28;
	v15 =	vmul.f32 v8, v15;
	v18 =	vmul.f32 v9, v18  }
0x115: {  	[tilespmem:$0x1F640] =	vst v19;
	v19 =	vimm.s32 $0x0;
	v11 =	vsel vm10, $0xFFFFFFFF, v20;
	vm10 =	vmand vm4, vm9  }
0x116: {  	v12 =	vsel vm7, $0x9, v12;
	[tilespmem:$0x1F6A0] =	vst v11;
	v19 =	vsel vm10, $0xFFFFFFFF, v19;
	v15 =	vadd.f32 v18, v15;
	v18 =	vld [tilespmem:$0x1FE40]  }
0x117: {  	v11 =	vsel vm0, $0x1, v16;
	vm0 =	vmand vm3, vm13;
	[tilespmem:$0x1F630] =	vst v19;
	v19 =	vimm.s32 $0x0  }
0x118: {  	v14 =	vadd.f32 v14, v14;
	v12 =	vsel vm6, $0x8, v12;
	v19 =	vsel vm0, $0xFFFFFFFF, v19  }
0x119: {  	v12 =	vsel vm4, $0x7, v12;
	vm0 =	vmand vm2, vm11;
	[tilespmem:$0x1F620] =	vst v19;
	v19 =	vimm.s32 $0x0  }
0x11a: {  	vm12 =	vlt.s32 v59, v28;
	v12 =	vsel vm3, $0x6, v12;
	v19 =	vsel vm0, $0xFFFFFFFF, v19  }
0x11b: {  	vm0 =	vmand vm1, vm12;
	[tilespmem:$0x1F610] =	vst v19;
	v19 =	vimm.s32 $0x0;
	v18 =	vmul.f32 v7, v18  }
0x11c: {  	v12 =	vsel vm2, $0x5, v12;
	v19 =	vsel vm0, $0xFFFFFFFF, v19  }
0x11d: {  	[tilespmem:$0x1F600] =	vst v19;
	v19 =	vsel vm1, $0x4, v12;
	v12 =	vsub.f32 v6, v14;
	v14 =	vadd.f32 v18, v15;
	v15 =	vld [tilespmem:$0x1FF20]  }
0x11e: {  	v13 =	vadd.f32 v13, v13;
	v20 =	vld [tilespmem:$0x1FF30];
	_ =	sdelay $0x1  }
0x11f: {  	v13 =	vsub.f32 v6, v13;
	_ =	sdelay $0x1  }
0x120: {  	vm13 =	vlt.s32 v58, v28;
	v13 =	vadd.f32 v13, v15  }
0x121: {  	v25 =	vimm.s32 $0x0;
	vm0 =	vmand vm8, vm13;
	v12 =	vadd.f32 v12, v20  }
0x122: {  	v18 =	vld [tilespmem:$0x1FD50];
	v20 =	vsel vm0, $0xFFFFFFFF, v25;
	vm4 =	vgt.f32 v13, $3.999999910e-02  }
0x123: {  	vm5 =	vgt.f32 v12, $3.999999910e-02;
	v12 =	vimm.s32 $0x0;
	v15 =	vld [tilespmem:$0x1FC50];
	vm0 =	vmneg vm4  }
0x124: {  	v12 =	vsel vm0, $0xFFFFFFFF, v12  }
0x125: {  	vm1 =	vmneg vm5;
	[tilespmem:$0x1F5A0] =	vst v12;
	v12 =	vimm.s32 $0x0  }
0x126: {  	v12 =	vsel vm1, $0xFFFFFFFF, v12  }
0x127: {  	[tilespmem:$0x1F590] =	vst v12;
	v12 =	vld [tilespmem:$0x1FF40]  }
0x128: {  	v14 =	vadd.f32 v14, v14;
	v18 =	vmul.f32 v9, v18;
	v15 =	vmul.f32 v8, v15;
	_ =	sdelay $0x1  }
0x129: {  	v14 =	vsub.f32 v6, v14;
	v15 =	vadd.f32 v18, v15;
	v18 =	vld [tilespmem:$0x1FE50];
	_ =	sdelay $0x1  }
0x12a: {  	v14 =	vadd.f32 v14, v12;
	v12 =	vld [tilespmem:$0x1FC60];
	_ =	sdelay $0x2  }
0x12b: {  	v18 =	vmul.f32 v7, v18;
	_ =	sdelay $0x1  }
0x12c: {  	v13 =	vadd.f32 v18, v15;
	v15 =	vmul.f32 v8, v12;
	v12 =	vld [tilespmem:$0x1FD60];
	_ =	sdelay $0x4  }
0x12d: {  	v18 =	vmul.f32 v9, v12;
	_ =	sdelay $0x1  }
0x12e: {  	v15 =	vadd.f32 v18, v15;
	v18 =	vld [tilespmem:$0x1FE60];
	_ =	sdelay $0x3  }
0x12f: {  	v21 =	vld [tilespmem:$0x1FD70]  }
0x130: {  	v35 =	vld [tilespmem:$0x1FE70];
	v18 =	vmul.f32 v7, v18  }
0x131: {  	v34 =	vld [tilespmem:$0x1FF50]  }
0x132: {  	v13 =	vadd.f32 v13, v13;
	v15 =	vadd.f32 v18, v15;
	v18 =	vld [tilespmem:$0x1FC70]  }
0x133: {  	v22 =	vimm.s32 $0x0  }
0x134: {  	v21 =	vmul.f32 v9, v21;
	vm7 =	vlt.s32 v57, v28;
	v13 =	vsub.f32 v6, v13  }
0x135: {  	[tilespmem:$0x1F5F0] =	vst v20;
	v20 =	vmul.f32 v7, v35;
	v26 =	vsel vm1, $0x1, v16;
	vm6 =	vgt.f32 v14, $3.999999910e-02  }
0x136: {  	v14 =	vsel vm8, $0x3, v19;
	vm6 =	vmneg vm6;
	v13 =	vadd.f32 v13, v34  }
0x137: {  	v32 =	vsel vm6, $0x1, v16;
	v12 =	vsel vm0, $0x1, v16;
	v18 =	vmul.f32 v8, v18  }
0x138: {  	vm0 =	vmand vm15, vm7;
	vm8 =	vgt.f32 v13, $3.999999910e-02;
	v19 =	vadd.s32 v26, v12  }
0x139: {  	v22 =	vsel vm0, $0xFFFFFFFF, v22;
	v15 =	vadd.f32 v15, v15;
	v18 =	vadd.f32 v21, v18  }
0x13a: {  	vm5 =	vmneg vm8;
	[tilespmem:$0x1F5D0] =	vst v22;
	v22 =	vadd.s32 v32, v19  }
0x13b: {  	v29 =	vld [tilespmem:$0x1FCE0];
	v13 =	vsub.f32 v6, v15;
	v15 =	vadd.f32 v20, v18;
	v18 =	vsel vm5, $0x1, v16  }
0x13c: {  	v24 =	vadd.s32 v18, v22;
	v18 =	vld [tilespmem:$0x1FF60]  }
0x13d: {  	v23 =	vld [tilespmem:$0x1FD80]  }
0x13e: {  	v36 =	vld [tilespmem:$0x1FC80]  }
0x13f: {  	v30 =	vld [tilespmem:$0x1FDE0]  }
0x140: {  	v25 =	vld [tilespmem:$0x1FE80]  }
0x141: {  	v34 =	vld [tilespmem:$0x1FCA0];
	v13 =	vadd.f32 v13, v18  }
0x142: {  	v26 =	vld [tilespmem:$0x1FC90]  }
0x143: {  	v23 =	vmul.f32 v9, v23;
	v21 =	vmul.f32 v8, v36;
	vm9 =	vgt.f32 v13, $3.999999910e-02;
	v13 =	vld [tilespmem:$0x1FF70]  }
0x144: {  	v32 =	vld [tilespmem:$0x1FD90];
	v15 =	vadd.f32 v15, v15  }
0x145: {  	v37 =	vadd.f32 v23, v21;
	v21 =	vmul.f32 v7, v25;
	v25 =	vld [tilespmem:$0x1FDA0]  }
0x146: {  	v35 =	vld [tilespmem:$0x1FE90];
	v15 =	vsub.f32 v6, v15  }
0x147: {  	v36 =	vld [tilespmem:$0x1FEA0]  }
0x148: {  	v20 =	vmul.f32 v8, v26;
	v26 =	vld [tilespmem:$0x1FCB0];
	v13 =	vadd.f32 v15, v13  }
0x149: {  	v18 =	vadd.f32 v21, v37;
	v21 =	vmul.f32 v9, v32;
	v32 =	vld [tilespmem:$0x1FDB0]  }
0x14a: {  	v23 =	vmul.f32 v8, v34;
	v25 =	vmul.f32 v9, v25;
	vm10 =	vgt.f32 v13, $3.999999910e-02;
	v13 =	vld [tilespmem:$0x1FF80]  }
0x14b: {  	v29 =	vmul.f32 v8, v29;
	v30 =	vmul.f32 v9, v30;
	v18 =	vadd.f32 v18, v18  }
0x14c: {  	v23 =	vadd.f32 v25, v23;
	v25 =	vmul.f32 v7, v36  }
0x14d: {  	v29 =	vadd.f32 v30, v29;
	v36 =	vld [tilespmem:$0x1FEB0];
	v15 =	vsub.f32 v6, v18  }
0x14e: {  	v20 =	vadd.f32 v21, v20;
	v21 =	vmul.f32 v7, v35;
	v37 =	vadd.f32 v25, v23  }
0x14f: {  	v31 =	vld [tilespmem:$0x1FDF0];
	v23 =	vmul.f32 v8, v26;
	v25 =	vmul.f32 v9, v32;
	v13 =	vadd.f32 v15, v13  }
0x150: {  	v30 =	vld [tilespmem:$0x1FCF0];
	vm9 =	vmneg vm9;
	v20 =	vadd.f32 v21, v20;
	v34 =	vadd.f32 v37, v37  }
0x151: {  	v18 =	vsel vm9, $0x1, v16;
	v35 =	vadd.f32 v25, v23;
	vm11 =	vgt.f32 v13, $3.999999910e-02;
	v13 =	vld [tilespmem:$0x1FF90]  }
0x152: {  	v32 =	vld [tilespmem:$0x1FCC0];
	v23 =	vmul.f32 v7, v36;
	vm4 =	vmneg vm10;
	v15 =	vadd.f32 v20, v20  }
0x153: {  	v25 =	vadd.s32 v18, v24;
	v18 =	vsel vm4, $0x1, v16;
	v20 =	vsub.f32 v6, v34;
	v34 =	vld [tilespmem:$0x1FDC0]  }
0x154: {  	v21 =	vadd.f32 v23, v35;
	v26 =	vadd.s32 v18, v25;
	v18 =	vld [tilespmem:$0x1FFA0];
	v15 =	vsub.f32 v6, v15  }
0x155: {  	v35 =	vld [tilespmem:$0x1FEC0]  }
0x156: {  	v36 =	vld [tilespmem:$0x1FFB0];
	v37 =	vadd.f32 v21, v21;
	v13 =	vadd.f32 v15, v13  }
0x157: {  	v21 =	vmul.f32 v8, v32;
	v32 =	vld [tilespmem:$0x1FDD0];
	vm7 =	vmneg vm11  }
0x158: {  	v23 =	vmul.f32 v9, v34;
	vm12 =	vgt.f32 v13, $3.999999910e-02;
	v13 =	vsub.f32 v6, v37;
	v37 =	vld [tilespmem:$0x1FCD0]  }
0x159: {  	v18 =	vadd.f32 v20, v18;
	v15 =	vsel vm7, $0x1, v16  }
0x15a: {  	v20 =	vmul.f32 v7, v35;
	v34 =	vld [tilespmem:$0x1FED0];
	v27 =	vadd.s32 v15, v26;
	v15 =	vadd.f32 v23, v21  }
0x15b: {  	v31 =	vmul.f32 v9, v31  }
0x15c: {  	v30 =	vmul.f32 v8, v30;
	v15 =	vadd.f32 v20, v15;
	v13 =	vadd.f32 v13, v36;
	v36 =	vld [tilespmem:$0x1FEE0]  }
0x15d: {  	v21 =	vmul.f32 v9, v32;
	v20 =	vmul.f32 v8, v37  }
0x15e: {  	vm8 =	vgt.f32 v13, $3.999999910e-02;
	v13 =	vsel vm15, $0x2, v14;
	v14 =	vadd.f32 v15, v15  }
0x15f: {  	v15 =	vadd.f32 v21, v20;
	v20 =	vmul.f32 v7, v34;
	v34 =	vadd.f32 v31, v30;
	v30 =	vld [tilespmem:$0x1FD00]  }
0x160: {  	v31 =	vld [tilespmem:$0x1FE00]  }
0x161: {  	v15 =	vadd.f32 v20, v15;
	v20 =	vmul.f32 v7, v36  }
0x162: {  	v37 =	vld [tilespmem:$0x1FFC0]  }
0x163: {  	vm13 =	vgt.f32 v18, $3.999999910e-02;
	vm10 =	vmneg vm12;
	v20 =	vadd.f32 v20, v29;
	v29 =	vld [tilespmem:$0x1FEF0]  }
0x164: {  	vm12 =	vmneg vm13;
	v18 =	vsel vm10, $0x1, v16  }
0x165: {  	v23 =	vadd.s32 v18, v27;
	v30 =	vmul.f32 v8, v30;
	v31 =	vmul.f32 v9, v31  }
0x166: {  	v18 =	vsel vm12, $0x1, v16;
	vm13 =	vmneg vm8;
	v14 =	vsub.f32 v6, v14  }
0x167: {  	v18 =	vadd.s32 v18, v23;
	v35 =	vsel vm13, $0x1, v16;
	v36 =	vadd.f32 v31, v30;
	v31 =	vld [tilespmem:$0x1FFD0]  }
0x168: {  	v14 =	vadd.f32 v14, v37;
	v15 =	vadd.f32 v15, v15;
	v29 =	vmul.f32 v7, v29  }
0x169: {  	v32 =	vadd.s32 v35, v18  }
0x16a: {  	vm11 =	vgt.f32 v14, $3.999999910e-02;
	v14 =	vsub.f32 v6, v15;
	v35 =	vadd.f32 v29, v34;
	v29 =	vld [tilespmem:$0x1FF00];
	_ =	sdelay $0x1  }
0x16b: {  	v14 =	vadd.f32 v14, v31;
	_ =	sdelay $0x1  }
0x16c: {  	vm15 =	vgt.f32 v14, $3.999999910e-02;
	v14 =	vld [tilespmem:$0x1FFE0]  }
0x16d: {  	v15 =	vadd.f32 v20, v20;
	v29 =	vmul.f32 v7, v29;
	_ =	sdelay $0x1  }
0x16e: {  	v15 =	vsub.f32 v6, v15;
	v21 =	vadd.f32 v29, v36;
	v29 =	vld [tilespmem:$0x1FD10];
	_ =	sdelay $0x1  }
0x16f: {  	v37 =	vld [tilespmem:$0x1FF10];
	v14 =	vadd.f32 v15, v14  }
0x170: {  	v20 =	vadd.f32 v35, v35;
	v35 =	vld [tilespmem:$0x1F580]  }
0x171: {  	v26 =	vadd.s32 v28, v26;
	vm11 =	vmneg vm11;
	vm8 =	vgt.f32 v14, $3.999999910e-02;
	v14 =	vld [tilespmem:$0x1FFF0]  }
0x172: {  	v18 =	vadd.s32 v28, v18;
	v30 =	vsel vm11, $0x1, v16;
	v8 =	vmul.f32 v8, v29;
	v29 =	vld [tilespmem:$0x1FE10]  }
0x173: {  	v30 =	vadd.s32 v30, v32;
	v31 =	vadd.s32 v28, v24;
	v24 =	vimm.s32 $0x0  }
0x174: {  	vm15 =	vmneg vm15;
	v20 =	vsub.f32 v6, v20;
	v15 =	vadd.f32 v21, v21  }
0x175: {  	v7 =	vmul.f32 v7, v37;
	vm0 =	vnez.u8 v35;
	v36 =	vimm.s32 $0x0  }
0x176: {  	v21 =	vsel vm15, $0x1, v16;
	v15 =	vsub.f32 v6, v15;
	vm3 =	vmneg vm8  }
0x177: {  	vm8 =	vgt.s32 v28, v10;
	v14 =	vadd.f32 v20, v14;
	v9 =	vmul.f32 v9, v29  }
0x178: {  	v34 =	vsel vm3, $0x1, v16;
	vm8 =	vmand vm0, vm8;
	v15 =	vadd.f32 v15, v38  }
0x179: {  	v10 =	vsel vm8, $0xFFFFFFFF, v36;
	vm1 =	vgt.f32 v14, $3.999999910e-02;
	v8 =	vadd.f32 v9, v8  }
0x17a: {  	v29 =	vsel vm0, $0x1, v13;
	v13 =	vimm.s32 $0x0;
	vm2 =	vmneg vm1  }
0x17b: {  	vm1 =	vgt.f32 v15, $3.999999910e-02;
	v15 =	vadd.s32 v28, v32;
	v7 =	vadd.f32 v7, v8  }
0x17c: {  	v32 =	vimm.s32 $0x0;
	v9 =	vadd.s32 v21, v30;
	v37 =	vsel vm2, $0x1, v16  }
0x17d: {  	v21 =	vadd.s32 v11, v5;
	vm8 =	vmneg vm1;
	v7 =	vadd.f32 v7, v7  }
0x17e: {  	v14 =	vadd.s32 v34, v9;
	v36 =	vsel vm8, $0x1, v16;
	vm1 =	vlt.s32 v21, v28  }
0x17f: {  	v20 =	vadd.s32 v37, v14;
	vm0 =	vmand vm14, vm1;
	v6 =	vsub.f32 v6, v7  }
0x180: {  	v37 =	vimm.s32 $0x0;
	v11 =	vadd.s32 v28, v14;
	v14 =	vadd.s32 v28, v30  }
0x181: {  	v30 =	vadd.s32 v28, v25;
	v25 =	vimm.s32 $0x0;
	v6 =	vadd.f32 v6, v39  }
0x182: {  	[tilespmem:$0x1F5C0] =	vst v10;
	v10 =	vsel vm0, $0xFFFFFFFF, v37;
	v35 =	vadd.s32 v36, v20;
	v36 =	vsel vm14, $0x1, v16  }
0x183: {  	v37 =	vimm.s32 $0x0;
	v8 =	vadd.s32 v28, v35;
	vm14 =	vgt.f32 v6, $3.999999910e-02  }
0x184: {  	[tilespmem:$0x1F6B0] =	vst v10;
	v10 =	vadd.s32 v28, v20;
	vm1 =	vlt.s32 v8, $0x10;
	vm0 =	vmneg vm14  }
0x185: {  	v20 =	vimm.s32 $0x0;
	vm14 =	vmand vm0, vm1;
	vm1 =	vlt.s32 v10, $0x10  }
0x186: {  	v34 =	vsel vm0, $0x20, v33;
	v33 =	vimm.s32 $0x0;
	v6 =	vsel vm14, $0xFFFFFFFF, v20  }
0x187: {  	vm14 =	vmand vm8, vm1;
	v7 =	vsel vm8, $0x1F, v34;
	vm8 =	vlt.s32 v11, $0x10  }
0x188: {  	v20 =	vimm.s32 $0x0;
	v34 =	vimm.s32 $0x0;
	[tilespmem:$0x1F780] =	vst v6;
	v6 =	vsel vm0, $0x1, v16  }
0x189: {  	v13 =	vsel vm14, $0xFFFFFFFF, v13;
	vm0 =	vmand vm2, vm8;
	v7 =	vsel vm2, $0x1E, v7  }
0x18a: {  	vm8 =	vlt.s32 v14, $0x10;
	[tilespmem:$0x1F770] =	vst v13;
	v13 =	vadd.s32 v28, v9;
	v9 =	vsel vm0, $0xFFFFFFFF, v37  }
0x18b: {  	v7 =	vsel vm3, $0x1D, v7;
	v37 =	vimm.s32 $0x0;
	vm14 =	vlt.s32 v13, $0x10  }
0x18c: {  	v7 =	vsel vm15, $0x1C, v7;
	vm0 =	vmand vm3, vm14;
	vm14 =	vlt.s32 v15, $0x10  }
0x18d: {  	[tilespmem:$0x1F760] =	vst v9;
	v7 =	vsel vm11, $0x1B, v7;
	vm3 =	vgt.s32 v28, $0x2;
	v9 =	vsel vm0, $0xFFFFFFFF, v20  }
0x18e: {  	vm0 =	vmand vm15, vm8;
	v20 =	vadd.s32 v28, v23;
	vm15 =	vlt.s32 v18, $0x10  }
0x18f: {  	v7 =	vsel vm13, $0x1A, v7;
	v23 =	vadd.s32 v28, v27;
	v27 =	vimm.s32 $0x0  }
0x190: {  	[tilespmem:$0x1F750] =	vst v9;
	v9 =	vsel vm0, $0xFFFFFFFF, v32;
	vm0 =	vmand vm11, vm14;
	vm8 =	vlt.s32 v20, $0x10  }
0x191: {  	v7 =	vsel vm12, $0x19, v7;
	vm11 =	vlt.s32 v23, $0x10;
	v32 =	vimm.s32 $0x0  }
0x192: {  	vm14 =	vlt.s32 v31, $0x10;
	[tilespmem:$0x1F740] =	vst v9;
	v9 =	vsel vm0, $0xFFFFFFFF, v33;
	vm0 =	vmand vm13, vm15  }
0x193: {  	v7 =	vsel vm10, $0x18, v7;
	vm13 =	vlt.s32 v30, $0x10;
	v33 =	vimm.s32 $0x0  }
0x194: {  	[tilespmem:$0x1F730] =	vst v9;
	v9 =	vsel vm0, $0xFFFFFFFF, v34;
	vm0 =	vmand vm12, vm8;
	vm12 =	vlt.s32 v26, $0x10  }
0x195: {  	v7 =	vsel vm7, $0x17, v7;
	v34 =	vimm.s32 $0x0;
	vm8 =	vlt.s32 v28, $0x10  }
0x196: {  	[tilespmem:$0x1F720] =	vst v9;
	v9 =	vsel vm0, $0xFFFFFFFF, v37;
	vm0 =	vmand vm10, vm11;
	v7 =	vsel vm4, $0x16, v7  }
0x197: {  	v37 =	vimm.s32 $0x0;
	[tilespmem:$0x1F710] =	vst v9;
	v9 =	vsel vm0, $0xFFFFFFFF, v25;
	vm0 =	vmand vm7, vm12  }
0x198: {  	v7 =	vsel vm9, $0x15, v7;
	[tilespmem:$0x1F700] =	vst v9;
	v9 =	vsel vm0, $0xFFFFFFFF, v32;
	vm0 =	vmand vm4, vm13  }
0x199: {  	v25 =	vld [tilespmem:$0x1F5B0];
	v32 =	vadd.s32 v28, v22;
	v7 =	vsel vm5, $0x14, v7;
	[tilespmem:$0x1F6F0] =	vst v9;
	v9 =	vsel vm0, $0xFFFFFFFF, v33  }
0x19a: {  	v22 =	vld [tilespmem:$0x1F590];
	vm0 =	vmand vm9, vm14;
	vm15 =	vlt.s32 v32, $0x10;
	v33 =	vadd.s32 v12, v28  }
0x19b: {  	v7 =	vsel vm6, $0x13, v7;
	vm9 =	vgt.s32 v28, $0x0;
	[tilespmem:$0x1F6E0] =	vst v9;
	v9 =	vsel vm0, $0xFFFFFFFF, v34  }
0x19c: {  	v12 =	vld [tilespmem:$0x1F5A0];
	v34 =	vadd.s32 v28, v19;
	vm0 =	vmand vm5, vm15;
	vm4 =	vlt.s32 v33, $0x10  }
0x19d: {  	vm15 =	vmneg vm9;
	[tilespmem:$0x1F6D0] =	vst v9;
	v9 =	vsel vm0, $0xFFFFFFFF, v37;
	vm5 =	vlt.s32 v34, $0x10  }
0x19e: {  	vm0 =	vgt.s32 v28, $0x1;
	v37 =	vimm.s32 $0x0;
	vm13 =	vmand vm6, vm5  }
0x19f: {  	[tilespmem:$0x1F6C0] =	vst v9;
	v9 =	vadd.s32 v36, v21;
	vm6 =	vnez.u8 v25;
	vm7 =	vnez.u8 v22  }
0x1a0: {  	vm10 =	veq.s32 v9, $0x0;
	v36 =	vsel vm6, $0x200, v16;
	vm5 =	vmand vm9, vm6  }
0x1a1: {  	vm12 =	vmand vm7, vm4;
	v7 =	vsel vm7, $0x12, v7;
	vm4 =	vnez.u8 v12  }
0x1a2: {  	v12 =	vadd.s32 v6, v35;
	vm1 =	vmand vm9, vm10;
	vm7 =	vlt.u32 v9, $0x2  }
0x1a3: {  	vm10 =	vlt.u32 v9, $0x3;
	v35 =	vimm.s32 $0x0;
	vm14 =	vle.s32 v12, v41  }
0x1a4: {  	vm11 =	vmand vm8, vm4;
	v6 =	vsel vm4, $0x11, v7;
	vm2 =	vmand vm15, vm14  }
0x1a5: {  	vm8 =	vle.s32 v12, v42;
	vm4 =	vgt.s32 v28, $0x8;
	vm1 =	vmor vm1, vm2  }
0x1a6: {  	vm14 =	vle.s32 v12, v43;
	vm15 =	vmneg vm3;
	v7 =	vsel vm1, $0xFFFFFFFF, v24  }
0x1a7: {  	vm1 =	vmand vm0, vm7;
	vm7 =	vmand vm3, vm10;
	[tilespmem:$0x1F790] =	vst v7;
	v7 =	vsel vm6, $0x0, v29  }
0x1a8: {  	vm10 =	vlt.u32 v9, $0x4;
	v19 =	vsel vm9, v7, v6;
	vm9 =	vmneg vm0  }
0x1a9: {  	vm6 =	vmand vm15, vm14;
	vm14 =	vle.s32 v12, v44;
	vm2 =	vmand vm9, vm8  }
0x1aa: {  	vm8 =	vmor vm7, vm6;
	vm9 =	vgt.s32 v28, $0x3;
	vm6 =	vlt.u32 v9, $0x5  }
0x1ab: {  	vm7 =	vle.s32 v12, v45;
	vm1 =	vmor vm1, vm2;
	v24 =	vsel vm8, $0xFFFFFFFF, v37  }
0x1ac: {  	vm15 =	vmneg vm9;
	v37 =	vimm.s32 $0x0;
	v22 =	vsel vm1, $0xFFFFFFFF, v35  }
0x1ad: {  	[tilespmem:$0x1F7B0] =	vst v24;
	v24 =	vsel vm3, v7, v6;
	vm2 =	vmand vm15, vm14;
	vm1 =	vmand vm9, vm10  }
0x1ae: {  	v35 =	vimm.s32 $0x0;
	vm3 =	vgt.s32 v28, $0x5;
	vm10 =	vle.s32 v12, v46  }
0x1af: {  	[tilespmem:$0x1F7A0] =	vst v22;
	v22 =	vsel vm0, v7, v6;
	vm1 =	vmor vm1, vm2;
	vm0 =	vgt.s32 v28, $0x4  }
0x1b0: {  	vm14 =	vmneg vm3;
	v25 =	vsel vm1, $0xFFFFFFFF, v35;
	vm8 =	vmneg vm0  }
0x1b1: {  	vm1 =	vmand vm0, vm6;
	vm15 =	vmand vm14, vm10;
	v29 =	vsel vm0, v7, v6  }
0x1b2: {  	vm10 =	vgt.s32 v28, $0x6;
	vm14 =	vlt.u32 v9, $0x7;
	[tilespmem:$0x1F7C0] =	vst v25;
	v25 =	vsel vm9, v7, v6  }
0x1b3: {  	vm2 =	vmand vm8, vm7;
	vm9 =	vlt.u32 v9, $0x6;
	vm8 =	vle.s32 v12, v47  }
0x1b4: {  	vm1 =	vmor vm1, vm2;
	vm6 =	vmand vm3, vm9;
	vm9 =	vmneg vm10  }
0x1b5: {  	v27 =	vsel vm1, $0xFFFFFFFF, v27;
	vm7 =	vmor vm6, vm15;
	vm0 =	vmand vm9, vm8  }
0x1b6: {  	vm8 =	vgt.s32 v28, $0x7;
	vm15 =	vlt.u32 v9, $0x8;
	[tilespmem:$0x1F7D0] =	vst v27;
	v27 =	vimm.s32 $0x0  }
0x1b7: {  	vm1 =	vmand vm10, vm14;
	vm9 =	vmneg vm8;
	v27 =	vsel vm7, $0xFFFFFFFF, v27  }
0x1b8: {  	vm2 =	vmand vm8, vm15;
	[tilespmem:$0x1F7E0] =	vst v27;
	v27 =	vsel vm3, v7, v6;
	vm3 =	vle.s32 v12, v48  }
0x1b9: {  	vm0 =	vmor vm1, vm0;
	vm15 =	vlt.u32 v9, $0x9;
	vm6 =	vmand vm9, vm3  }
0x1ba: {  	v35 =	vsel vm0, $0xFFFFFFFF, v37;
	v37 =	vimm.s32 $0x0;
	vm14 =	vmor vm2, vm6  }
0x1bb: {  	[tilespmem:$0x1F7F0] =	vst v35;
	vm9 =	vle.s32 v12, v49;
	v35 =	vsel vm14, $0xFFFFFFFF, v37;
	vm14 =	vmneg vm4  }
0x1bc: {  	vm0 =	vmand vm4, vm15;
	vm6 =	vmand vm14, vm9  }
0x1bd: {  	v37 =	vimm.s32 $0x0;
	vm0 =	vmor vm0, vm6  }
0x1be: {  	[tilespmem:$0x1F800] =	vst v35;
	v35 =	vsel vm0, $0xFFFFFFFF, v37  }
0x1bf: {  	[tilespmem:$0x1F810] =	vst v35;
	v35 =	vor.u32 s5, v17;
	_ =	sdelay $0x4  }
0x1c0: {  	[tilespmem:v35+s31+$0x0] =	vst.idx.msk vm5, v16  }
0x1c1: {  	[tilespmem:$0x1F5E0] =	vst v0  }
0x1c2: {  	v0 =	vld [tilespmem:$0x1F5C0];
	_ =	sdelay $0x2  }
0x1c3: {  	vm3 =	vgt.s32 v28, $0x9  }
0x1c4: {  	vm15 =	vle.s32 v12, v50;
	vm1 =	vmneg vm3  }
0x1c5: {  	vm0 =	vmand vm1, vm15;
	vm15 =	vnez.u8 v0  }
0x1c6: {  	v36 =	vor.u32 v35, v36  }
0x1c7: {  	v0 =	vld [tilespmem:$0x1F5E0];
	_ =	sdelay $0x2  }
0x1c8: {  	v37 =	vimm.s32 $0x1  }
0x1c9: {  	[tilespmem:v36+s31+$0x0] =	vst.idx.msk vm15, v37  }
0x1ca: {  	[tilespmem:$0x1F5E0] =	vst v0  }
0x1cb: {  	v0 =	vld [tilespmem:$0x1F5D0];
	_ =	sdelay $0x2  }
0x1cc: {  	vm2 =	vlt.u32 v9, $0xA  }
0x1cd: {  	vm6 =	vmand vm3, vm2  }
0x1ce: {  	v57 =	vshll.u32 v57, $0x9;
	vm14 =	vmor vm6, vm0;
	vm6 =	vnez.u8 v0  }
0x1cf: {  	v57 =	vadd.s32 v35, v57;
	_ =	sdelay $0x3  }
0x1d0: {  	v37 =	vimm.s32 $0x2  }
0x1d1: {  	v0 =	vld [tilespmem:$0x1F5E0];
	[tilespmem:v57+s31+$0x0] =	vst.idx.msk vm6, v37  }
0x1d2: {  	[tilespmem:$0x1F5E0] =	vst v1  }
0x1d3: {  	v1 =	vld [tilespmem:$0x1F5F0];
	_ =	sdelay $0x4  }
0x1d4: {  	v58 =	vshll.u32 v58, $0x9;
	vm7 =	vnez.u8 v1  }
0x1d5: {  	v58 =	vadd.s32 v35, v58;
	_ =	sdelay $0x3  }
0x1d6: {  	v37 =	vimm.s32 $0x3;
	v1 =	vld [tilespmem:$0x1F5E0]  }
0x1d7: {  	[tilespmem:v58+s31+$0x0] =	vst.idx.msk vm7, v37;
	v37 =	vld [tilespmem:$0x1F600];
	_ =	sdelay $0x2  }
0x1d8: {  	vm2 =	vgt.s32 v28, $0xA  }
0x1d9: {  	vm9 =	vmneg vm2;
	vm5 =	vle.s32 v12, v51  }
0x1da: {  	v59 =	vshll.u32 v59, $0x9;
	vm5 =	vmand vm9, vm5;
	vm9 =	vnez.u8 v37  }
0x1db: {  	v59 =	vadd.s32 v35, v59;
	_ =	sdelay $0x1  }
0x1dc: {  	v61 =	vshll.u32 v61, $0x9  }
0x1dd: {  	v36 =	vadd.s32 v35, v61;
	v61 =	vshll.u32 v62, $0x9  }
0x1de: {  	v57 =	vadd.s32 v35, v61;
	v61 =	vshll.u32 v63, $0x9;
	v63 =	vimm.s32 $0x4  }
0x1df: {  	[tilespmem:v59+s31+$0x0] =	vst.idx.msk vm9, v63;
	v63 =	vld [tilespmem:$0x1F610];
	_ =	sdelay $0x4  }
0x1e0: {  	v60 =	vshll.u32 v60, $0x9;
	vm15 =	vnez.u8 v63  }
0x1e1: {  	v60 =	vadd.s32 v35, v60;
	_ =	sdelay $0x3  }
0x1e2: {  	v62 =	vimm.s32 $0x5  }
0x1e3: {  	[tilespmem:v60+s31+$0x0] =	vst.idx.msk vm15, v62;
	v62 =	vld [tilespmem:$0x1F620]  }
0x1e4: {  	v63 =	vld [tilespmem:$0x1F630];
	_ =	sdelay $0x1  }
0x1e5: {  	vm6 =	vgt.s32 v28, $0xB  }
0x1e6: {  	vm7 =	vle.s32 v12, v52;
	vm9 =	vmneg vm6  }
0x1e7: {  	vm9 =	vmand vm9, vm7;
	vm7 =	vnez.u8 v62  }
0x1e8: {  	vm15 =	vnez.u8 v63;
	_ =	sdelay $0x3  }
0x1e9: {  	v58 =	vadd.s32 v35, v61;
	v61 =	vimm.s32 $0x6  }
0x1ea: {  	v60 =	vimm.s32 $0x7;
	[tilespmem:v36+s31+$0x0] =	vst.idx.msk vm7, v61  }
0x1eb: {  	[tilespmem:v57+s31+$0x0] =	vst.idx.msk vm15, v60;
	v60 =	vld [tilespmem:$0x1F640]  }
0x1ec: {  	v62 =	vld [tilespmem:$0x1F650];
	_ =	sdelay $0x3  }
0x1ed: {  	vm7 =	vnez.u8 v60  }
0x1ee: {  	v0 =	vshll.u32 v0, $0x9;
	vm15 =	vnez.u8 v62  }
0x1ef: {  	v0 =	vadd.s32 v35, v0;
	v37 =	vld [tilespmem:$0x1F660];
	_ =	sdelay $0x2  }
0x1f0: {  	v59 =	vimm.s32 $0x8  }
0x1f1: {  	v61 =	vimm.s32 $0x9;
	[tilespmem:v58+s31+$0x0] =	vst.idx.msk vm7, v59  }
0x1f2: {  	v1 =	vshll.u32 v1, $0x9;
	[tilespmem:v0+s31+$0x0] =	vst.idx.msk vm15, v61;
	vm15 =	vnez.u8 v37  }
0x1f3: {  	v1 =	vadd.s32 v35, v1;
	_ =	sdelay $0x3  }
0x1f4: {  	v57 =	vimm.s32 $0xA  }
0x1f5: {  	[tilespmem:v1+s31+$0x0] =	vst.idx.msk vm15, v57;
	v57 =	vld [tilespmem:$0x1F670];
	_ =	sdelay $0x4  }
0x1f6: {  	v2 =	vshll.u32 v2, $0x9;
	vm15 =	vnez.u8 v57  }
0x1f7: {  	v2 =	vadd.s32 v35, v2;
	_ =	sdelay $0x3  }
0x1f8: {  	v36 =	vimm.s32 $0xB;
	v62 =	vld [tilespmem:$0x1F680]  }
0x1f9: {  	[tilespmem:v2+s31+$0x0] =	vst.idx.msk vm15, v36;
	v36 =	vld [tilespmem:$0x1F690];
	_ =	sdelay $0x1  }
0x1fa: {  	vm7 =	vlt.u32 v9, $0xB  }
0x1fb: {  	v3 =	vshll.u32 v3, $0x9;
	vm7 =	vmand vm2, vm7  }
0x1fc: {  	v4 =	vshll.u32 v4, $0x9;
	vm7 =	vmor vm7, vm5;
	vm5 =	vnez.u8 v62  }
0x1fd: {  	v3 =	vadd.s32 v35, v3;
	v58 =	vshll.u32 v33, $0x9;
	vm15 =	vnez.u8 v36  }
0x1fe: {  	v4 =	vadd.s32 v35, v4;
	v2 =	vadd.s32 v35, v58;
	v58 =	vld [tilespmem:$0x1F6A0];
	_ =	sdelay $0x2  }
0x1ff: {  	v61 =	vimm.s32 $0xC  }
0x200: {  	v59 =	vimm.s32 $0xD;
	[tilespmem:v3+s31+$0x0] =	vst.idx.msk vm5, v61  }
0x201: {  	v5 =	vshll.u32 v5, $0x9;
	[tilespmem:v4+s31+$0x0] =	vst.idx.msk vm15, v59;
	vm15 =	vnez.u8 v58  }
0x202: {  	v5 =	vadd.s32 v35, v5;
	v59 =	vshll.u32 v31, $0x9;
	v31 =	vld [tilespmem:$0x1F6B0];
	_ =	sdelay $0x3  }
0x203: {  	v57 =	vimm.s32 $0xE  }
0x204: {  	v63 =	vshll.u32 v21, $0x9;
	[tilespmem:v5+s31+$0x0] =	vst.idx.msk vm15, v57;
	vm15 =	vnez.u8 v31  }
0x205: {  	v0 =	vadd.s32 v35, v63  }
0x206: {  	v1 =	vadd.s32 v40, v35;
	_ =	sdelay $0x2  }
0x207: {  	v60 =	vshll.u32 v34, $0x9;
	v63 =	vimm.s32 $0xF  }
0x208: {  	v3 =	vadd.s32 v35, v60;
	v60 =	vimm.s32 $0x11;
	v58 =	vld [tilespmem:$0x1F6C0];
	[tilespmem:v0+s31+$0x0] =	vst.idx.msk vm15, v63  }
0x209: {  	[tilespmem:v1+s31+$0x0] =	vst.idx.msk vm11, v60;
	v60 =	vld [tilespmem:$0x1F6D0];
	_ =	sdelay $0x2  }
0x20a: {  	v62 =	vimm.s32 $0x12  }
0x20b: {  	v34 =	vimm.s32 $0x13;
	v37 =	vshll.u32 v32, $0x9;
	[tilespmem:v2+s31+$0x0] =	vst.idx.msk vm12, v62;
	vm12 =	vnez.u8 v58  }
0x20c: {  	v4 =	vadd.s32 v35, v37;
	[tilespmem:v3+s31+$0x0] =	vst.idx.msk vm13, v34;
	vm13 =	vnez.u8 v60  }
0x20d: {  	vm0 =	vlt.u32 v9, $0xC;
	v0 =	vadd.s32 v35, v59  }
0x20e: {  	v13 =	vshll.u32 v13, $0x9;
	vm0 =	vmand vm6, vm0;
	v62 =	vld [tilespmem:$0x1F6E0]  }
0x20f: {  	vm1 =	vle.s32 v12, v53;
	vm9 =	vmor vm0, vm9;
	v32 =	vshll.u32 v26, $0x9;
	v26 =	vld [tilespmem:$0x1F6F0]  }
0x210: {  	vm5 =	vgt.s32 v28, $0xC;
	v37 =	vshll.u32 v23, $0x9;
	v57 =	vimm.s32 $0x14;
	v34 =	vld [tilespmem:$0x1F700]  }
0x211: {  	v5 =	vadd.s32 v35, v37;
	v37 =	vadd.s32 v35, v13;
	v13 =	vld [tilespmem:$0x1F710];
	v59 =	vimm.s32 $0x15;
	[tilespmem:v4+s31+$0x0] =	vst.idx.msk vm12, v57  }
0x212: {  	v61 =	vshll.u32 v30, $0x9;
	vm0 =	vmneg vm5;
	vm15 =	vlt.u32 v9, $0xD;
	[tilespmem:v0+s31+$0x0] =	vst.idx.msk vm13, v59;
	v59 =	vld [tilespmem:$0x1F720]  }
0x213: {  	vm0 =	vmand vm0, vm1;
	vm1 =	vmand vm5, vm15;
	vm15 =	vnez.u8 v62  }
0x214: {  	v63 =	vadd.s32 v35, v61;
	v0 =	vsel vm4, v7, v6;
	vm4 =	vnez.u8 v26  }
0x215: {  	v36 =	vadd.s32 v35, v32;
	v4 =	vsel vm8, v7, v6;
	vm8 =	vnez.u8 v34  }
0x216: {  	v20 =	vshll.u32 v20, $0x9;
	v3 =	vsel vm10, v7, v6;
	vm10 =	vnez.u8 v13  }
0x217: {  	v18 =	vshll.u32 v18, $0x9;
	v20 =	vadd.s32 v35, v20;
	vm12 =	vnez.u8 v59  }
0x218: {  	v18 =	vadd.s32 v35, v18;
	v61 =	vimm.s32 $0x16  }
0x219: {  	[tilespmem:v63+s31+$0x0] =	vst.idx.msk vm15, v61;
	v63 =	vimm.s32 $0x17  }
0x21a: {  	v32 =	vimm.s32 $0x18;
	[tilespmem:v36+s31+$0x0] =	vst.idx.msk vm4, v63  }
0x21b: {  	v36 =	vimm.s32 $0x19;
	[tilespmem:v5+s31+$0x0] =	vst.idx.msk vm8, v32  }
0x21c: {  	v13 =	vimm.s32 $0x1A;
	[tilespmem:v20+s31+$0x0] =	vst.idx.msk vm10, v36  }
0x21d: {  	[tilespmem:v18+s31+$0x0] =	vst.idx.msk vm12, v13;
	v18 =	vld [tilespmem:$0x1F730];
	_ =	sdelay $0x4  }
0x21e: {  	vm13 =	vnez.u8 v18;
	v18 =	vld [tilespmem:$0x1F740];
	_ =	sdelay $0x3  }
0x21f: {  	v15 =	vshll.u32 v15, $0x9  }
0x220: {  	v14 =	vshll.u32 v14, $0x9;
	v15 =	vadd.s32 v35, v15;
	vm10 =	vnez.u8 v18  }
0x221: {  	v14 =	vadd.s32 v35, v14;
	_ =	sdelay $0x2  }
0x222: {  	v58 =	vimm.s32 $0x1B  }
0x223: {  	v57 =	vimm.s32 $0x1C;
	[tilespmem:v15+s31+$0x0] =	vst.idx.msk vm13, v58;
	v15 =	vor.u32 $0x400, v17  }
0x224: {  	[tilespmem:v14+s31+$0x0] =	vst.idx.msk vm10, v57;
	v14 =	vor.u32 s5, v15;
	v15 =	vld [tilespmem:$0x1F750];
	_ =	sdelay $0x3  }
0x225: {  	v63 =	vld [tilespmem:$0x1F760]  }
0x226: {  	vm12 =	vnez.u8 v15;
	_ =	sdelay $0x3  }
0x227: {  	v11 =	vshll.u32 v11, $0x9;
	vm13 =	vnez.u8 v63  }
0x228: {  	v11 =	vadd.s32 v35, v11;
	v18 =	vimm.s32 $0x1D  }
0x229: {  	v15 =	vor.u32 $0x800, v17;
	[tilespmem:v37+s31+$0x0] =	vst.idx.msk vm12, v18;
	v18 =	vor.u32 $0xA00, v17  }
0x22a: {  	v26 =	vor.u32 s5, v15;
	v15 =	vor.u32 s5, v18;
	v18 =	vld [tilespmem:$0x1F770]  }
0x22b: {  	v37 =	vld [tilespmem:$0x1F780]  }
0x22c: {  	v61 =	vimm.s32 $0x1E;
	v59 =	vld [tilespmem:$0x1F790]  }
0x22d: {  	v8 =	vshll.u32 v8, $0x9;
	vm11 =	vmor vm1, vm0;
	vm0 =	vgt.s32 v28, $0xD;
	[tilespmem:v11+s31+$0x0] =	vst.idx.msk vm13, v61;
	v61 =	vld [tilespmem:$0x1F7A0]  }
0x22e: {  	v10 =	vshll.u32 v10, $0x9;
	vm15 =	vle.s32 v12, v54;
	vm8 =	vmneg vm0  }
0x22f: {  	v1 =	vsel vm3, v7, v6;
	vm3 =	vmand vm8, vm15;
	vm15 =	vnez.u8 v18  }
0x230: {  	v10 =	vadd.s32 v35, v10;
	v62 =	vor.u32 $0x600, v17;
	vm4 =	vnez.u8 v37  }
0x231: {  	v8 =	vadd.s32 v35, v8;
	v5 =	vor.u32 s5, v62;
	v62 =	vld [tilespmem:$0x1F7B0];
	vm8 =	vnez.u8 v59  }
0x232: {  	v13 =	vor.u32 $0x200, v17;
	v63 =	vld [tilespmem:$0x1F7C0];
	vm10 =	vnez.u8 v61  }
0x233: {  	v13 =	vor.u32 s5, v13  }
0x234: {  	v60 =	vimm.s32 $0x1F  }
0x235: {  	v32 =	vimm.s32 $0x20;
	[tilespmem:v10+s31+$0x0] =	vst.idx.msk vm15, v60  }
0x236: {  	vm12 =	vlt.u32 v9, $0xE;
	vm13 =	vnez.u8 v62;
	[tilespmem:v8+s31+$0x0] =	vst.idx.msk vm4, v32  }
0x237: {  	vm15 =	vmand vm0, vm12;
	vm12 =	vnez.u8 v63;
	[tilespmem:v35+s31+$0x0] =	vst.idx.msk vm8, v19  }
0x238: {  	[tilespmem:v13+s31+$0x0] =	vst.idx.msk vm10, v22;
	v22 =	vld [tilespmem:$0x1F7D0];
	_ =	sdelay $0x3  }
0x239: {  	[tilespmem:v14+s31+$0x0] =	vst.idx.msk vm13, v24  }
0x23a: {  	v24 =	vld [tilespmem:$0x1F7E0];
	[tilespmem:v5+s31+$0x0] =	vst.idx.msk vm12, v25;
	vm12 =	vnez.u8 v22  }
0x23b: {  	vm10 =	vle.s32 v12, v56;
	vm13 =	vle.s32 v12, v55;
	v12 =	vld [tilespmem:$0x1F7F0];
	_ =	sdelay $0x1  }
0x23c: {  	v2 =	vsel vm2, v7, v6;
	vm2 =	vgt.s32 v28, $0xE  }
0x23d: {  	vm3 =	vmor vm15, vm3;
	vm15 =	vmneg vm2  }
0x23e: {  	vm4 =	vmand vm15, vm13;
	vm15 =	vnez.u8 v24  }
0x23f: {  	v34 =	vor.u32 $0xC00, v17;
	[tilespmem:v26+s31+$0x0] =	vst.idx.msk vm12, v29;
	vm12 =	vnez.u8 v12  }
0x240: {  	v57 =	vor.u32 s5, v34;
	v32 =	vld [tilespmem:$0x1F800];
	_ =	sdelay $0x3  }
0x241: {  	[tilespmem:v15+s31+$0x0] =	vst.idx.msk vm15, v27  }
0x242: {  	v18 =	vor.u32 $0xE00, v17;
	[tilespmem:v57+s31+$0x0] =	vst.idx.msk vm12, v3;
	vm12 =	vnez.u8 v32  }
0x243: {  	v58 =	vor.u32 s5, v18;
	v35 =	vld [tilespmem:$0x1F810];
	_ =	sdelay $0x3  }
0x244: {  	vm1 =	vgt.s32 v28, $0xF  }
0x245: {  	v36 =	vor.u32 $0x1000, v17;
	v34 =	vor.u32 $0x1A00, v17;
	[tilespmem:v58+s31+$0x0] =	vst.idx.msk vm12, v4;
	vm12 =	vnez.u8 v35  }
0x246: {  	v18 =	vor.u32 s5, v36;
	v60 =	vor.u32 $0x1400, v17;
	v19 =	vor.u32 $0x1200, v17  }
0x247: {  	v13 =	vor.u32 s5, v19;
	v14 =	vor.u32 $0x1600, v17;
	vm13 =	vlt.u32 v9, $0xF  }
0x248: {  	v19 =	vor.u32 s5, v60;
	v23 =	vor.u32 s5, v14;
	vm8 =	vmand vm2, vm13  }
0x249: {  	v25 =	vor.u32 $0x1800, v17;
	vm4 =	vmor vm8, vm4;
	vm8 =	vmneg vm1  }
0x24a: {  	vm8 =	vmand vm8, vm10;
	vm10 =	vlt.u32 v9, $0x10;
	v26 =	vor.u32 s5, v25  }
0x24b: {  	v37 =	vor.u32 $0x1C00, v17;
	v36 =	vor.u32 s5, v34;
	vm10 =	vmand vm1, vm10;
	[tilespmem:v18+s31+$0x0] =	vst.idx.msk vm12, v0  }
0x24c: {  	vm8 =	vmor vm10, vm8;
	v57 =	vor.u32 s5, v37;
	v58 =	vor.u32 $0x1E00, v17;
	[tilespmem:v13+s31+$0x0] =	vst.idx.msk vm14, v1  }
0x24d: {  	p0 =	sne.s32 s5, $0x1F0;
	v59 =	vsel vm6, v7, v6;
	v4 =	vor.u32 s5, v58;
	[tilespmem:v19+s31+$0x0] =	vst.idx.msk vm7, v2  }
.Ltmp0:
0x24e: {  	v60 =	vsel vm5, v7, v6;
	[tilespmem:v23+s31+$0x0] =	vst.idx.msk vm9, v59;
	(pc) =	sbr.rel @p0 .LBB2_2-.Ltmp0, $4  }
0x24f: {  	v61 =	vsel vm0, v7, v6;
	[tilespmem:v26+s31+$0x0] =	vst.idx.msk vm11, v60  }
0x250: {  	v62 =	vsel vm2, v7, v6;
	[tilespmem:v36+s31+$0x0] =	vst.idx.msk vm3, v61  }
0x251: {  	v63 =	vsel vm1, v7, v6;
	[tilespmem:v57+s31+$0x0] =	vst.idx.msk vm4, v62  }
0x252: {  	s3 =	sadd.s32 $0x40, s3;
	v33 =	vimm.s32 $0x21;
	v15 =	vimm.s32 $0x10;
	s5 =	sadd.s32 $0x10, s5;
	[tilespmem:v4+s31+$0x0] =	vst.idx.msk vm8, v63  }
0x253: {  	[hbm4b:s6+s0] =	stream.strided.scatter [tilespmem:s31], [sflag:$0x1], $0x200, s1, s0, $0x38;
	[tilespmem:$0x2C80] =	vst v63  }
0x254: {  	_ =	swait.ge [sflag:s24], $0x200  }
0x255: {  	[sflag:s24] =	ssyncset.done $0x0  }
0x256: {  	s5 =	simm.s32 $0xE80;
	s3 =	rddreg [dreg:$0x6];
	[sflag:s24] =	ssyncadd.s32 $0xFFFFFE00  }
0x257: {  	[hbm4b:s3+s0] =	stream.strided.scatter [tilespmem:s5], [sflag:$0x1], $0x200, s1, s0, $0x38;
	[tilespmem:$0x2C80] =	vst v63  }
0x258: {  	_ =	swait.ge [sflag:s24], $0x200  }
0x259: {  	[sflag:s24] =	ssyncset.done $0x0  }
0x25a: {  	s8 =	simm.s32 $0x1080;
	s5 =	rddreg [dreg:$0x7];
	[sflag:s24] =	ssyncadd.s32 $0xFFFFFE00  }
0x25b: {  	[hbm4b:s5+s0] =	stream.strided.scatter [tilespmem:s8], [sflag:$0x1], $0x200, s1, s0, $0x38;
	[tilespmem:$0x2C80] =	vst v63  }
0x25c: {  	_ =	swait.ge [sflag:s24], $0x200  }
0x25d: {  	[sflag:s24] =	ssyncset.done $0x0  }
0x25e: {  	s9 =	simm.s32 $0x1280;
	[sflag:s24] =	ssyncadd.s32 $0xFFFFFE00  }
0x25f: {  	[hbm4b:s10+s0] =	stream.strided.scatter [tilespmem:s9], [sflag:$0x1], $0x200, s1, s0, $0x38;
	[tilespmem:$0x2C80] =	vst v63  }
0x260: {  	_ =	swait.ge [sflag:s24], $0x200  }
0x261: {  	[sflag:s24] =	ssyncset.done $0x0  }
0x262: {  	s5 =	simm.s32 $0x1480;
	[sflag:s24] =	ssyncadd.s32 $0xFFFFFE00  }
0x263: {  	[hbm4b:s11+s0] =	stream.strided.scatter [tilespmem:s5], [sflag:$0x1], $0x200, s1, s0, $0x38;
	[tilespmem:$0x2C80] =	vst v63  }
0x264: {  	_ =	swait.ge [sflag:s24], $0x200  }
0x265: {  	[sflag:s24] =	ssyncset.done $0x0  }
0x266: {  	s8 =	simm.s32 $0x1680;
	[sflag:s24] =	ssyncadd.s32 $0xFFFFFE00  }
0x267: {  	[hbm4b:s12+s0] =	stream.strided.scatter [tilespmem:s8], [sflag:$0x1], $0x200, s1, s0, $0x38;
	[tilespmem:$0x2C80] =	vst v63  }
0x268: {  	_ =	swait.ge [sflag:s24], $0x200  }
0x269: {  	[sflag:s24] =	ssyncset.done $0x0  }
0x26a: {  	s9 =	simm.s32 $0x1880;
	[sflag:s24] =	ssyncadd.s32 $0xFFFFFE00  }
0x26b: {  	[hbm4b:s13+s0] =	stream.strided.scatter [tilespmem:s9], [sflag:$0x1], $0x200, s1, s0, $0x38;
	[tilespmem:$0x2C80] =	vst v63  }
0x26c: {  	_ =	swait.ge [sflag:s24], $0x200  }
0x26d: {  	[sflag:s24] =	ssyncset.done $0x0  }
0x26e: {  	s5 =	simm.s32 $0x1A80;
	[sflag:s24] =	ssyncadd.s32 $0xFFFFFE00  }
0x26f: {  	[hbm4b:s14+s0] =	stream.strided.scatter [tilespmem:s5], [sflag:$0x1], $0x200, s1, s0, $0x38;
	[tilespmem:$0x2C80] =	vst v63  }
0x270: {  	_ =	swait.ge [sflag:s24], $0x200  }
0x271: {  	[sflag:s24] =	ssyncset.done $0x0  }
0x272: {  	s8 =	simm.s32 $0x1C80;
	[sflag:s24] =	ssyncadd.s32 $0xFFFFFE00  }
0x273: {  	[hbm4b:s15+s0] =	stream.strided.scatter [tilespmem:s8], [sflag:$0x1], $0x200, s1, s0, $0x38;
	[tilespmem:$0x2C80] =	vst v63  }
0x274: {  	_ =	swait.ge [sflag:s24], $0x200  }
0x275: {  	[sflag:s24] =	ssyncset.done $0x0  }
0x276: {  	s9 =	simm.s32 $0x1E80;
	[sflag:s24] =	ssyncadd.s32 $0xFFFFFE00  }
0x277: {  	[hbm4b:s16+s0] =	stream.strided.scatter [tilespmem:s9], [sflag:$0x1], $0x200, s1, s0, $0x38;
	[tilespmem:$0x2C80] =	vst v63  }
0x278: {  	_ =	swait.ge [sflag:s24], $0x200  }
0x279: {  	[sflag:s24] =	ssyncset.done $0x0  }
0x27a: {  	s5 =	simm.s32 $0x2080;
	[sflag:s24] =	ssyncadd.s32 $0xFFFFFE00  }
0x27b: {  	[hbm4b:s17+s0] =	stream.strided.scatter [tilespmem:s5], [sflag:$0x1], $0x200, s1, s0, $0x38;
	[tilespmem:$0x2C80] =	vst v63  }
0x27c: {  	_ =	swait.ge [sflag:s24], $0x200  }
0x27d: {  	[sflag:s24] =	ssyncset.done $0x0  }
0x27e: {  	s8 =	simm.s32 $0x2280;
	[sflag:s24] =	ssyncadd.s32 $0xFFFFFE00  }
0x27f: {  	[hbm4b:s18+s0] =	stream.strided.scatter [tilespmem:s8], [sflag:$0x1], $0x200, s1, s0, $0x38;
	[tilespmem:$0x2C80] =	vst v63  }
0x280: {  	_ =	swait.ge [sflag:s24], $0x200  }
0x281: {  	[sflag:s24] =	ssyncset.done $0x0  }
0x282: {  	s9 =	simm.s32 $0x2480;
	[sflag:s24] =	ssyncadd.s32 $0xFFFFFE00  }
0x283: {  	[hbm4b:s19+s0] =	stream.strided.scatter [tilespmem:s9], [sflag:$0x1], $0x200, s1, s0, $0x38;
	[tilespmem:$0x2C80] =	vst v63  }
0x284: {  	_ =	swait.ge [sflag:s24], $0x200  }
0x285: {  	[sflag:s24] =	ssyncset.done $0x0  }
0x286: {  	s5 =	simm.s32 $0x2680;
	[sflag:s24] =	ssyncadd.s32 $0xFFFFFE00  }
0x287: {  	[hbm4b:s20+s0] =	stream.strided.scatter [tilespmem:s5], [sflag:$0x1], $0x200, s1, s0, $0x38;
	[tilespmem:$0x2C80] =	vst v63  }
0x288: {  	_ =	swait.ge [sflag:s24], $0x200  }
0x289: {  	[sflag:s24] =	ssyncset.done $0x0  }
0x28a: {  	s8 =	simm.s32 $0x2880;
	[sflag:s24] =	ssyncadd.s32 $0xFFFFFE00  }
0x28b: {  	[hbm4b:s21+s0] =	stream.strided.scatter [tilespmem:s8], [sflag:$0x1], $0x200, s1, s0, $0x38;
	[tilespmem:$0x2C80] =	vst v63  }
0x28c: {  	s30 =	sadd.s32 $0x1, s30;
	_ =	swait.ge [sflag:s24], $0x200  }
0x28d: {  	p0 =	sne.s32 s30, s23;
	[sflag:s24] =	ssyncset.done $0x0  }
.Ltmp1:
0x28e: {  	s9 =	simm.s32 $0x2A80;
	[sflag:s24] =	ssyncadd.s32 $0xFFFFFE00;
	(pc) =	sbr.rel @p0 .LBB2_1-.Ltmp1, $4  }
0x28f: {  	[hbm4b:s22+s0] =	stream.strided.scatter [tilespmem:s9], [sflag:$0x1], $0x200, s1, s0, $0x38;
	[tilespmem:$0x2C80] =	vst v63  }
0x290: {  	_ =	swait.ge [sflag:s24], $0x200  }
0x291: {  	[sflag:s24] =	ssyncset.done $0x0  }
0x292: {  	[sflag:s24] =	ssyncadd.s32 $0xFFFFFE00  }
0x293: {  	_ =	sfence.sel $0x180000  }
0x294: {  	[bflag:$0x0] =	sbarrier.arrive $0xFFFF  }
0x295: {  	_ =	strace $0x90000047  }
0x296: {  	s0 =	stileid.u32;
	[bflag:$0x2] =	sbarrier.arrive $0xFFFF  }
0x297: {  	p0 =	sne.s32 s0, $0x0;
	s0 =	rddreg [dreg:$0x3]  }
0x298: {  	s0 =	sadd.s32 @!p0 $0x100000, s0  }
0x299: {  	[sflag:s0] =	ssyncadd.tile.s32 @!p0 $0x1;
	_ =	shalt  }
.Lfunc_end2:
_tile_overlayer_lowered:
.L_overlay_start_2:
0x29a: {  	(tag) =	ssettag $0x2  }
0x29b: {  	s0 =	rddreg [dreg:$0x0];
	s2 =	stileid.u32  }
0x29c: {  	s1 =	rddreg [dreg:$0x1];
	p0 =	sne.s32 s2, $0x0  }
0x29d: {  	s3 =	rddreg [dreg:$0x2];
	[bflag:$0x3] =	sbarrier.arrive $0xFFFF;
	s2 =	simm.s32 @!p0 $0x1C01  }
0x29e: {  	[timem:s3], [sflag:s2] =	dma.local @!p0 [hbm:s0], s1  }
0x29f: {  	s0 =	simm.s32 @!p0 $0x1  }
0x2a0: {  	_ =	swait.ge @!p0 [sflag:s0], s1  }
0x2a1: {  	s1 =	ssub.s32 @!p0 $0x0, s1;
	[sflag:s0] =	ssyncset.done @!p0 $0x0  }
0x2a2: {  	[sflag:s0] =	ssyncadd.s32 @!p0 s1  }
0x2a3: {  	[bflag:$0x3] =	sbarrier.arrive $0xFFFF  }
0x2a4: {  	_ =	shalt  }

</sc_bundles>
